<compile_context>
chip_gen: v7x
topology: tpu7x:2x2x1
jax: 0.10.2.dev20260603
libtpu: 0.0.44.dev20260713+nightly
codegen_flags: <defaults>
</compile_context>

<pallas_src>
import functools

import jax
import jax.numpy as jnp
from jax import lax
from jax.experimental import pallas as pl
from jax.experimental.pallas import tpu as pltpu
from jax.experimental.pallas import tpu_sc as plsc

N = 10000
E = 320000
F = 128
D = 32
C = 16

NW = 32
CHUNK = 128
NCHT = E // CHUNK
T1 = 1240
NCH0 = 79
NCH1 = 78
NPAD = 10112
RPT = NPAD // 16


RING = 6


def _seg_kernel_body(y_hbm, edge_hbm, out_hbm,
                     src_v, dst_v, rows, stage, acc, sem, scsem, sem_i):
    c = lax.axis_index("c")
    s = lax.axis_index("s")
    base = jnp.where(c == 0, T1 + s * 78 + jnp.maximum(s - 4, 0),
                     s * 77 + jnp.maximum(s - 8, 0))
    nch = jnp.where(c == 0, 78 + (s >= 4).astype(jnp.int32),
                    77 + (s >= 8).astype(jnp.int32))

    @pl.when(c == 0)
    def _():
        pltpu.async_copy(edge_hbm.at[0, pl.ds(base, NCH0)],
                         src_v.at[pl.ds(0, NCH0)], sem_i)
        pltpu.async_copy(edge_hbm.at[1, pl.ds(base, NCH0)],
                         dst_v.at[pl.ds(0, NCH0)], sem_i)

    @pl.when(c == 1)
    def _():
        pltpu.async_copy(edge_hbm.at[0, pl.ds(base, NCH1)],
                         src_v.at[pl.ds(0, NCH1)], sem_i)
        pltpu.async_copy(edge_hbm.at[1, pl.ds(base, NCH1)],
                         dst_v.at[pl.ds(0, NCH1)], sem_i)

    zero = jnp.zeros((16,), jnp.float32)

    def zrow(i, _):
        stage[i, pl.ds(0, 16)] = zero
        stage[i, pl.ds(16, 16)] = zero
        return 0

    lax.fori_loop(0, RPT, zrow, 0)
    pltpu.sync_copy(stage, acc.at[pl.ds(s * RPT, RPT)])

    @pl.when(c == 0)
    def _():
        pltpu.make_async_copy(edge_hbm.at[0, pl.ds(0, NCH0)],
                              src_v.at[pl.ds(0, NCH0)], sem_i).wait()
        pltpu.make_async_copy(edge_hbm.at[1, pl.ds(0, NCH0)],
                              dst_v.at[pl.ds(0, NCH0)], sem_i).wait()

    @pl.when(c == 1)
    def _():
        pltpu.make_async_copy(edge_hbm.at[0, pl.ds(0, NCH1)],
                              src_v.at[pl.ds(0, NCH1)], sem_i).wait()
        pltpu.make_async_copy(edge_hbm.at[1, pl.ds(0, NCH1)],
                              dst_v.at[pl.ds(0, NCH1)], sem_i).wait()

    plsc.subcore_barrier()

    for k in range(RING - 1):
        @pl.when(nch > k)
        def _(k=k):
            pltpu.async_copy(y_hbm.at[src_v.at[k]], rows.at[k], sem.at[k])

    def step(j, _):
        m = j % RING

        @pl.when(j + RING - 1 < nch)
        def _():
            m2 = (j + RING - 1) % RING

            @pl.when(j >= 1)
            def _():
                pltpu.make_async_copy(rows.at[m2], acc.at[dst_v.at[0]],
                                      scsem.at[m2]).wait()

            pltpu.async_copy(y_hbm.at[src_v.at[j + RING - 1]],
                             rows.at[m2], sem.at[m2])

        pltpu.make_async_copy(y_hbm.at[src_v.at[0]], rows.at[m], sem.at[m]).wait()
        pltpu.async_copy(rows.at[m], acc.at[dst_v.at[j]], scsem.at[m], add=True)
        return 0

    lax.fori_loop(0, nch, step, 0)

    for k in range(RING):
        pltpu.make_async_copy(rows.at[k], acc.at[dst_v.at[0]],
                              scsem.at[k]).wait()
    plsc.subcore_barrier()

    pltpu.sync_copy(acc.at[pl.ds(s * RPT, RPT)], stage)
    pltpu.sync_copy(stage, out_hbm.at[c, pl.ds(s * RPT, RPT)])


_seg_sum = pl.kernel(
    _seg_kernel_body,
    out_type=jax.ShapeDtypeStruct((2, NPAD, D), jnp.float32),
    mesh=plsc.VectorSubcoreMesh(core_axis_name="c", subcore_axis_name="s"),
    scratch_types=[
        pltpu.VMEM((NCH0, CHUNK), jnp.int32),
        pltpu.VMEM((NCH0, CHUNK), jnp.int32),
        pltpu.VMEM((RING, CHUNK, D), jnp.float32),
        pltpu.VMEM((RPT, D), jnp.float32),
        pltpu.VMEM_SHARED((NPAD, D), jnp.float32),
        pltpu.SemaphoreType.DMA((RING,)),
        pltpu.SemaphoreType.DMA((RING,)),
        pltpu.SemaphoreType.DMA,
    ],
    compiler_params=pltpu.CompilerParams(use_tc_tiling_on_sc=False),
)


NR = N // 4


def _mm_body(x_ref, w_ref, o_ref):
    for g in range(4):
        o_ref[:, D * g:D * (g + 1)] = jnp.dot(
            x_ref[NR * g:NR * (g + 1), :], w_ref[...],
            preferred_element_type=jnp.float32)


_proj = pl.pallas_call(
    _mm_body,
    out_shape=jax.ShapeDtypeStruct((NR, 4 * D), jnp.float32),
)


def _fold_stats(r):
    cs = jnp.sum(r, axis=0, keepdims=True)
    css = jnp.sum(r * r, axis=0, keepdims=True)
    s32 = cs[:, 0:32] + cs[:, 32:64] + cs[:, 64:96] + cs[:, 96:128]
    ss32 = css[:, 0:32] + css[:, 32:64] + css[:, 64:96] + css[:, 96:128]
    m = jnp.concatenate([s32] * 4, axis=1) * (1.0 / N)
    ms2 = jnp.concatenate([ss32] * 4, axis=1) * (1.0 / N)
    return m, ms2


def _bn128(r, g, b):
    m, ms2 = _fold_stats(r)
    v = ms2 - m * m
    return (r - m) * jax.lax.rsqrt(v + 1e-5) * g + b


def _gin128(y, parts, b_a, w_b, b_b):
    agg = parts[0, :NR, :] + parts[1, :NR, :]
    z = jnp.maximum(y + agg + b_a, 0.0)
    return jnp.dot(z, w_b, preferred_element_type=jnp.float32) + b_b


def _mid_body(y_ref, parts_ref, b1_ref, w2_ref, b2_ref, g1_ref, be1_ref,
              w3_ref, o_ref):
    h = jnp.maximum(_gin128(y_ref[...], parts_ref[...], b1_ref[...],
                            w2_ref[...], b2_ref[...]), 0.0)
    h = _bn128(h, g1_ref[...], be1_ref[...])
    o_ref[...] = jnp.dot(h, w3_ref[...], preferred_element_type=jnp.float32)


_mid = pl.pallas_call(
    _mid_body,
    out_shape=jax.ShapeDtypeStruct((NR, 4 * D), jnp.float32),
)


def _tail_body(y_ref, parts_ref, b3_ref, w4_ref, b4_ref, g2_ref, be2_ref,
               wf1_ref, bf1_ref, wf2_ref, bf2_ref, o_ref):
    h = jnp.maximum(_gin128(y_ref[...], parts_ref[...], b3_ref[...],
                            w4_ref[...], b4_ref[...]), 0.0)
    h = _bn128(h, g2_ref[...], be2_ref[...])
    f = jnp.maximum(
        jnp.dot(h, wf1_ref[...], preferred_element_type=jnp.float32)
        + bf1_ref[...], 0.0)
    logits = jnp.dot(f, wf2_ref[...], preferred_element_type=jnp.float32) \
        + bf2_ref[...]
    r64 = jax.lax.broadcasted_iota(jnp.int32, (4 * C, 4 * C), 0) // C
    c64 = jax.lax.broadcasted_iota(jnp.int32, (4 * C, 4 * C), 1) // C
    ones_blk = (r64 == c64).astype(jnp.float32)
    se = jnp.dot(jnp.exp(logits), ones_blk, preferred_element_type=jnp.float32)
    o_ref[...] = logits - jnp.log(se)


_tail = pl.pallas_call(
    _tail_body,
    out_shape=jax.ShapeDtypeStruct((NR, 4 * C), jnp.float32),
)


def _bdiag4(w):
    return jax.scipy.linalg.block_diag(w, w, w, w)


def kernel(x, edge_index, W1, b1, W2, b2, g1, be1, W3, b3, W4, b4, g2, be2,
           Wf1, bf1, Wf2, bf2):
    er = edge_index.reshape(2, NCHT, CHUNK)
    q = ((er >= NR).astype(jnp.int32)
         + (er >= 2 * NR).astype(jnp.int32)
         + (er >= 3 * NR).astype(jnp.int32))
    edges = er * 4 - (4 * NR - 1) * q

    W2b, W3b, W4b, Wf1b = _bdiag4(W2), _bdiag4(W3), _bdiag4(W4), _bdiag4(Wf1)
    Wf2b = _bdiag4(Wf2)
    b1t, b2t, b3t, b4t = (jnp.tile(v, 4).reshape(1, 4 * D)
                          for v in (b1, b2, b3, b4))
    g1t, be1t, g2t, be2t = (jnp.tile(v, 4).reshape(1, 4 * D)
                            for v in (g1, be1, g2, be2))
    bf1t = jnp.tile(bf1, 4).reshape(1, 4 * D)
    bf2t = jnp.tile(bf2, 4).reshape(1, 4 * C)

    y1 = _proj(x, W1)
    parts1 = _seg_sum(y1.reshape(N, D), edges)
    y2 = _mid(y1, parts1.reshape(2, NPAD // 4, 4 * D), b1t, W2b, b2t, g1t,
              be1t, W3b)
    parts2 = _seg_sum(y2.reshape(N, D), edges)
    out = _tail(y2, parts2.reshape(2, NPAD // 4, 4 * D), b3t, W4b, b4t, g2t,
                be2t, Wf1b, bf1t, Wf2b, bf2t)
    return jnp.swapaxes(out.reshape(NR, 4, C), 0, 1).reshape(N, C)

# --- scband reference (transcript-rebuilt; emitter-appended) ---
"""Pipeline reference for scband-ginnet-61950608278029 (READ-ONLY COPY).

The authoritative reference and input builder live on the scoring server;
editing this copy changes nothing except your own understanding.
"""

import jax, jax.numpy as jnp
import numpy as np

N, E, F, D, C = 10000, 320000, 128, 32, 16

def setup_inputs(seed: int = 0):
    key = jax.random.key(seed)
    ks = jax.random.split(key, 10)
    s = 0.1
    return {
        "x": jax.random.normal(ks[0], (N, F), dtype=jnp.float32),
        "edge_index": jax.random.randint(ks[1], (2, E), 0, N, dtype=jnp.int32),
        "W1": jax.random.normal(ks[2], (F, D), dtype=jnp.float32) * s,
        "b1": jnp.zeros((D,), dtype=jnp.float32),
        "W2": jax.random.normal(ks[3], (D, D), dtype=jnp.float32) * s,
        "b2": jnp.zeros((D,), dtype=jnp.float32),
        "g1": jnp.ones((D,), dtype=jnp.float32),
        "be1": jnp.zeros((D,), dtype=jnp.float32),
        "W3": jax.random.normal(ks[4], (D, D), dtype=jnp.float32) * s,
        "b3": jnp.zeros((D,), dtype=jnp.float32),
        "W4": jax.random.normal(ks[5], (D, D), dtype=jnp.float32) * s,
        "b4": jnp.zeros((D,), dtype=jnp.float32),
        "g2": jnp.ones((D,), dtype=jnp.float32),
        "be2": jnp.zeros((D,), dtype=jnp.float32),
        "Wf1": jax.random.normal(ks[6], (D, D), dtype=jnp.float32) * s,
        "bf1": jnp.zeros((D,), dtype=jnp.float32),
        "Wf2": jax.random.normal(ks[7], (D, C), dtype=jnp.float32) * s,
        "bf2": jnp.zeros((C,), dtype=jnp.float32),
    }

def _bn(h, g, b):
    m = jnp.mean(h, axis=0)
    v = jnp.var(h, axis=0)
    return (h - m) / jnp.sqrt(v + 1e-5) * g + b

def _gin(h, src, dst, Wa, ba, Wb, bb):
    agg = jax.ops.segment_sum(h[src], dst, num_segments=h.shape[0])
    z = h + agg  # (1 + eps) * x with eps = 0
    z = jnp.maximum(z @ Wa + ba, 0.0) @ Wb + bb
    return z

def reference(x, edge_index, W1, b1, W2, b2, g1, be1, W3, b3, W4, b4, g2, be2, Wf1, bf1, Wf2, bf2):
    src = edge_index[0]
    dst = edge_index[1]
    h = _gin(x, src, dst, W1, b1, W2, b2)
    h = jnp.maximum(h, 0.0)
    h = _bn(h, g1, be1)
    h = _gin(h, src, dst, W3, b3, W4, b4)
    h = jnp.maximum(h, 0.0)
    h = _bn(h, g2, be2)
    h = jnp.maximum(h @ Wf1 + bf1, 0.0)
    # dropout is identity in deterministic/eval mode
    h = h @ Wf2 + bf2
    return jax.nn.log_softmax(h, axis=1)

if __name__ == "__main__":
    import jax
    _d = setup_inputs()
    print(jax.jit(kernel)(*tuple(_d.values())))

</pallas_src>

<mosaic_0001>
#map = affine_map<(d0, d1) -> (0, 0)>
#map1 = affine_map<(d0, d1) -> (0, 0, 0)>
module attributes {stable_mosaic.version = 14 : i64} {
  func.func @_seg_kernel_body(%arg0: i32, %arg1: i32, %arg2: memref<10000x32xf32, #tpu.memory_space<hbm>>, %arg3: memref<2x2500x128xi32, #tpu.memory_space<hbm>>, %arg4: memref<2x10112x32xf32, #tpu.memory_space<hbm>>, %arg5: memref<79x128xi32, #tpu.memory_space<vmem>>, %arg6: memref<79x128xi32, #tpu.memory_space<vmem>>, %arg7: memref<6x128x32xf32, #tpu.memory_space<vmem>>, %arg8: memref<632x32xf32, #tpu.memory_space<vmem>>, %arg9: memref<10112x32xf32, #tpu.memory_space<vmem_shared>>, %arg10: memref<6x!tpu.dma_semaphore, #tpu.memory_space<semaphore_mem>>, %arg11: memref<6x!tpu.dma_semaphore, #tpu.memory_space<semaphore_mem>>, %arg12: memref<!tpu.dma_semaphore, #tpu.memory_space<semaphore_mem>>) attributes {dimension_semantics = [#tpu.dimension_semantics<core_parallel>, #tpu.dimension_semantics<subcore_parallel>], iteration_bounds = array<i64: 2, 16>, scalar_prefetch = 0 : i64, scratch_operands = 8 : i64, tpu.core_type = #tpu.core_type<sc_vector_subcore>, window_params = [{transform_indices = #map}, {transform_indices = #map1}, {transform_indices = #map1}]} {
    %eq3A = arith.constant 0 : i32
    %eq3A_0 = arith.cmpi eq, %arg0, %eq3A : i32
    %mul3A = arith.constant 78 : i32
    %mul3A_1 = arith.muli %arg1, %mul3A : i32
    %add3A = arith.constant 1240 : i32
    %add3A_2 = arith.addi %add3A, %mul3A_1 : i32
    %sub3A = arith.constant 4 : i32
    %sub3A_3 = arith.subi %arg1, %sub3A : i32
    %max3A = arith.constant 0 : i32
    %max3A_4 = arith.maxsi %sub3A_3, %max3A : i32
    %add3A_5 = arith.addi %add3A_2, %max3A_4 : i32
    %mul3A_6 = arith.constant 77 : i32
    %mul3A_7 = arith.muli %arg1, %mul3A_6 : i32
    %sub3A_8 = arith.constant 8 : i32
    %sub3A_9 = arith.subi %arg1, %sub3A_8 : i32
    %max3A_10 = arith.constant 0 : i32
    %max3A_11 = arith.maxsi %sub3A_9, %max3A_10 : i32
    %add3A_12 = arith.addi %mul3A_7, %max3A_11 : i32
    %select_n3A = arith.select %eq3A_0, %add3A_5, %add3A_12 : i32
    %eq3A_13 = arith.constant 0 : i32
    %eq3A_14 = arith.cmpi eq, %arg0, %eq3A_13 : i32
    %ge3A = arith.constant 4 : i32
    %ge3A_15 = arith.cmpi sge, %arg1, %ge3A : i32
    %convert_element_type3A = arith.extui %ge3A_15 : i1 to i32
    %add3A_16 = arith.constant 78 : i32
    %add3A_17 = arith.addi %add3A_16, %convert_element_type3A : i32
    %ge3A_18 = arith.constant 8 : i32
    %ge3A_19 = arith.cmpi sge, %arg1, %ge3A_18 : i32
    %convert_element_type3A_20 = arith.extui %ge3A_19 : i1 to i32
    %add3A_21 = arith.constant 77 : i32
    %add3A_22 = arith.addi %add3A_21, %convert_element_type3A_20 : i32
    %select_n3A_23 = arith.select %eq3A_14, %add3A_17, %add3A_22 : i32
    %eq3A_24 = arith.constant 0 : i32
    %eq3A_25 = arith.cmpi eq, %arg0, %eq3A_24 : i32
    %convert_element_type3A_26 = arith.extui %eq3A_25 : i1 to i32
    %cond3A = arith.constant 0 : i32
    %cond3A_27 = arith.cmpi ne, %convert_element_type3A_26, %cond3A : i32
    scf.if %cond3A_27 {
      %dma_start3A = arith.constant 0 : i32
      %dma_start3A_181 = arith.constant 0 : i32
      %dma_start3A_182 = arith.constant 0 : i32
      %dma_start3A_183 = tpu.memref_slice %arg5[%dma_start3A_181, %dma_start3A_182] : memref<79x128xi32, #tpu.memory_space<vmem>> -> memref<79x128xi32, #tpu.memory_space<vmem>>
      %dma_start3A_184 = arith.constant 0 : i32
      %dma_start3A_185 = tpu.memref_slice %arg3[%dma_start3A, %select_n3A, %dma_start3A_184] : memref<2x2500x128xi32, #tpu.memory_space<hbm>> -> memref<1x79x128xi32, #tpu.memory_space<hbm>>
      %dma_start3A_186 = tpu.memref_squeeze %dma_start3A_185 : memref<1x79x128xi32, #tpu.memory_space<hbm>> -> memref<79x128xi32, #tpu.memory_space<hbm>>
      %dma_start3A_187 = arith.constant 0 : i32
      %dma_start3A_188 = arith.constant 0 : i32
      %dma_start3A_189 = tpu.memref_slice %arg5[%dma_start3A_187, %dma_start3A_188] : memref<79x128xi32, #tpu.memory_space<vmem>> -> memref<79x128xi32, #tpu.memory_space<vmem>>
      %dma_start3A_190 = arith.constant 0 : i32
      %dma_start3A_191 = tpu.memref_slice %arg3[%dma_start3A, %select_n3A, %dma_start3A_190] : memref<2x2500x128xi32, #tpu.memory_space<hbm>> -> memref<1x79x128xi32, #tpu.memory_space<hbm>>
      %dma_start3A_192 = tpu.memref_squeeze %dma_start3A_191 : memref<1x79x128xi32, #tpu.memory_space<hbm>> -> memref<79x128xi32, #tpu.memory_space<hbm>>
      tpu.enqueue_dma source(%dma_start3A_192 : memref<79x128xi32, #tpu.memory_space<hbm>>) target(%dma_start3A_189 : memref<79x128xi32, #tpu.memory_space<vmem>>) target_semaphore(%arg12 : memref<!tpu.dma_semaphore, #tpu.memory_space<semaphore_mem>>)
      %dma_start3A_193 = arith.constant 1 : i32
      %dma_start3A_194 = arith.constant 0 : i32
      %dma_start3A_195 = arith.constant 0 : i32
      %dma_start3A_196 = tpu.memref_slice %arg6[%dma_start3A_194, %dma_start3A_195] : memref<79x128xi32, #tpu.memory_space<vmem>> -> memref<79x128xi32, #tpu.memory_space<vmem>>
      %dma_start3A_197 = arith.constant 0 : i32
      %dma_start3A_198 = tpu.memref_slice %arg3[%dma_start3A_193, %select_n3A, %dma_start3A_197] : memref<2x2500x128xi32, #tpu.memory_space<hbm>> -> memref<1x79x128xi32, #tpu.memory_space<hbm>>
      %dma_start3A_199 = tpu.memref_squeeze %dma_start3A_198 : memref<1x79x128xi32, #tpu.memory_space<hbm>> -> memref<79x128xi32, #tpu.memory_space<hbm>>
      %dma_start3A_200 = arith.constant 0 : i32
      %dma_start3A_201 = arith.constant 0 : i32
      %dma_start3A_202 = tpu.memref_slice %arg6[%dma_start3A_200, %dma_start3A_201] : memref<79x128xi32, #tpu.memory_space<vmem>> -> memref<79x128xi32, #tpu.memory_space<vmem>>
      %dma_start3A_203 = arith.constant 0 : i32
      %dma_start3A_204 = tpu.memref_slice %arg3[%dma_start3A_193, %select_n3A, %dma_start3A_203] : memref<2x2500x128xi32, #tpu.memory_space<hbm>> -> memref<1x79x128xi32, #tpu.memory_space<hbm>>
      %dma_start3A_205 = tpu.memref_squeeze %dma_start3A_204 : memref<1x79x128xi32, #tpu.memory_space<hbm>> -> memref<79x128xi32, #tpu.memory_space<hbm>>
      tpu.enqueue_dma source(%dma_start3A_205 : memref<79x128xi32, #tpu.memory_space<hbm>>) target(%dma_start3A_202 : memref<79x128xi32, #tpu.memory_space<vmem>>) target_semaphore(%arg12 : memref<!tpu.dma_semaphore, #tpu.memory_space<semaphore_mem>>)
    } else {
    }
    %eq3A_28 = arith.constant 1 : i32
    %eq3A_29 = arith.cmpi eq, %arg0, %eq3A_28 : i32
    %convert_element_type3A_30 = arith.extui %eq3A_29 : i1 to i32
    %cond3A_31 = arith.constant 0 : i32
    %cond3A_32 = arith.cmpi ne, %convert_element_type3A_30, %cond3A_31 : i32
    scf.if %cond3A_32 {
      %dma_start3A = arith.constant 0 : i32
      %dma_start3A_181 = arith.constant 0 : i32
      %dma_start3A_182 = arith.constant 0 : i32
      %dma_start3A_183 = tpu.memref_slice %arg5[%dma_start3A_181, %dma_start3A_182] : memref<79x128xi32, #tpu.memory_space<vmem>> -> memref<78x128xi32, #tpu.memory_space<vmem>>
      %dma_start3A_184 = arith.constant 0 : i32
      %dma_start3A_185 = tpu.memref_slice %arg3[%dma_start3A, %select_n3A, %dma_start3A_184] : memref<2x2500x128xi32, #tpu.memory_space<hbm>> -> memref<1x78x128xi32, #tpu.memory_space<hbm>>
      %dma_start3A_186 = tpu.memref_squeeze %dma_start3A_185 : memref<1x78x128xi32, #tpu.memory_space<hbm>> -> memref<78x128xi32, #tpu.memory_space<hbm>>
      %dma_start3A_187 = arith.constant 0 : i32
      %dma_start3A_188 = arith.constant 0 : i32
      %dma_start3A_189 = tpu.memref_slice %arg5[%dma_start3A_187, %dma_start3A_188] : memref<79x128xi32, #tpu.memory_space<vmem>> -> memref<78x128xi32, #tpu.memory_space<vmem>>
      %dma_start3A_190 = arith.constant 0 : i32
      %dma_start3A_191 = tpu.memref_slice %arg3[%dma_start3A, %select_n3A, %dma_start3A_190] : memref<2x2500x128xi32, #tpu.memory_space<hbm>> -> memref<1x78x128xi32, #tpu.memory_space<hbm>>
      %dma_start3A_192 = tpu.memref_squeeze %dma_start3A_191 : memref<1x78x128xi32, #tpu.memory_space<hbm>> -> memref<78x128xi32, #tpu.memory_space<hbm>>
      tpu.enqueue_dma source(%dma_start3A_192 : memref<78x128xi32, #tpu.memory_space<hbm>>) target(%dma_start3A_189 : memref<78x128xi32, #tpu.memory_space<vmem>>) target_semaphore(%arg12 : memref<!tpu.dma_semaphore, #tpu.memory_space<semaphore_mem>>)
      %dma_start3A_193 = arith.constant 1 : i32
      %dma_start3A_194 = arith.constant 0 : i32
      %dma_start3A_195 = arith.constant 0 : i32
      %dma_start3A_196 = tpu.memref_slice %arg6[%dma_start3A_194, %dma_start3A_195] : memref<79x128xi32, #tpu.memory_space<vmem>> -> memref<78x128xi32, #tpu.memory_space<vmem>>
      %dma_start3A_197 = arith.constant 0 : i32
      %dma_start3A_198 = tpu.memref_slice %arg3[%dma_start3A_193, %select_n3A, %dma_start3A_197] : memref<2x2500x128xi32, #tpu.memory_space<hbm>> -> memref<1x78x128xi32, #tpu.memory_space<hbm>>
      %dma_start3A_199 = tpu.memref_squeeze %dma_start3A_198 : memref<1x78x128xi32, #tpu.memory_space<hbm>> -> memref<78x128xi32, #tpu.memory_space<hbm>>
      %dma_start3A_200 = arith.constant 0 : i32
      %dma_start3A_201 = arith.constant 0 : i32
      %dma_start3A_202 = tpu.memref_slice %arg6[%dma_start3A_200, %dma_start3A_201] : memref<79x128xi32, #tpu.memory_space<vmem>> -> memref<78x128xi32, #tpu.memory_space<vmem>>
      %dma_start3A_203 = arith.constant 0 : i32
      %dma_start3A_204 = tpu.memref_slice %arg3[%dma_start3A_193, %select_n3A, %dma_start3A_203] : memref<2x2500x128xi32, #tpu.memory_space<hbm>> -> memref<1x78x128xi32, #tpu.memory_space<hbm>>
      %dma_start3A_205 = tpu.memref_squeeze %dma_start3A_204 : memref<1x78x128xi32, #tpu.memory_space<hbm>> -> memref<78x128xi32, #tpu.memory_space<hbm>>
      tpu.enqueue_dma source(%dma_start3A_205 : memref<78x128xi32, #tpu.memory_space<hbm>>) target(%dma_start3A_202 : memref<78x128xi32, #tpu.memory_space<vmem>>) target_semaphore(%arg12 : memref<!tpu.dma_semaphore, #tpu.memory_space<semaphore_mem>>)
    } else {
    }
    %broadcast_in_dim3A = arith.constant 0.000000e+00 : f32
    %broadcast_in_dim3A_33 = vector.broadcast %broadcast_in_dim3A : f32 to vector<16xf32>
    %scan3A = arith.constant 0 : i32
    %scan3A_34 = arith.constant 0 : i32
    %scan3A_35 = arith.constant 632 : i32
    %scan3A_36 = arith.addi %scan3A_34, %scan3A_35 : i32
    %scan3A_37 = arith.constant 1 : i32
    %scan3A_38 = scf.for %scan3A_181 = %scan3A_34 to %scan3A_36 step %scan3A_37 iter_args(%scan3A_182 = %scan3A) -> (i32)  : i32 {
      %swap3A = arith.index_cast %scan3A_181 : i32 to index
      %swap3A_183 = arith.constant 0 : index
      %swap3A_184 = tpu.vector_load %arg8[%swap3A, %swap3A_183] {strides = array<i32>} : memref<632x32xf32, #tpu.memory_space<vmem>>, vector<1x16xf32>,
      %swap3A_185 = vector.shape_cast %swap3A_184 : vector<1x16xf32> to vector<16xf32>
      %swap3A_186 = vector.shape_cast %broadcast_in_dim3A_33 : vector<16xf32> to vector<1x16xf32>
      tpu.vector_store %arg8[%swap3A, %swap3A_183], %swap3A_186 {strides = array<i32>} : memref<632x32xf32, #tpu.memory_space<vmem>>, vector<1x16xf32>,
      %swap3A_187 = arith.index_cast %scan3A_181 : i32 to index
      %swap3A_188 = arith.constant 16 : index
      %swap3A_189 = tpu.vector_load %arg8[%swap3A_187, %swap3A_188] {strides = array<i32>} : memref<632x32xf32, #tpu.memory_space<vmem>>, vector<1x16xf32>,
      %swap3A_190 = vector.shape_cast %swap3A_189 : vector<1x16xf32> to vector<16xf32>
      %swap3A_191 = vector.shape_cast %broadcast_in_dim3A_33 : vector<16xf32> to vector<1x16xf32>
      tpu.vector_store %arg8[%swap3A_187, %swap3A_188], %swap3A_191 {strides = array<i32>} : memref<632x32xf32, #tpu.memory_space<vmem>>, vector<1x16xf32>,
      %scan3A_192 = arith.constant 0 : i32
      scf.yield %scan3A_192 : i32
    }
    %scan3A_39 = arith.constant 632 : i32
    %mul3A_40 = arith.constant 632 : i32
    %mul3A_41 = arith.muli %arg1, %mul3A_40 : i32
    "tpu.region"() ({
      %run_scoped3A = tpu.sem_alloc : memref<!tpu.dma_semaphore, #tpu.memory_space<semaphore_mem>>
      %dma_start3A = arith.constant 0 : i32
      %dma_start3A_181 = tpu.memref_slice %arg9[%mul3A_41, %dma_start3A] : memref<10112x32xf32, #tpu.memory_space<vmem_shared>> -> memref<632x32xf32, #tpu.memory_space<vmem_shared>>
      %dma_start3A_182 = arith.constant 0 : i32
      %dma_start3A_183 = tpu.memref_slice %arg9[%mul3A_41, %dma_start3A_182] : memref<10112x32xf32, #tpu.memory_space<vmem_shared>> -> memref<632x32xf32, #tpu.memory_space<vmem_shared>>
      tpu.enqueue_dma source(%arg8 : memref<632x32xf32, #tpu.memory_space<vmem>>) target(%dma_start3A_183 : memref<632x32xf32, #tpu.memory_space<vmem_shared>>) target_semaphore(%run_scoped3A : memref<!tpu.dma_semaphore, #tpu.memory_space<semaphore_mem>>)
      %dma_wait3A_184 = arith.constant 0 : i32
      %dma_wait3A_185 = tpu.memref_slice %arg9[%mul3A_41, %dma_wait3A_184] : memref<10112x32xf32, #tpu.memory_space<vmem_shared>> -> memref<632x32xf32, #tpu.memory_space<vmem_shared>>
      %dma_wait3A_186 = arith.constant 0 : i32
      %dma_wait3A_187 = tpu.memref_slice %arg9[%mul3A_41, %dma_wait3A_186] : memref<10112x32xf32, #tpu.memory_space<vmem_shared>> -> memref<632x32xf32, #tpu.memory_space<vmem_shared>>
      tpu.wait_dma2 semaphore(%run_scoped3A : memref<!tpu.dma_semaphore, #tpu.memory_space<semaphore_mem>>) src(%arg8 : memref<632x32xf32, #tpu.memory_space<vmem>>) dst(%dma_wait3A_187 : memref<632x32xf32, #tpu.memory_space<vmem_shared>>)
      tpu.yield
    }) : () -> ()
    %eq3A_42 = arith.constant 0 : i32
    %eq3A_43 = arith.cmpi eq, %arg0, %eq3A_42 : i32
    %convert_element_type3A_44 = arith.extui %eq3A_43 : i1 to i32
    %cond3A_45 = arith.constant 0 : i32
    %cond3A_46 = arith.cmpi ne, %convert_element_type3A_44, %cond3A_45 : i32
    scf.if %cond3A_46 {
      %dma_wait3A_181 = arith.constant 0 : i32
      %dma_wait3A_182 = arith.constant 0 : i32
      %dma_wait3A_183 = arith.constant 0 : i32
      %dma_wait3A_184 = tpu.memref_slice %arg5[%dma_wait3A_182, %dma_wait3A_183] : memref<79x128xi32, #tpu.memory_space<vmem>> -> memref<79x128xi32, #tpu.memory_space<vmem>>
      %dma_wait3A_185 = arith.constant 0 : i32
      %dma_wait3A_186 = arith.constant 0 : i32
      %dma_wait3A_187 = tpu.memref_slice %arg3[%dma_wait3A_181, %dma_wait3A_185, %dma_wait3A_186] : memref<2x2500x128xi32, #tpu.memory_space<hbm>> -> memref<1x79x128xi32, #tpu.memory_space<hbm>>
      %dma_wait3A_188 = tpu.memref_squeeze %dma_wait3A_187 : memref<1x79x128xi32, #tpu.memory_space<hbm>> -> memref<79x128xi32, #tpu.memory_space<hbm>>
      %dma_wait3A_189 = arith.constant 0 : i32
      %dma_wait3A_190 = arith.constant 0 : i32
      %dma_wait3A_191 = tpu.memref_slice %arg5[%dma_wait3A_189, %dma_wait3A_190] : memref<79x128xi32, #tpu.memory_space<vmem>> -> memref<79x128xi32, #tpu.memory_space<vmem>>
      %dma_wait3A_192 = arith.constant 0 : i32
      %dma_wait3A_193 = arith.constant 0 : i32
      %dma_wait3A_194 = tpu.memref_slice %arg3[%dma_wait3A_181, %dma_wait3A_192, %dma_wait3A_193] : memref<2x2500x128xi32, #tpu.memory_space<hbm>> -> memref<1x79x128xi32, #tpu.memory_space<hbm>>
      %dma_wait3A_195 = tpu.memref_squeeze %dma_wait3A_194 : memref<1x79x128xi32, #tpu.memory_space<hbm>> -> memref<79x128xi32, #tpu.memory_space<hbm>>
      tpu.wait_dma2 semaphore(%arg12 : memref<!tpu.dma_semaphore, #tpu.memory_space<semaphore_mem>>) src(%dma_wait3A_195 : memref<79x128xi32, #tpu.memory_space<hbm>>) dst(%dma_wait3A_191 : memref<79x128xi32, #tpu.memory_space<vmem>>)
      %dma_wait3A_196 = arith.constant 1 : i32
      %dma_wait3A_197 = arith.constant 0 : i32
      %dma_wait3A_198 = arith.constant 0 : i32
      %dma_wait3A_199 = tpu.memref_slice %arg6[%dma_wait3A_197, %dma_wait3A_198] : memref<79x128xi32, #tpu.memory_space<vmem>> -> memref<79x128xi32, #tpu.memory_space<vmem>>
      %dma_wait3A_200 = arith.constant 0 : i32
      %dma_wait3A_201 = arith.constant 0 : i32
      %dma_wait3A_202 = tpu.memref_slice %arg3[%dma_wait3A_196, %dma_wait3A_200, %dma_wait3A_201] : memref<2x2500x128xi32, #tpu.memory_space<hbm>> -> memref<1x79x128xi32, #tpu.memory_space<hbm>>
      %dma_wait3A_203 = tpu.memref_squeeze %dma_wait3A_202 : memref<1x79x128xi32, #tpu.memory_space<hbm>> -> memref<79x128xi32, #tpu.memory_space<hbm>>
      %dma_wait3A_204 = arith.constant 0 : i32
      %dma_wait3A_205 = arith.constant 0 : i32
      %dma_wait3A_206 = tpu.memref_slice %arg6[%dma_wait3A_204, %dma_wait3A_205] : memref<79x128xi32, #tpu.memory_space<vmem>> -> memref<79x128xi32, #tpu.memory_space<vmem>>
      %dma_wait3A_207 = arith.constant 0 : i32
      %dma_wait3A_208 = arith.constant 0 : i32
      %dma_wait3A_209 = tpu.memref_slice %arg3[%dma_wait3A_196, %dma_wait3A_207, %dma_wait3A_208] : memref<2x2500x128xi32, #tpu.memory_space<hbm>> -> memref<1x79x128xi32, #tpu.memory_space<hbm>>
      %dma_wait3A_210 = tpu.memref_squeeze %dma_wait3A_209 : memref<1x79x128xi32, #tpu.memory_space<hbm>> -> memref<79x128xi32, #tpu.memory_space<hbm>>
      tpu.wait_dma2 semaphore(%arg12 : memref<!tpu.dma_semaphore, #tpu.memory_space<semaphore_mem>>) src(%dma_wait3A_210 : memref<79x128xi32, #tpu.memory_space<hbm>>) dst(%dma_wait3A_206 : memref<79x128xi32, #tpu.memory_space<vmem>>)
    } else {
    }
    %eq3A_47 = arith.constant 1 : i32
    %eq3A_48 = arith.cmpi eq, %arg0, %eq3A_47 : i32
    %convert_element_type3A_49 = arith.extui %eq3A_48 : i1 to i32
    %cond3A_50 = arith.constant 0 : i32
    %cond3A_51 = arith.cmpi ne, %convert_element_type3A_49, %cond3A_50 : i32
    scf.if %cond3A_51 {
      %dma_wait3A_181 = arith.constant 0 : i32
      %dma_wait3A_182 = arith.constant 0 : i32
      %dma_wait3A_183 = arith.constant 0 : i32
      %dma_wait3A_184 = tpu.memref_slice %arg5[%dma_wait3A_182, %dma_wait3A_183] : memref<79x128xi32, #tpu.memory_space<vmem>> -> memref<78x128xi32, #tpu.memory_space<vmem>>
      %dma_wait3A_185 = arith.constant 0 : i32
      %dma_wait3A_186 = arith.constant 0 : i32
      %dma_wait3A_187 = tpu.memref_slice %arg3[%dma_wait3A_181, %dma_wait3A_185, %dma_wait3A_186] : memref<2x2500x128xi32, #tpu.memory_space<hbm>> -> memref<1x78x128xi32, #tpu.memory_space<hbm>>
      %dma_wait3A_188 = tpu.memref_squeeze %dma_wait3A_187 : memref<1x78x128xi32, #tpu.memory_space<hbm>> -> memref<78x128xi32, #tpu.memory_space<hbm>>
      %dma_wait3A_189 = arith.constant 0 : i32
      %dma_wait3A_190 = arith.constant 0 : i32
      %dma_wait3A_191 = tpu.memref_slice %arg5[%dma_wait3A_189, %dma_wait3A_190] : memref<79x128xi32, #tpu.memory_space<vmem>> -> memref<78x128xi32, #tpu.memory_space<vmem>>
      %dma_wait3A_192 = arith.constant 0 : i32
      %dma_wait3A_193 = arith.constant 0 : i32
      %dma_wait3A_194 = tpu.memref_slice %arg3[%dma_wait3A_181, %dma_wait3A_192, %dma_wait3A_193] : memref<2x2500x128xi32, #tpu.memory_space<hbm>> -> memref<1x78x128xi32, #tpu.memory_space<hbm>>
      %dma_wait3A_195 = tpu.memref_squeeze %dma_wait3A_194 : memref<1x78x128xi32, #tpu.memory_space<hbm>> -> memref<78x128xi32, #tpu.memory_space<hbm>>
      tpu.wait_dma2 semaphore(%arg12 : memref<!tpu.dma_semaphore, #tpu.memory_space<semaphore_mem>>) src(%dma_wait3A_195 : memref<78x128xi32, #tpu.memory_space<hbm>>) dst(%dma_wait3A_191 : memref<78x128xi32, #tpu.memory_space<vmem>>)
      %dma_wait3A_196 = arith.constant 1 : i32
      %dma_wait3A_197 = arith.constant 0 : i32
      %dma_wait3A_198 = arith.constant 0 : i32
      %dma_wait3A_199 = tpu.memref_slice %arg6[%dma_wait3A_197, %dma_wait3A_198] : memref<79x128xi32, #tpu.memory_space<vmem>> -> memref<78x128xi32, #tpu.memory_space<vmem>>
      %dma_wait3A_200 = arith.constant 0 : i32
      %dma_wait3A_201 = arith.constant 0 : i32
      %dma_wait3A_202 = tpu.memref_slice %arg3[%dma_wait3A_196, %dma_wait3A_200, %dma_wait3A_201] : memref<2x2500x128xi32, #tpu.memory_space<hbm>> -> memref<1x78x128xi32, #tpu.memory_space<hbm>>
      %dma_wait3A_203 = tpu.memref_squeeze %dma_wait3A_202 : memref<1x78x128xi32, #tpu.memory_space<hbm>> -> memref<78x128xi32, #tpu.memory_space<hbm>>
      %dma_wait3A_204 = arith.constant 0 : i32
      %dma_wait3A_205 = arith.constant 0 : i32
      %dma_wait3A_206 = tpu.memref_slice %arg6[%dma_wait3A_204, %dma_wait3A_205] : memref<79x128xi32, #tpu.memory_space<vmem>> -> memref<78x128xi32, #tpu.memory_space<vmem>>
      %dma_wait3A_207 = arith.constant 0 : i32
      %dma_wait3A_208 = arith.constant 0 : i32
      %dma_wait3A_209 = tpu.memref_slice %arg3[%dma_wait3A_196, %dma_wait3A_207, %dma_wait3A_208] : memref<2x2500x128xi32, #tpu.memory_space<hbm>> -> memref<1x78x128xi32, #tpu.memory_space<hbm>>
      %dma_wait3A_210 = tpu.memref_squeeze %dma_wait3A_209 : memref<1x78x128xi32, #tpu.memory_space<hbm>> -> memref<78x128xi32, #tpu.memory_space<hbm>>
      tpu.wait_dma2 semaphore(%arg12 : memref<!tpu.dma_semaphore, #tpu.memory_space<semaphore_mem>>) src(%dma_wait3A_210 : memref<78x128xi32, #tpu.memory_space<hbm>>) dst(%dma_wait3A_206 : memref<78x128xi32, #tpu.memory_space<vmem>>)
    } else {
    }
    %barrier3A = arith.constant 0 : index
    tpu.barrier barrier_id(%barrier3A)
    %gt3A = arith.constant 0 : i32
    %gt3A_52 = arith.cmpi sgt, %select_n3A_23, %gt3A : i32
    %convert_element_type3A_53 = arith.extui %gt3A_52 : i1 to i32
    %cond3A_54 = arith.constant 0 : i32
    %cond3A_55 = arith.cmpi ne, %convert_element_type3A_53, %cond3A_54 : i32
    scf.if %cond3A_55 {
      %dma_start3A = arith.constant 0 : i32
      %dma_start3A_181 = arith.constant 0 : i32
      %dma_start3A_182 = arith.constant 0 : i32
      %dma_start3A_183 = arith.constant 0 : i32
      %dma_start3A_184 = arith.constant 0 : i32
      %dma_start3A_185 = tpu.memref_slice %arg7[%dma_start3A_181, %dma_start3A_183, %dma_start3A_184] : memref<6x128x32xf32, #tpu.memory_space<vmem>> -> memref<1x128x32xf32, #tpu.memory_space<vmem>>
      %dma_start3A_186 = tpu.memref_squeeze %dma_start3A_185 : memref<1x128x32xf32, #tpu.memory_space<vmem>> -> memref<128x32xf32, #tpu.memory_space<vmem>>
      %dma_start3A_187 = arith.constant 0 : i32
      %dma_start3A_188 = tpu.memref_slice %arg5[%dma_start3A, %dma_start3A_187] : memref<79x128xi32, #tpu.memory_space<vmem>> -> memref<1x128xi32, #tpu.memory_space<vmem>>
      %dma_start3A_189 = tpu.memref_squeeze %dma_start3A_188 : memref<1x128xi32, #tpu.memory_space<vmem>> -> memref<128xi32, #tpu.memory_space<vmem>>
      %dma_start3A_190 = arith.constant 0 : i32
      %dma_start3A_191 = arith.constant 0 : i32
      %dma_start3A_192 = tpu.memref_slice %arg2[%dma_start3A_190, %dma_start3A_191] : memref<10000x32xf32, #tpu.memory_space<hbm>> -> memref<10000x32xf32, #tpu.memory_space<hbm>>
      %dma_start3A_193 = tpu.memref_slice %arg10[%dma_start3A_182] : memref<6x!tpu.dma_semaphore, #tpu.memory_space<semaphore_mem>> -> memref<1x!tpu.dma_semaphore, #tpu.memory_space<semaphore_mem>>
      %dma_start3A_194 = tpu.memref_squeeze %dma_start3A_193 : memref<1x!tpu.dma_semaphore, #tpu.memory_space<semaphore_mem>> -> memref<!tpu.dma_semaphore, #tpu.memory_space<semaphore_mem>>
      tpu.enqueue_indirect_dma source(%dma_start3A_192 : memref<10000x32xf32, #tpu.memory_space<hbm>>) target(%dma_start3A_186 : memref<128x32xf32, #tpu.memory_space<vmem>>) offsets(%dma_start3A_189 : memref<128xi32, #tpu.memory_space<vmem>>) semaphore(%dma_start3A_194 : memref<!tpu.dma_semaphore, #tpu.memory_space<semaphore_mem>>)
    } else {
    }
    %gt3A_56 = arith.constant 1 : i32
    %gt3A_57 = arith.cmpi sgt, %select_n3A_23, %gt3A_56 : i32
    %convert_element_type3A_58 = arith.extui %gt3A_57 : i1 to i32
    %cond3A_59 = arith.constant 0 : i32
    %cond3A_60 = arith.cmpi ne, %convert_element_type3A_58, %cond3A_59 : i32
    scf.if %cond3A_60 {
      %dma_start3A = arith.constant 1 : i32
      %dma_start3A_181 = arith.constant 1 : i32
      %dma_start3A_182 = arith.constant 1 : i32
      %dma_start3A_183 = arith.constant 0 : i32
      %dma_start3A_184 = arith.constant 0 : i32
      %dma_start3A_185 = tpu.memref_slice %arg7[%dma_start3A_181, %dma_start3A_183, %dma_start3A_184] : memref<6x128x32xf32, #tpu.memory_space<vmem>> -> memref<1x128x32xf32, #tpu.memory_space<vmem>>
      %dma_start3A_186 = tpu.memref_squeeze %dma_start3A_185 : memref<1x128x32xf32, #tpu.memory_space<vmem>> -> memref<128x32xf32, #tpu.memory_space<vmem>>
      %dma_start3A_187 = arith.constant 0 : i32
      %dma_start3A_188 = tpu.memref_slice %arg5[%dma_start3A, %dma_start3A_187] : memref<79x128xi32, #tpu.memory_space<vmem>> -> memref<1x128xi32, #tpu.memory_space<vmem>>
      %dma_start3A_189 = tpu.memref_squeeze %dma_start3A_188 : memref<1x128xi32, #tpu.memory_space<vmem>> -> memref<128xi32, #tpu.memory_space<vmem>>
      %dma_start3A_190 = arith.constant 0 : i32
      %dma_start3A_191 = arith.constant 0 : i32
      %dma_start3A_192 = tpu.memref_slice %arg2[%dma_start3A_190, %dma_start3A_191] : memref<10000x32xf32, #tpu.memory_space<hbm>> -> memref<10000x32xf32, #tpu.memory_space<hbm>>
      %dma_start3A_193 = tpu.memref_slice %arg10[%dma_start3A_182] : memref<6x!tpu.dma_semaphore, #tpu.memory_space<semaphore_mem>> -> memref<1x!tpu.dma_semaphore, #tpu.memory_space<semaphore_mem>>
      %dma_start3A_194 = tpu.memref_squeeze %dma_start3A_193 : memref<1x!tpu.dma_semaphore, #tpu.memory_space<semaphore_mem>> -> memref<!tpu.dma_semaphore, #tpu.memory_space<semaphore_mem>>
      tpu.enqueue_indirect_dma source(%dma_start3A_192 : memref<10000x32xf32, #tpu.memory_space<hbm>>) target(%dma_start3A_186 : memref<128x32xf32, #tpu.memory_space<vmem>>) offsets(%dma_start3A_189 : memref<128xi32, #tpu.memory_space<vmem>>) semaphore(%dma_start3A_194 : memref<!tpu.dma_semaphore, #tpu.memory_space<semaphore_mem>>)
    } else {
    }
    %gt3A_61 = arith.constant 2 : i32
    %gt3A_62 = arith.cmpi sgt, %select_n3A_23, %gt3A_61 : i32
    %convert_element_type3A_63 = arith.extui %gt3A_62 : i1 to i32
    %cond3A_64 = arith.constant 0 : i32
    %cond3A_65 = arith.cmpi ne, %convert_element_type3A_63, %cond3A_64 : i32
    scf.if %cond3A_65 {
      %dma_start3A = arith.constant 2 : i32
      %dma_start3A_181 = arith.constant 2 : i32
      %dma_start3A_182 = arith.constant 2 : i32
      %dma_start3A_183 = arith.constant 0 : i32
      %dma_start3A_184 = arith.constant 0 : i32
      %dma_start3A_185 = tpu.memref_slice %arg7[%dma_start3A_181, %dma_start3A_183, %dma_start3A_184] : memref<6x128x32xf32, #tpu.memory_space<vmem>> -> memref<1x128x32xf32, #tpu.memory_space<vmem>>
      %dma_start3A_186 = tpu.memref_squeeze %dma_start3A_185 : memref<1x128x32xf32, #tpu.memory_space<vmem>> -> memref<128x32xf32, #tpu.memory_space<vmem>>
      %dma_start3A_187 = arith.constant 0 : i32
      %dma_start3A_188 = tpu.memref_slice %arg5[%dma_start3A, %dma_start3A_187] : memref<79x128xi32, #tpu.memory_space<vmem>> -> memref<1x128xi32, #tpu.memory_space<vmem>>
      %dma_start3A_189 = tpu.memref_squeeze %dma_start3A_188 : memref<1x128xi32, #tpu.memory_space<vmem>> -> memref<128xi32, #tpu.memory_space<vmem>>
      %dma_start3A_190 = arith.constant 0 : i32
      %dma_start3A_191 = arith.constant 0 : i32
      %dma_start3A_192 = tpu.memref_slice %arg2[%dma_start3A_190, %dma_start3A_191] : memref<10000x32xf32, #tpu.memory_space<hbm>> -> memref<10000x32xf32, #tpu.memory_space<hbm>>
      %dma_start3A_193 = tpu.memref_slice %arg10[%dma_start3A_182] : memref<6x!tpu.dma_semaphore, #tpu.memory_space<semaphore_mem>> -> memref<1x!tpu.dma_semaphore, #tpu.memory_space<semaphore_mem>>
      %dma_start3A_194 = tpu.memref_squeeze %dma_start3A_193 : memref<1x!tpu.dma_semaphore, #tpu.memory_space<semaphore_mem>> -> memref<!tpu.dma_semaphore, #tpu.memory_space<semaphore_mem>>
      tpu.enqueue_indirect_dma source(%dma_start3A_192 : memref<10000x32xf32, #tpu.memory_space<hbm>>) target(%dma_start3A_186 : memref<128x32xf32, #tpu.memory_space<vmem>>) offsets(%dma_start3A_189 : memref<128xi32, #tpu.memory_space<vmem>>) semaphore(%dma_start3A_194 : memref<!tpu.dma_semaphore, #tpu.memory_space<semaphore_mem>>)
    } else {
    }
    %gt3A_66 = arith.constant 3 : i32
    %gt3A_67 = arith.cmpi sgt, %select_n3A_23, %gt3A_66 : i32
    %convert_element_type3A_68 = arith.extui %gt3A_67 : i1 to i32
    %cond3A_69 = arith.constant 0 : i32
    %cond3A_70 = arith.cmpi ne, %convert_element_type3A_68, %cond3A_69 : i32
    scf.if %cond3A_70 {
      %dma_start3A = arith.constant 3 : i32
      %dma_start3A_181 = arith.constant 3 : i32
      %dma_start3A_182 = arith.constant 3 : i32
      %dma_start3A_183 = arith.constant 0 : i32
      %dma_start3A_184 = arith.constant 0 : i32
      %dma_start3A_185 = tpu.memref_slice %arg7[%dma_start3A_181, %dma_start3A_183, %dma_start3A_184] : memref<6x128x32xf32, #tpu.memory_space<vmem>> -> memref<1x128x32xf32, #tpu.memory_space<vmem>>
      %dma_start3A_186 = tpu.memref_squeeze %dma_start3A_185 : memref<1x128x32xf32, #tpu.memory_space<vmem>> -> memref<128x32xf32, #tpu.memory_space<vmem>>
      %dma_start3A_187 = arith.constant 0 : i32
      %dma_start3A_188 = tpu.memref_slice %arg5[%dma_start3A, %dma_start3A_187] : memref<79x128xi32, #tpu.memory_space<vmem>> -> memref<1x128xi32, #tpu.memory_space<vmem>>
      %dma_start3A_189 = tpu.memref_squeeze %dma_start3A_188 : memref<1x128xi32, #tpu.memory_space<vmem>> -> memref<128xi32, #tpu.memory_space<vmem>>
      %dma_start3A_190 = arith.constant 0 : i32
      %dma_start3A_191 = arith.constant 0 : i32
      %dma_start3A_192 = tpu.memref_slice %arg2[%dma_start3A_190, %dma_start3A_191] : memref<10000x32xf32, #tpu.memory_space<hbm>> -> memref<10000x32xf32, #tpu.memory_space<hbm>>
      %dma_start3A_193 = tpu.memref_slice %arg10[%dma_start3A_182] : memref<6x!tpu.dma_semaphore, #tpu.memory_space<semaphore_mem>> -> memref<1x!tpu.dma_semaphore, #tpu.memory_space<semaphore_mem>>
      %dma_start3A_194 = tpu.memref_squeeze %dma_start3A_193 : memref<1x!tpu.dma_semaphore, #tpu.memory_space<semaphore_mem>> -> memref<!tpu.dma_semaphore, #tpu.memory_space<semaphore_mem>>
      tpu.enqueue_indirect_dma source(%dma_start3A_192 : memref<10000x32xf32, #tpu.memory_space<hbm>>) target(%dma_start3A_186 : memref<128x32xf32, #tpu.memory_space<vmem>>) offsets(%dma_start3A_189 : memref<128xi32, #tpu.memory_space<vmem>>) semaphore(%dma_start3A_194 : memref<!tpu.dma_semaphore, #tpu.memory_space<semaphore_mem>>)
    } else {
    }
    %gt3A_71 = arith.constant 4 : i32
    %gt3A_72 = arith.cmpi sgt, %select_n3A_23, %gt3A_71 : i32
    %convert_element_type3A_73 = arith.extui %gt3A_72 : i1 to i32
    %cond3A_74 = arith.constant 0 : i32
    %cond3A_75 = arith.cmpi ne, %convert_element_type3A_73, %cond3A_74 : i32
    scf.if %cond3A_75 {
      %dma_start3A = arith.constant 4 : i32
      %dma_start3A_181 = arith.constant 4 : i32
      %dma_start3A_182 = arith.constant 4 : i32
      %dma_start3A_183 = arith.constant 0 : i32
      %dma_start3A_184 = arith.constant 0 : i32
      %dma_start3A_185 = tpu.memref_slice %arg7[%dma_start3A_181, %dma_start3A_183, %dma_start3A_184] : memref<6x128x32xf32, #tpu.memory_space<vmem>> -> memref<1x128x32xf32, #tpu.memory_space<vmem>>
      %dma_start3A_186 = tpu.memref_squeeze %dma_start3A_185 : memref<1x128x32xf32, #tpu.memory_space<vmem>> -> memref<128x32xf32, #tpu.memory_space<vmem>>
      %dma_start3A_187 = arith.constant 0 : i32
      %dma_start3A_188 = tpu.memref_slice %arg5[%dma_start3A, %dma_start3A_187] : memref<79x128xi32, #tpu.memory_space<vmem>> -> memref<1x128xi32, #tpu.memory_space<vmem>>
      %dma_start3A_189 = tpu.memref_squeeze %dma_start3A_188 : memref<1x128xi32, #tpu.memory_space<vmem>> -> memref<128xi32, #tpu.memory_space<vmem>>
      %dma_start3A_190 = arith.constant 0 : i32
      %dma_start3A_191 = arith.constant 0 : i32
      %dma_start3A_192 = tpu.memref_slice %arg2[%dma_start3A_190, %dma_start3A_191] : memref<10000x32xf32, #tpu.memory_space<hbm>> -> memref<10000x32xf32, #tpu.memory_space<hbm>>
      %dma_start3A_193 = tpu.memref_slice %arg10[%dma_start3A_182] : memref<6x!tpu.dma_semaphore, #tpu.memory_space<semaphore_mem>> -> memref<1x!tpu.dma_semaphore, #tpu.memory_space<semaphore_mem>>
      %dma_start3A_194 = tpu.memref_squeeze %dma_start3A_193 : memref<1x!tpu.dma_semaphore, #tpu.memory_space<semaphore_mem>> -> memref<!tpu.dma_semaphore, #tpu.memory_space<semaphore_mem>>
      tpu.enqueue_indirect_dma source(%dma_start3A_192 : memref<10000x32xf32, #tpu.memory_space<hbm>>) target(%dma_start3A_186 : memref<128x32xf32, #tpu.memory_space<vmem>>) offsets(%dma_start3A_189 : memref<128xi32, #tpu.memory_space<vmem>>) semaphore(%dma_start3A_194 : memref<!tpu.dma_semaphore, #tpu.memory_space<semaphore_mem>>)
    } else {
    }
    %while3A = arith.constant 0 : i32
    %while3A_76 = arith.constant 0 : i32
    %while3A_77 = arith.subi %select_n3A_23, %while3A : i32
    %while3A_78 = arith.addi %while3A, %while3A_77 : i32
    %while3A_79 = arith.constant 1 : i32
    %while3A_80 = arith.divsi %while3A_77, %while3A_79 : i32
    %while3A_81 = arith.muli %while3A_80, %while3A_79 : i32
    %while3A_82 = arith.addi %while3A, %while3A_81 : i32
    %while3A_83 = arith.constant 1 : i32
    %while3A_84 = scf.for %while3A_181 = %while3A to %while3A_82 step %while3A_83 iter_args(%while3A_182 = %while3A_76) -> (i32)  : i32 {
      %jit3A = arith.constant 6 : i32
      %eq3A_183 = arith.constant 0 : i32
      %eq3A_184 = arith.cmpi eq, %jit3A, %eq3A_183 : i32
      %jit3A_185 = arith.constant 1 : i32
      %select_n3A_186 = arith.select %eq3A_184, %jit3A_185, %jit3A : i32
      %rem3A = arith.remsi %while3A_181, %select_n3A_186 : i32
      %ne3A = arith.constant 0 : i32
      %ne3A_187 = arith.cmpi ne, %rem3A, %ne3A : i32
      %lt3A = arith.constant 0 : i32
      %lt3A_188 = arith.cmpi slt, %rem3A, %lt3A : i32
      %lt3A_189 = arith.constant 0 : i32
      %lt3A_190 = arith.cmpi slt, %select_n3A_186, %lt3A_189 : i32
      %ne3A_191 = arith.xori %lt3A_188, %lt3A_190 : i1
      %and3A = arith.andi %ne3A_191, %ne3A_187 : i1
      %add3A_192 = arith.addi %rem3A, %select_n3A_186 : i32
      %select_n3A_193 = arith.select %and3A, %add3A_192, %rem3A : i32
      %add3A_194 = arith.constant 6 : i32
      %add3A_195 = arith.addi %while3A_181, %add3A_194 : i32
      %sub3A_196 = arith.constant 1 : i32
      %sub3A_197 = arith.subi %add3A_195, %sub3A_196 : i32
      %lt3A_198 = arith.cmpi slt, %sub3A_197, %select_n3A_23 : i32
      %convert_element_type3A_199 = arith.extui %lt3A_198 : i1 to i32
      %cond3A_200 = arith.constant 0 : i32
      %cond3A_201 = arith.cmpi ne, %convert_element_type3A_199, %cond3A_200 : i32
      scf.if %cond3A_201 {
        %add3A_227 = arith.constant 6 : i32
        %add3A_228 = arith.addi %while3A_181, %add3A_227 : i32
        %sub3A_229 = arith.constant 1 : i32
        %sub3A_230 = arith.subi %add3A_228, %sub3A_229 : i32
        %jit3A_231 = arith.constant 6 : i32
        %eq3A_232 = arith.constant 0 : i32
        %eq3A_233 = arith.cmpi eq, %jit3A_231, %eq3A_232 : i32
        %jit3A_234 = arith.constant 1 : i32
        %select_n3A_235 = arith.select %eq3A_233, %jit3A_234, %jit3A_231 : i32
        %rem3A_236 = arith.remsi %sub3A_230, %select_n3A_235 : i32
        %ne3A_237 = arith.constant 0 : i32
        %ne3A_238 = arith.cmpi ne, %rem3A_236, %ne3A_237 : i32
        %lt3A_239 = arith.constant 0 : i32
        %lt3A_240 = arith.cmpi slt, %rem3A_236, %lt3A_239 : i32
        %lt3A_241 = arith.constant 0 : i32
        %lt3A_242 = arith.cmpi slt, %select_n3A_235, %lt3A_241 : i32
        %ne3A_243 = arith.xori %lt3A_240, %lt3A_242 : i1
        %and3A_244 = arith.andi %ne3A_243, %ne3A_238 : i1
        %add3A_245 = arith.addi %rem3A_236, %select_n3A_235 : i32
        %select_n3A_246 = arith.select %and3A_244, %add3A_245, %rem3A_236 : i32
        %ge3A_247 = arith.constant 1 : i32
        %ge3A_248 = arith.cmpi sge, %while3A_181, %ge3A_247 : i32
        %convert_element_type3A_249 = arith.extui %ge3A_248 : i1 to i32
        %cond3A_250 = arith.constant 0 : i32
        %cond3A_251 = arith.cmpi ne, %convert_element_type3A_249, %cond3A_250 : i32
        scf.if %cond3A_251 {
          %dma_wait3A_268 = arith.constant 0 : i32
          %dma_wait3A_269 = arith.constant 0 : i32
          %dma_wait3A_270 = arith.constant 0 : i32
          %dma_wait3A_271 = tpu.memref_slice %arg7[%select_n3A_246, %dma_wait3A_269, %dma_wait3A_270] : memref<6x128x32xf32, #tpu.memory_space<vmem>> -> memref<1x128x32xf32, #tpu.memory_space<vmem>>
          %dma_wait3A_272 = tpu.memref_squeeze %dma_wait3A_271 : memref<1x128x32xf32, #tpu.memory_space<vmem>> -> memref<128x32xf32, #tpu.memory_space<vmem>>
          %dma_wait3A_273 = arith.constant 0 : i32
          %dma_wait3A_274 = tpu.memref_slice %arg6[%dma_wait3A_268, %dma_wait3A_273] : memref<79x128xi32, #tpu.memory_space<vmem>> -> memref<1x128xi32, #tpu.memory_space<vmem>>
          %dma_wait3A_275 = tpu.memref_squeeze %dma_wait3A_274 : memref<1x128xi32, #tpu.memory_space<vmem>> -> memref<128xi32, #tpu.memory_space<vmem>>
          %dma_wait3A_276 = arith.constant 0 : i32
          %dma_wait3A_277 = arith.constant 0 : i32
          %dma_wait3A_278 = tpu.memref_slice %arg9[%dma_wait3A_276, %dma_wait3A_277] : memref<10112x32xf32, #tpu.memory_space<vmem_shared>> -> memref<10112x32xf32, #tpu.memory_space<vmem_shared>>
          %dma_wait3A_279 = tpu.memref_slice %arg11[%select_n3A_246] : memref<6x!tpu.dma_semaphore, #tpu.memory_space<semaphore_mem>> -> memref<1x!tpu.dma_semaphore, #tpu.memory_space<semaphore_mem>>
          %dma_wait3A_280 = tpu.memref_squeeze %dma_wait3A_279 : memref<1x!tpu.dma_semaphore, #tpu.memory_space<semaphore_mem>> -> memref<!tpu.dma_semaphore, #tpu.memory_space<semaphore_mem>>
          tpu.wait_indirect_dma semaphore(%dma_wait3A_280 : memref<!tpu.dma_semaphore, #tpu.memory_space<semaphore_mem>>) src(%dma_wait3A_272 : memref<128x32xf32, #tpu.memory_space<vmem>>) dst(%dma_wait3A_278 : memref<10112x32xf32, #tpu.memory_space<vmem_shared>>)
        } else {
        }
        %add3A_252 = arith.constant 6 : i32
        %add3A_253 = arith.addi %while3A_181, %add3A_252 : i32
        %sub3A_254 = arith.constant 1 : i32
        %sub3A_255 = arith.subi %add3A_253, %sub3A_254 : i32
        %dma_start3A_256 = arith.constant 0 : i32
        %dma_start3A_257 = arith.constant 0 : i32
        %dma_start3A_258 = tpu.memref_slice %arg7[%select_n3A_246, %dma_start3A_256, %dma_start3A_257] : memref<6x128x32xf32, #tpu.memory_space<vmem>> -> memref<1x128x32xf32, #tpu.memory_space<vmem>>
        %dma_start3A_259 = tpu.memref_squeeze %dma_start3A_258 : memref<1x128x32xf32, #tpu.memory_space<vmem>> -> memref<128x32xf32, #tpu.memory_space<vmem>>
        %dma_start3A_260 = arith.constant 0 : i32
        %dma_start3A_261 = tpu.memref_slice %arg5[%sub3A_255, %dma_start3A_260] : memref<79x128xi32, #tpu.memory_space<vmem>> -> memref<1x128xi32, #tpu.memory_space<vmem>>
        %dma_start3A_262 = tpu.memref_squeeze %dma_start3A_261 : memref<1x128xi32, #tpu.memory_space<vmem>> -> memref<128xi32, #tpu.memory_space<vmem>>
        %dma_start3A_263 = arith.constant 0 : i32
        %dma_start3A_264 = arith.constant 0 : i32
        %dma_start3A_265 = tpu.memref_slice %arg2[%dma_start3A_263, %dma_start3A_264] : memref<10000x32xf32, #tpu.memory_space<hbm>> -> memref<10000x32xf32, #tpu.memory_space<hbm>>
        %dma_start3A_266 = tpu.memref_slice %arg10[%select_n3A_246] : memref<6x!tpu.dma_semaphore, #tpu.memory_space<semaphore_mem>> -> memref<1x!tpu.dma_semaphore, #tpu.memory_space<semaphore_mem>>
        %dma_start3A_267 = tpu.memref_squeeze %dma_start3A_266 : memref<1x!tpu.dma_semaphore, #tpu.memory_space<semaphore_mem>> -> memref<!tpu.dma_semaphore, #tpu.memory_space<semaphore_mem>>
        tpu.enqueue_indirect_dma source(%dma_start3A_265 : memref<10000x32xf32, #tpu.memory_space<hbm>>) target(%dma_start3A_259 : memref<128x32xf32, #tpu.memory_space<vmem>>) offsets(%dma_start3A_262 : memref<128xi32, #tpu.memory_space<vmem>>) semaphore(%dma_start3A_267 : memref<!tpu.dma_semaphore, #tpu.memory_space<semaphore_mem>>)
      } else {
      }
      %dma_wait3A_202 = arith.constant 0 : i32
      %dma_wait3A_203 = arith.constant 0 : i32
      %dma_wait3A_204 = arith.constant 0 : i32
      %dma_wait3A_205 = tpu.memref_slice %arg7[%select_n3A_193, %dma_wait3A_203, %dma_wait3A_204] : memref<6x128x32xf32, #tpu.memory_space<vmem>> -> memref<1x128x32xf32, #tpu.memory_space<vmem>>
      %dma_wait3A_206 = tpu.memref_squeeze %dma_wait3A_205 : memref<1x128x32xf32, #tpu.memory_space<vmem>> -> memref<128x32xf32, #tpu.memory_space<vmem>>
      %dma_wait3A_207 = arith.constant 0 : i32
      %dma_wait3A_208 = tpu.memref_slice %arg5[%dma_wait3A_202, %dma_wait3A_207] : memref<79x128xi32, #tpu.memory_space<vmem>> -> memref<1x128xi32, #tpu.memory_space<vmem>>
      %dma_wait3A_209 = tpu.memref_squeeze %dma_wait3A_208 : memref<1x128xi32, #tpu.memory_space<vmem>> -> memref<128xi32, #tpu.memory_space<vmem>>
      %dma_wait3A_210 = arith.constant 0 : i32
      %dma_wait3A_211 = arith.constant 0 : i32
      %dma_wait3A_212 = tpu.memref_slice %arg2[%dma_wait3A_210, %dma_wait3A_211] : memref<10000x32xf32, #tpu.memory_space<hbm>> -> memref<10000x32xf32, #tpu.memory_space<hbm>>
      %dma_wait3A_213 = tpu.memref_slice %arg10[%select_n3A_193] : memref<6x!tpu.dma_semaphore, #tpu.memory_space<semaphore_mem>> -> memref<1x!tpu.dma_semaphore, #tpu.memory_space<semaphore_mem>>
      %dma_wait3A_214 = tpu.memref_squeeze %dma_wait3A_213 : memref<1x!tpu.dma_semaphore, #tpu.memory_space<semaphore_mem>> -> memref<!tpu.dma_semaphore, #tpu.memory_space<semaphore_mem>>
      tpu.wait_indirect_dma semaphore(%dma_wait3A_214 : memref<!tpu.dma_semaphore, #tpu.memory_space<semaphore_mem>>) src(%dma_wait3A_212 : memref<10000x32xf32, #tpu.memory_space<hbm>>) dst(%dma_wait3A_206 : memref<128x32xf32, #tpu.memory_space<vmem>>)
      %dma_start3A = arith.constant 0 : i32
      %dma_start3A_215 = arith.constant 0 : i32
      %dma_start3A_216 = tpu.memref_slice %arg7[%select_n3A_193, %dma_start3A, %dma_start3A_215] : memref<6x128x32xf32, #tpu.memory_space<vmem>> -> memref<1x128x32xf32, #tpu.memory_space<vmem>>
      %dma_start3A_217 = tpu.memref_squeeze %dma_start3A_216 : memref<1x128x32xf32, #tpu.memory_space<vmem>> -> memref<128x32xf32, #tpu.memory_space<vmem>>
      %dma_start3A_218 = arith.constant 0 : i32
      %dma_start3A_219 = tpu.memref_slice %arg6[%while3A_181, %dma_start3A_218] : memref<79x128xi32, #tpu.memory_space<vmem>> -> memref<1x128xi32, #tpu.memory_space<vmem>>
      %dma_start3A_220 = tpu.memref_squeeze %dma_start3A_219 : memref<1x128xi32, #tpu.memory_space<vmem>> -> memref<128xi32, #tpu.memory_space<vmem>>
      %dma_start3A_221 = arith.constant 0 : i32
      %dma_start3A_222 = arith.constant 0 : i32
      %dma_start3A_223 = tpu.memref_slice %arg9[%dma_start3A_221, %dma_start3A_222] : memref<10112x32xf32, #tpu.memory_space<vmem_shared>> -> memref<10112x32xf32, #tpu.memory_space<vmem_shared>>
      %dma_start3A_224 = tpu.memref_slice %arg11[%select_n3A_193] : memref<6x!tpu.dma_semaphore, #tpu.memory_space<semaphore_mem>> -> memref<1x!tpu.dma_semaphore, #tpu.memory_space<semaphore_mem>>
      %dma_start3A_225 = tpu.memref_squeeze %dma_start3A_224 : memref<1x!tpu.dma_semaphore, #tpu.memory_space<semaphore_mem>> -> memref<!tpu.dma_semaphore, #tpu.memory_space<semaphore_mem>>
      tpu.enqueue_indirect_dma source(%dma_start3A_217 : memref<128x32xf32, #tpu.memory_space<vmem>>) target(%dma_start3A_223 : memref<10112x32xf32, #tpu.memory_space<vmem_shared>>) offsets(%dma_start3A_220 : memref<128xi32, #tpu.memory_space<vmem>>) semaphore(%dma_start3A_225 : memref<!tpu.dma_semaphore, #tpu.memory_space<semaphore_mem>>) {add = true}
      %while3A_226 = arith.constant 0 : i32
      scf.yield %while3A_226 : i32
    }
    %while3A_85 = arith.constant 1 : i32
    %while3A_86 = scf.for %while3A_181 = %while3A_82 to %while3A_78 step %while3A_85 iter_args(%while3A_182 = %while3A_84) -> (i32)  : i32 {
      %jit3A = arith.constant 6 : i32
      %eq3A_183 = arith.constant 0 : i32
      %eq3A_184 = arith.cmpi eq, %jit3A, %eq3A_183 : i32
      %jit3A_185 = arith.constant 1 : i32
      %select_n3A_186 = arith.select %eq3A_184, %jit3A_185, %jit3A : i32
      %rem3A = arith.remsi %while3A_181, %select_n3A_186 : i32
      %ne3A = arith.constant 0 : i32
      %ne3A_187 = arith.cmpi ne, %rem3A, %ne3A : i32
      %lt3A = arith.constant 0 : i32
      %lt3A_188 = arith.cmpi slt, %rem3A, %lt3A : i32
      %lt3A_189 = arith.constant 0 : i32
      %lt3A_190 = arith.cmpi slt, %select_n3A_186, %lt3A_189 : i32
      %ne3A_191 = arith.xori %lt3A_188, %lt3A_190 : i1
      %and3A = arith.andi %ne3A_191, %ne3A_187 : i1
      %add3A_192 = arith.addi %rem3A, %select_n3A_186 : i32
      %select_n3A_193 = arith.select %and3A, %add3A_192, %rem3A : i32
      %add3A_194 = arith.constant 6 : i32
      %add3A_195 = arith.addi %while3A_181, %add3A_194 : i32
      %sub3A_196 = arith.constant 1 : i32
      %sub3A_197 = arith.subi %add3A_195, %sub3A_196 : i32
      %lt3A_198 = arith.cmpi slt, %sub3A_197, %select_n3A_23 : i32
      %convert_element_type3A_199 = arith.extui %lt3A_198 : i1 to i32
      %cond3A_200 = arith.constant 0 : i32
      %cond3A_201 = arith.cmpi ne, %convert_element_type3A_199, %cond3A_200 : i32
      scf.if %cond3A_201 {
        %add3A_227 = arith.constant 6 : i32
        %add3A_228 = arith.addi %while3A_181, %add3A_227 : i32
        %sub3A_229 = arith.constant 1 : i32
        %sub3A_230 = arith.subi %add3A_228, %sub3A_229 : i32
        %jit3A_231 = arith.constant 6 : i32
        %eq3A_232 = arith.constant 0 : i32
        %eq3A_233 = arith.cmpi eq, %jit3A_231, %eq3A_232 : i32
        %jit3A_234 = arith.constant 1 : i32
        %select_n3A_235 = arith.select %eq3A_233, %jit3A_234, %jit3A_231 : i32
        %rem3A_236 = arith.remsi %sub3A_230, %select_n3A_235 : i32
        %ne3A_237 = arith.constant 0 : i32
        %ne3A_238 = arith.cmpi ne, %rem3A_236, %ne3A_237 : i32
        %lt3A_239 = arith.constant 0 : i32
        %lt3A_240 = arith.cmpi slt, %rem3A_236, %lt3A_239 : i32
        %lt3A_241 = arith.constant 0 : i32
        %lt3A_242 = arith.cmpi slt, %select_n3A_235, %lt3A_241 : i32
        %ne3A_243 = arith.xori %lt3A_240, %lt3A_242 : i1
        %and3A_244 = arith.andi %ne3A_243, %ne3A_238 : i1
        %add3A_245 = arith.addi %rem3A_236, %select_n3A_235 : i32
        %select_n3A_246 = arith.select %and3A_244, %add3A_245, %rem3A_236 : i32
        %ge3A_247 = arith.constant 1 : i32
        %ge3A_248 = arith.cmpi sge, %while3A_181, %ge3A_247 : i32
        %convert_element_type3A_249 = arith.extui %ge3A_248 : i1 to i32
        %cond3A_250 = arith.constant 0 : i32
        %cond3A_251 = arith.cmpi ne, %convert_element_type3A_249, %cond3A_250 : i32
        scf.if %cond3A_251 {
          %dma_wait3A_268 = arith.constant 0 : i32
          %dma_wait3A_269 = arith.constant 0 : i32
          %dma_wait3A_270 = arith.constant 0 : i32
          %dma_wait3A_271 = tpu.memref_slice %arg7[%select_n3A_246, %dma_wait3A_269, %dma_wait3A_270] : memref<6x128x32xf32, #tpu.memory_space<vmem>> -> memref<1x128x32xf32, #tpu.memory_space<vmem>>
          %dma_wait3A_272 = tpu.memref_squeeze %dma_wait3A_271 : memref<1x128x32xf32, #tpu.memory_space<vmem>> -> memref<128x32xf32, #tpu.memory_space<vmem>>
          %dma_wait3A_273 = arith.constant 0 : i32
          %dma_wait3A_274 = tpu.memref_slice %arg6[%dma_wait3A_268, %dma_wait3A_273] : memref<79x128xi32, #tpu.memory_space<vmem>> -> memref<1x128xi32, #tpu.memory_space<vmem>>
          %dma_wait3A_275 = tpu.memref_squeeze %dma_wait3A_274 : memref<1x128xi32, #tpu.memory_space<vmem>> -> memref<128xi32, #tpu.memory_space<vmem>>
          %dma_wait3A_276 = arith.constant 0 : i32
          %dma_wait3A_277 = arith.constant 0 : i32
          %dma_wait3A_278 = tpu.memref_slice %arg9[%dma_wait3A_276, %dma_wait3A_277] : memref<10112x32xf32, #tpu.memory_space<vmem_shared>> -> memref<10112x32xf32, #tpu.memory_space<vmem_shared>>
          %dma_wait3A_279 = tpu.memref_slice %arg11[%select_n3A_246] : memref<6x!tpu.dma_semaphore, #tpu.memory_space<semaphore_mem>> -> memref<1x!tpu.dma_semaphore, #tpu.memory_space<semaphore_mem>>
          %dma_wait3A_280 = tpu.memref_squeeze %dma_wait3A_279 : memref<1x!tpu.dma_semaphore, #tpu.memory_space<semaphore_mem>> -> memref<!tpu.dma_semaphore, #tpu.memory_space<semaphore_mem>>
          tpu.wait_indirect_dma semaphore(%dma_wait3A_280 : memref<!tpu.dma_semaphore, #tpu.memory_space<semaphore_mem>>) src(%dma_wait3A_272 : memref<128x32xf32, #tpu.memory_space<vmem>>) dst(%dma_wait3A_278 : memref<10112x32xf32, #tpu.memory_space<vmem_shared>>)
        } else {
        }
        %add3A_252 = arith.constant 6 : i32
        %add3A_253 = arith.addi %while3A_181, %add3A_252 : i32
        %sub3A_254 = arith.constant 1 : i32
        %sub3A_255 = arith.subi %add3A_253, %sub3A_254 : i32
        %dma_start3A_256 = arith.constant 0 : i32
        %dma_start3A_257 = arith.constant 0 : i32
        %dma_start3A_258 = tpu.memref_slice %arg7[%select_n3A_246, %dma_start3A_256, %dma_start3A_257] : memref<6x128x32xf32, #tpu.memory_space<vmem>> -> memref<1x128x32xf32, #tpu.memory_space<vmem>>
        %dma_start3A_259 = tpu.memref_squeeze %dma_start3A_258 : memref<1x128x32xf32, #tpu.memory_space<vmem>> -> memref<128x32xf32, #tpu.memory_space<vmem>>
        %dma_start3A_260 = arith.constant 0 : i32
        %dma_start3A_261 = tpu.memref_slice %arg5[%sub3A_255, %dma_start3A_260] : memref<79x128xi32, #tpu.memory_space<vmem>> -> memref<1x128xi32, #tpu.memory_space<vmem>>
        %dma_start3A_262 = tpu.memref_squeeze %dma_start3A_261 : memref<1x128xi32, #tpu.memory_space<vmem>> -> memref<128xi32, #tpu.memory_space<vmem>>
        %dma_start3A_263 = arith.constant 0 : i32
        %dma_start3A_264 = arith.constant 0 : i32
        %dma_start3A_265 = tpu.memref_slice %arg2[%dma_start3A_263, %dma_start3A_264] : memref<10000x32xf32, #tpu.memory_space<hbm>> -> memref<10000x32xf32, #tpu.memory_space<hbm>>
        %dma_start3A_266 = tpu.memref_slice %arg10[%select_n3A_246] : memref<6x!tpu.dma_semaphore, #tpu.memory_space<semaphore_mem>> -> memref<1x!tpu.dma_semaphore, #tpu.memory_space<semaphore_mem>>
        %dma_start3A_267 = tpu.memref_squeeze %dma_start3A_266 : memref<1x!tpu.dma_semaphore, #tpu.memory_space<semaphore_mem>> -> memref<!tpu.dma_semaphore, #tpu.memory_space<semaphore_mem>>
        tpu.enqueue_indirect_dma source(%dma_start3A_265 : memref<10000x32xf32, #tpu.memory_space<hbm>>) target(%dma_start3A_259 : memref<128x32xf32, #tpu.memory_space<vmem>>) offsets(%dma_start3A_262 : memref<128xi32, #tpu.memory_space<vmem>>) semaphore(%dma_start3A_267 : memref<!tpu.dma_semaphore, #tpu.memory_space<semaphore_mem>>)
      } else {
      }
      %dma_wait3A_202 = arith.constant 0 : i32
      %dma_wait3A_203 = arith.constant 0 : i32
      %dma_wait3A_204 = arith.constant 0 : i32
      %dma_wait3A_205 = tpu.memref_slice %arg7[%select_n3A_193, %dma_wait3A_203, %dma_wait3A_204] : memref<6x128x32xf32, #tpu.memory_space<vmem>> -> memref<1x128x32xf32, #tpu.memory_space<vmem>>
      %dma_wait3A_206 = tpu.memref_squeeze %dma_wait3A_205 : memref<1x128x32xf32, #tpu.memory_space<vmem>> -> memref<128x32xf32, #tpu.memory_space<vmem>>
      %dma_wait3A_207 = arith.constant 0 : i32
      %dma_wait3A_208 = tpu.memref_slice %arg5[%dma_wait3A_202, %dma_wait3A_207] : memref<79x128xi32, #tpu.memory_space<vmem>> -> memref<1x128xi32, #tpu.memory_space<vmem>>
      %dma_wait3A_209 = tpu.memref_squeeze %dma_wait3A_208 : memref<1x128xi32, #tpu.memory_space<vmem>> -> memref<128xi32, #tpu.memory_space<vmem>>
      %dma_wait3A_210 = arith.constant 0 : i32
      %dma_wait3A_211 = arith.constant 0 : i32
      %dma_wait3A_212 = tpu.memref_slice %arg2[%dma_wait3A_210, %dma_wait3A_211] : memref<10000x32xf32, #tpu.memory_space<hbm>> -> memref<10000x32xf32, #tpu.memory_space<hbm>>
      %dma_wait3A_213 = tpu.memref_slice %arg10[%select_n3A_193] : memref<6x!tpu.dma_semaphore, #tpu.memory_space<semaphore_mem>> -> memref<1x!tpu.dma_semaphore, #tpu.memory_space<semaphore_mem>>
      %dma_wait3A_214 = tpu.memref_squeeze %dma_wait3A_213 : memref<1x!tpu.dma_semaphore, #tpu.memory_space<semaphore_mem>> -> memref<!tpu.dma_semaphore, #tpu.memory_space<semaphore_mem>>
      tpu.wait_indirect_dma semaphore(%dma_wait3A_214 : memref<!tpu.dma_semaphore, #tpu.memory_space<semaphore_mem>>) src(%dma_wait3A_212 : memref<10000x32xf32, #tpu.memory_space<hbm>>) dst(%dma_wait3A_206 : memref<128x32xf32, #tpu.memory_space<vmem>>)
      %dma_start3A = arith.constant 0 : i32
      %dma_start3A_215 = arith.constant 0 : i32
      %dma_start3A_216 = tpu.memref_slice %arg7[%select_n3A_193, %dma_start3A, %dma_start3A_215] : memref<6x128x32xf32, #tpu.memory_space<vmem>> -> memref<1x128x32xf32, #tpu.memory_space<vmem>>
      %dma_start3A_217 = tpu.memref_squeeze %dma_start3A_216 : memref<1x128x32xf32, #tpu.memory_space<vmem>> -> memref<128x32xf32, #tpu.memory_space<vmem>>
      %dma_start3A_218 = arith.constant 0 : i32
      %dma_start3A_219 = tpu.memref_slice %arg6[%while3A_181, %dma_start3A_218] : memref<79x128xi32, #tpu.memory_space<vmem>> -> memref<1x128xi32, #tpu.memory_space<vmem>>
      %dma_start3A_220 = tpu.memref_squeeze %dma_start3A_219 : memref<1x128xi32, #tpu.memory_space<vmem>> -> memref<128xi32, #tpu.memory_space<vmem>>
      %dma_start3A_221 = arith.constant 0 : i32
      %dma_start3A_222 = arith.constant 0 : i32
      %dma_start3A_223 = tpu.memref_slice %arg9[%dma_start3A_221, %dma_start3A_222] : memref<10112x32xf32, #tpu.memory_space<vmem_shared>> -> memref<10112x32xf32, #tpu.memory_space<vmem_shared>>
      %dma_start3A_224 = tpu.memref_slice %arg11[%select_n3A_193] : memref<6x!tpu.dma_semaphore, #tpu.memory_space<semaphore_mem>> -> memref<1x!tpu.dma_semaphore, #tpu.memory_space<semaphore_mem>>
      %dma_start3A_225 = tpu.memref_squeeze %dma_start3A_224 : memref<1x!tpu.dma_semaphore, #tpu.memory_space<semaphore_mem>> -> memref<!tpu.dma_semaphore, #tpu.memory_space<semaphore_mem>>
      tpu.enqueue_indirect_dma source(%dma_start3A_217 : memref<128x32xf32, #tpu.memory_space<vmem>>) target(%dma_start3A_223 : memref<10112x32xf32, #tpu.memory_space<vmem_shared>>) offsets(%dma_start3A_220 : memref<128xi32, #tpu.memory_space<vmem>>) semaphore(%dma_start3A_225 : memref<!tpu.dma_semaphore, #tpu.memory_space<semaphore_mem>>) {add = true}
      %while3A_226 = arith.constant 0 : i32
      scf.yield %while3A_226 : i32
    }
    %dma_wait3A = arith.constant 0 : i32
    %dma_wait3A_87 = arith.constant 0 : i32
    %dma_wait3A_88 = arith.constant 0 : i32
    %dma_wait3A_89 = arith.constant 0 : i32
    %dma_wait3A_90 = arith.constant 0 : i32
    %dma_wait3A_91 = tpu.memref_slice %arg7[%dma_wait3A, %dma_wait3A_89, %dma_wait3A_90] : memref<6x128x32xf32, #tpu.memory_space<vmem>> -> memref<1x128x32xf32, #tpu.memory_space<vmem>>
    %dma_wait3A_92 = tpu.memref_squeeze %dma_wait3A_91 : memref<1x128x32xf32, #tpu.memory_space<vmem>> -> memref<128x32xf32, #tpu.memory_space<vmem>>
    %dma_wait3A_93 = arith.constant 0 : i32
    %dma_wait3A_94 = tpu.memref_slice %arg6[%dma_wait3A_87, %dma_wait3A_93] : memref<79x128xi32, #tpu.memory_space<vmem>> -> memref<1x128xi32, #tpu.memory_space<vmem>>
    %dma_wait3A_95 = tpu.memref_squeeze %dma_wait3A_94 : memref<1x128xi32, #tpu.memory_space<vmem>> -> memref<128xi32, #tpu.memory_space<vmem>>
    %dma_wait3A_96 = arith.constant 0 : i32
    %dma_wait3A_97 = arith.constant 0 : i32
    %dma_wait3A_98 = tpu.memref_slice %arg9[%dma_wait3A_96, %dma_wait3A_97] : memref<10112x32xf32, #tpu.memory_space<vmem_shared>> -> memref<10112x32xf32, #tpu.memory_space<vmem_shared>>
    %dma_wait3A_99 = tpu.memref_slice %arg11[%dma_wait3A_88] : memref<6x!tpu.dma_semaphore, #tpu.memory_space<semaphore_mem>> -> memref<1x!tpu.dma_semaphore, #tpu.memory_space<semaphore_mem>>
    %dma_wait3A_100 = tpu.memref_squeeze %dma_wait3A_99 : memref<1x!tpu.dma_semaphore, #tpu.memory_space<semaphore_mem>> -> memref<!tpu.dma_semaphore, #tpu.memory_space<semaphore_mem>>
    tpu.wait_indirect_dma semaphore(%dma_wait3A_100 : memref<!tpu.dma_semaphore, #tpu.memory_space<semaphore_mem>>) src(%dma_wait3A_92 : memref<128x32xf32, #tpu.memory_space<vmem>>) dst(%dma_wait3A_98 : memref<10112x32xf32, #tpu.memory_space<vmem_shared>>)
    %dma_wait3A_101 = arith.constant 1 : i32
    %dma_wait3A_102 = arith.constant 0 : i32
    %dma_wait3A_103 = arith.constant 1 : i32
    %dma_wait3A_104 = arith.constant 0 : i32
    %dma_wait3A_105 = arith.constant 0 : i32
    %dma_wait3A_106 = tpu.memref_slice %arg7[%dma_wait3A_101, %dma_wait3A_104, %dma_wait3A_105] : memref<6x128x32xf32, #tpu.memory_space<vmem>> -> memref<1x128x32xf32, #tpu.memory_space<vmem>>
    %dma_wait3A_107 = tpu.memref_squeeze %dma_wait3A_106 : memref<1x128x32xf32, #tpu.memory_space<vmem>> -> memref<128x32xf32, #tpu.memory_space<vmem>>
    %dma_wait3A_108 = arith.constant 0 : i32
    %dma_wait3A_109 = tpu.memref_slice %arg6[%dma_wait3A_102, %dma_wait3A_108] : memref<79x128xi32, #tpu.memory_space<vmem>> -> memref<1x128xi32, #tpu.memory_space<vmem>>
    %dma_wait3A_110 = tpu.memref_squeeze %dma_wait3A_109 : memref<1x128xi32, #tpu.memory_space<vmem>> -> memref<128xi32, #tpu.memory_space<vmem>>
    %dma_wait3A_111 = arith.constant 0 : i32
    %dma_wait3A_112 = arith.constant 0 : i32
    %dma_wait3A_113 = tpu.memref_slice %arg9[%dma_wait3A_111, %dma_wait3A_112] : memref<10112x32xf32, #tpu.memory_space<vmem_shared>> -> memref<10112x32xf32, #tpu.memory_space<vmem_shared>>
    %dma_wait3A_114 = tpu.memref_slice %arg11[%dma_wait3A_103] : memref<6x!tpu.dma_semaphore, #tpu.memory_space<semaphore_mem>> -> memref<1x!tpu.dma_semaphore, #tpu.memory_space<semaphore_mem>>
    %dma_wait3A_115 = tpu.memref_squeeze %dma_wait3A_114 : memref<1x!tpu.dma_semaphore, #tpu.memory_space<semaphore_mem>> -> memref<!tpu.dma_semaphore, #tpu.memory_space<semaphore_mem>>
    tpu.wait_indirect_dma semaphore(%dma_wait3A_115 : memref<!tpu.dma_semaphore, #tpu.memory_space<semaphore_mem>>) src(%dma_wait3A_107 : memref<128x32xf32, #tpu.memory_space<vmem>>) dst(%dma_wait3A_113 : memref<10112x32xf32, #tpu.memory_space<vmem_shared>>)
    %dma_wait3A_116 = arith.constant 2 : i32
    %dma_wait3A_117 = arith.constant 0 : i32
    %dma_wait3A_118 = arith.constant 2 : i32
    %dma_wait3A_119 = arith.constant 0 : i32
    %dma_wait3A_120 = arith.constant 0 : i32
    %dma_wait3A_121 = tpu.memref_slice %arg7[%dma_wait3A_116, %dma_wait3A_119, %dma_wait3A_120] : memref<6x128x32xf32, #tpu.memory_space<vmem>> -> memref<1x128x32xf32, #tpu.memory_space<vmem>>
    %dma_wait3A_122 = tpu.memref_squeeze %dma_wait3A_121 : memref<1x128x32xf32, #tpu.memory_space<vmem>> -> memref<128x32xf32, #tpu.memory_space<vmem>>
    %dma_wait3A_123 = arith.constant 0 : i32
    %dma_wait3A_124 = tpu.memref_slice %arg6[%dma_wait3A_117, %dma_wait3A_123] : memref<79x128xi32, #tpu.memory_space<vmem>> -> memref<1x128xi32, #tpu.memory_space<vmem>>
    %dma_wait3A_125 = tpu.memref_squeeze %dma_wait3A_124 : memref<1x128xi32, #tpu.memory_space<vmem>> -> memref<128xi32, #tpu.memory_space<vmem>>
    %dma_wait3A_126 = arith.constant 0 : i32
    %dma_wait3A_127 = arith.constant 0 : i32
    %dma_wait3A_128 = tpu.memref_slice %arg9[%dma_wait3A_126, %dma_wait3A_127] : memref<10112x32xf32, #tpu.memory_space<vmem_shared>> -> memref<10112x32xf32, #tpu.memory_space<vmem_shared>>
    %dma_wait3A_129 = tpu.memref_slice %arg11[%dma_wait3A_118] : memref<6x!tpu.dma_semaphore, #tpu.memory_space<semaphore_mem>> -> memref<1x!tpu.dma_semaphore, #tpu.memory_space<semaphore_mem>>
    %dma_wait3A_130 = tpu.memref_squeeze %dma_wait3A_129 : memref<1x!tpu.dma_semaphore, #tpu.memory_space<semaphore_mem>> -> memref<!tpu.dma_semaphore, #tpu.memory_space<semaphore_mem>>
    tpu.wait_indirect_dma semaphore(%dma_wait3A_130 : memref<!tpu.dma_semaphore, #tpu.memory_space<semaphore_mem>>) src(%dma_wait3A_122 : memref<128x32xf32, #tpu.memory_space<vmem>>) dst(%dma_wait3A_128 : memref<10112x32xf32, #tpu.memory_space<vmem_shared>>)
    %dma_wait3A_131 = arith.constant 3 : i32
    %dma_wait3A_132 = arith.constant 0 : i32
    %dma_wait3A_133 = arith.constant 3 : i32
    %dma_wait3A_134 = arith.constant 0 : i32
    %dma_wait3A_135 = arith.constant 0 : i32
    %dma_wait3A_136 = tpu.memref_slice %arg7[%dma_wait3A_131, %dma_wait3A_134, %dma_wait3A_135] : memref<6x128x32xf32, #tpu.memory_space<vmem>> -> memref<1x128x32xf32, #tpu.memory_space<vmem>>
    %dma_wait3A_137 = tpu.memref_squeeze %dma_wait3A_136 : memref<1x128x32xf32, #tpu.memory_space<vmem>> -> memref<128x32xf32, #tpu.memory_space<vmem>>
    %dma_wait3A_138 = arith.constant 0 : i32
    %dma_wait3A_139 = tpu.memref_slice %arg6[%dma_wait3A_132, %dma_wait3A_138] : memref<79x128xi32, #tpu.memory_space<vmem>> -> memref<1x128xi32, #tpu.memory_space<vmem>>
    %dma_wait3A_140 = tpu.memref_squeeze %dma_wait3A_139 : memref<1x128xi32, #tpu.memory_space<vmem>> -> memref<128xi32, #tpu.memory_space<vmem>>
    %dma_wait3A_141 = arith.constant 0 : i32
    %dma_wait3A_142 = arith.constant 0 : i32
    %dma_wait3A_143 = tpu.memref_slice %arg9[%dma_wait3A_141, %dma_wait3A_142] : memref<10112x32xf32, #tpu.memory_space<vmem_shared>> -> memref<10112x32xf32, #tpu.memory_space<vmem_shared>>
    %dma_wait3A_144 = tpu.memref_slice %arg11[%dma_wait3A_133] : memref<6x!tpu.dma_semaphore, #tpu.memory_space<semaphore_mem>> -> memref<1x!tpu.dma_semaphore, #tpu.memory_space<semaphore_mem>>
    %dma_wait3A_145 = tpu.memref_squeeze %dma_wait3A_144 : memref<1x!tpu.dma_semaphore, #tpu.memory_space<semaphore_mem>> -> memref<!tpu.dma_semaphore, #tpu.memory_space<semaphore_mem>>
    tpu.wait_indirect_dma semaphore(%dma_wait3A_145 : memref<!tpu.dma_semaphore, #tpu.memory_space<semaphore_mem>>) src(%dma_wait3A_137 : memref<128x32xf32, #tpu.memory_space<vmem>>) dst(%dma_wait3A_143 : memref<10112x32xf32, #tpu.memory_space<vmem_shared>>)
    %dma_wait3A_146 = arith.constant 4 : i32
    %dma_wait3A_147 = arith.constant 0 : i32
    %dma_wait3A_148 = arith.constant 4 : i32
    %dma_wait3A_149 = arith.constant 0 : i32
    %dma_wait3A_150 = arith.constant 0 : i32
    %dma_wait3A_151 = tpu.memref_slice %arg7[%dma_wait3A_146, %dma_wait3A_149, %dma_wait3A_150] : memref<6x128x32xf32, #tpu.memory_space<vmem>> -> memref<1x128x32xf32, #tpu.memory_space<vmem>>
    %dma_wait3A_152 = tpu.memref_squeeze %dma_wait3A_151 : memref<1x128x32xf32, #tpu.memory_space<vmem>> -> memref<128x32xf32, #tpu.memory_space<vmem>>
    %dma_wait3A_153 = arith.constant 0 : i32
    %dma_wait3A_154 = tpu.memref_slice %arg6[%dma_wait3A_147, %dma_wait3A_153] : memref<79x128xi32, #tpu.memory_space<vmem>> -> memref<1x128xi32, #tpu.memory_space<vmem>>
    %dma_wait3A_155 = tpu.memref_squeeze %dma_wait3A_154 : memref<1x128xi32, #tpu.memory_space<vmem>> -> memref<128xi32, #tpu.memory_space<vmem>>
    %dma_wait3A_156 = arith.constant 0 : i32
    %dma_wait3A_157 = arith.constant 0 : i32
    %dma_wait3A_158 = tpu.memref_slice %arg9[%dma_wait3A_156, %dma_wait3A_157] : memref<10112x32xf32, #tpu.memory_space<vmem_shared>> -> memref<10112x32xf32, #tpu.memory_space<vmem_shared>>
    %dma_wait3A_159 = tpu.memref_slice %arg11[%dma_wait3A_148] : memref<6x!tpu.dma_semaphore, #tpu.memory_space<semaphore_mem>> -> memref<1x!tpu.dma_semaphore, #tpu.memory_space<semaphore_mem>>
    %dma_wait3A_160 = tpu.memref_squeeze %dma_wait3A_159 : memref<1x!tpu.dma_semaphore, #tpu.memory_space<semaphore_mem>> -> memref<!tpu.dma_semaphore, #tpu.memory_space<semaphore_mem>>
    tpu.wait_indirect_dma semaphore(%dma_wait3A_160 : memref<!tpu.dma_semaphore, #tpu.memory_space<semaphore_mem>>) src(%dma_wait3A_152 : memref<128x32xf32, #tpu.memory_space<vmem>>) dst(%dma_wait3A_158 : memref<10112x32xf32, #tpu.memory_space<vmem_shared>>)
    %dma_wait3A_161 = arith.constant 5 : i32
    %dma_wait3A_162 = arith.constant 0 : i32
    %dma_wait3A_163 = arith.constant 5 : i32
    %dma_wait3A_164 = arith.constant 0 : i32
    %dma_wait3A_165 = arith.constant 0 : i32
    %dma_wait3A_166 = tpu.memref_slice %arg7[%dma_wait3A_161, %dma_wait3A_164, %dma_wait3A_165] : memref<6x128x32xf32, #tpu.memory_space<vmem>> -> memref<1x128x32xf32, #tpu.memory_space<vmem>>
    %dma_wait3A_167 = tpu.memref_squeeze %dma_wait3A_166 : memref<1x128x32xf32, #tpu.memory_space<vmem>> -> memref<128x32xf32, #tpu.memory_space<vmem>>
    %dma_wait3A_168 = arith.constant 0 : i32
    %dma_wait3A_169 = tpu.memref_slice %arg6[%dma_wait3A_162, %dma_wait3A_168] : memref<79x128xi32, #tpu.memory_space<vmem>> -> memref<1x128xi32, #tpu.memory_space<vmem>>
    %dma_wait3A_170 = tpu.memref_squeeze %dma_wait3A_169 : memref<1x128xi32, #tpu.memory_space<vmem>> -> memref<128xi32, #tpu.memory_space<vmem>>
    %dma_wait3A_171 = arith.constant 0 : i32
    %dma_wait3A_172 = arith.constant 0 : i32
    %dma_wait3A_173 = tpu.memref_slice %arg9[%dma_wait3A_171, %dma_wait3A_172] : memref<10112x32xf32, #tpu.memory_space<vmem_shared>> -> memref<10112x32xf32, #tpu.memory_space<vmem_shared>>
    %dma_wait3A_174 = tpu.memref_slice %arg11[%dma_wait3A_163] : memref<6x!tpu.dma_semaphore, #tpu.memory_space<semaphore_mem>> -> memref<1x!tpu.dma_semaphore, #tpu.memory_space<semaphore_mem>>
    %dma_wait3A_175 = tpu.memref_squeeze %dma_wait3A_174 : memref<1x!tpu.dma_semaphore, #tpu.memory_space<semaphore_mem>> -> memref<!tpu.dma_semaphore, #tpu.memory_space<semaphore_mem>>
    tpu.wait_indirect_dma semaphore(%dma_wait3A_175 : memref<!tpu.dma_semaphore, #tpu.memory_space<semaphore_mem>>) src(%dma_wait3A_167 : memref<128x32xf32, #tpu.memory_space<vmem>>) dst(%dma_wait3A_173 : memref<10112x32xf32, #tpu.memory_space<vmem_shared>>)
    %barrier3A_176 = arith.constant 0 : index
    tpu.barrier barrier_id(%barrier3A_176)
    %mul3A_177 = arith.constant 632 : i32
    %mul3A_178 = arith.muli %arg1, %mul3A_177 : i32
    "tpu.region"() ({
      %run_scoped3A = tpu.sem_alloc : memref<!tpu.dma_semaphore, #tpu.memory_space<semaphore_mem>>
      %dma_start3A = arith.constant 0 : i32
      %dma_start3A_181 = tpu.memref_slice %arg9[%mul3A_178, %dma_start3A] : memref<10112x32xf32, #tpu.memory_space<vmem_shared>> -> memref<632x32xf32, #tpu.memory_space<vmem_shared>>
      %dma_start3A_182 = arith.constant 0 : i32
      %dma_start3A_183 = tpu.memref_slice %arg9[%mul3A_178, %dma_start3A_182] : memref<10112x32xf32, #tpu.memory_space<vmem_shared>> -> memref<632x32xf32, #tpu.memory_space<vmem_shared>>
      tpu.enqueue_dma source(%dma_start3A_183 : memref<632x32xf32, #tpu.memory_space<vmem_shared>>) target(%arg8 : memref<632x32xf32, #tpu.memory_space<vmem>>) target_semaphore(%run_scoped3A : memref<!tpu.dma_semaphore, #tpu.memory_space<semaphore_mem>>)
      %dma_wait3A_184 = arith.constant 0 : i32
      %dma_wait3A_185 = tpu.memref_slice %arg9[%mul3A_178, %dma_wait3A_184] : memref<10112x32xf32, #tpu.memory_space<vmem_shared>> -> memref<632x32xf32, #tpu.memory_space<vmem_shared>>
      %dma_wait3A_186 = arith.constant 0 : i32
      %dma_wait3A_187 = tpu.memref_slice %arg9[%mul3A_178, %dma_wait3A_186] : memref<10112x32xf32, #tpu.memory_space<vmem_shared>> -> memref<632x32xf32, #tpu.memory_space<vmem_shared>>
      tpu.wait_dma2 semaphore(%run_scoped3A : memref<!tpu.dma_semaphore, #tpu.memory_space<semaphore_mem>>) src(%dma_wait3A_187 : memref<632x32xf32, #tpu.memory_space<vmem_shared>>) dst(%arg8 : memref<632x32xf32, #tpu.memory_space<vmem>>)
      tpu.yield
    }) : () -> ()
    %mul3A_179 = arith.constant 632 : i32
    %mul3A_180 = arith.muli %arg1, %mul3A_179 : i32
    "tpu.region"() ({
      %run_scoped3A = tpu.sem_alloc : memref<!tpu.dma_semaphore, #tpu.memory_space<semaphore_mem>>
      %dma_start3A = arith.constant 0 : i32
      %dma_start3A_181 = tpu.memref_slice %arg4[%arg0, %mul3A_180, %dma_start3A] : memref<2x10112x32xf32, #tpu.memory_space<hbm>> -> memref<1x632x32xf32, #tpu.memory_space<hbm>>
      %dma_start3A_182 = tpu.memref_squeeze %dma_start3A_181 : memref<1x632x32xf32, #tpu.memory_space<hbm>> -> memref<632x32xf32, #tpu.memory_space<hbm>>
      %dma_start3A_183 = arith.constant 0 : i32
      %dma_start3A_184 = tpu.memref_slice %arg4[%arg0, %mul3A_180, %dma_start3A_183] : memref<2x10112x32xf32, #tpu.memory_space<hbm>> -> memref<1x632x32xf32, #tpu.memory_space<hbm>>
      %dma_start3A_185 = tpu.memref_squeeze %dma_start3A_184 : memref<1x632x32xf32, #tpu.memory_space<hbm>> -> memref<632x32xf32, #tpu.memory_space<hbm>>
      tpu.enqueue_dma source(%arg8 : memref<632x32xf32, #tpu.memory_space<vmem>>) target(%dma_start3A_185 : memref<632x32xf32, #tpu.memory_space<hbm>>) target_semaphore(%run_scoped3A : memref<!tpu.dma_semaphore, #tpu.memory_space<semaphore_mem>>)
      %dma_wait3A_186 = arith.constant 0 : i32
      %dma_wait3A_187 = tpu.memref_slice %arg4[%arg0, %mul3A_180, %dma_wait3A_186] : memref<2x10112x32xf32, #tpu.memory_space<hbm>> -> memref<1x632x32xf32, #tpu.memory_space<hbm>>
      %dma_wait3A_188 = tpu.memref_squeeze %dma_wait3A_187 : memref<1x632x32xf32, #tpu.memory_space<hbm>> -> memref<632x32xf32, #tpu.memory_space<hbm>>
      %dma_wait3A_189 = arith.constant 0 : i32
      %dma_wait3A_190 = tpu.memref_slice %arg4[%arg0, %mul3A_180, %dma_wait3A_189] : memref<2x10112x32xf32, #tpu.memory_space<hbm>> -> memref<1x632x32xf32, #tpu.memory_space<hbm>>
      %dma_wait3A_191 = tpu.memref_squeeze %dma_wait3A_190 : memref<1x632x32xf32, #tpu.memory_space<hbm>> -> memref<632x32xf32, #tpu.memory_space<hbm>>
      tpu.wait_dma2 semaphore(%run_scoped3A : memref<!tpu.dma_semaphore, #tpu.memory_space<semaphore_mem>>) src(%arg8 : memref<632x32xf32, #tpu.memory_space<vmem>>) dst(%dma_wait3A_191 : memref<632x32xf32, #tpu.memory_space<hbm>>)
      tpu.yield
    }) : () -> ()
    return
  }
}

#map = affine_map<(d0, d1) -> (0, 0)>
#map1 = affine_map<(d0, d1) -> (0, 0, 0)>
module attributes {stable_mosaic.version = 14 : i64} {
  func.func @_seg_kernel_body(%arg0: i32, %arg1: i32, %arg2: memref<10000x32xf32, #tpu.memory_space<hbm>>, %arg3: memref<2x2500x128xi32, #tpu.memory_space<hbm>>, %arg4: memref<2x10112x32xf32, #tpu.memory_space<hbm>>, %arg5: memref<79x128xi32, #tpu.memory_space<vmem>>, %arg6: memref<79x128xi32, #tpu.memory_space<vmem>>, %arg7: memref<6x128x32xf32, #tpu.memory_space<vmem>>, %arg8: memref<632x32xf32, #tpu.memory_space<vmem>>, %arg9: memref<10112x32xf32, #tpu.memory_space<vmem_shared>>, %arg10: memref<6x!tpu.dma_semaphore, #tpu.memory_space<semaphore_mem>>, %arg11: memref<6x!tpu.dma_semaphore, #tpu.memory_space<semaphore_mem>>, %arg12: memref<!tpu.dma_semaphore, #tpu.memory_space<semaphore_mem>>) attributes {dimension_semantics = [#tpu.dimension_semantics<core_parallel>, #tpu.dimension_semantics<subcore_parallel>], iteration_bounds = array<i64: 2, 16>, scalar_prefetch = 0 : i64, scratch_operands = 8 : i64, tpu.core_type = #tpu.core_type<sc_vector_subcore>, window_params = [{transform_indices = #map}, {transform_indices = #map1}, {transform_indices = #map1}]} {
    %eq3A = arith.constant 0 : i32
    %eq3A_0 = arith.cmpi eq, %arg0, %eq3A : i32
    %mul3A = arith.constant 78 : i32
    %mul3A_1 = arith.muli %arg1, %mul3A : i32
    %add3A = arith.constant 1240 : i32
    %add3A_2 = arith.addi %add3A, %mul3A_1 : i32
    %sub3A = arith.constant 4 : i32
    %sub3A_3 = arith.subi %arg1, %sub3A : i32
    %max3A = arith.constant 0 : i32
    %max3A_4 = arith.maxsi %sub3A_3, %max3A : i32
    %add3A_5 = arith.addi %add3A_2, %max3A_4 : i32
    %mul3A_6 = arith.constant 77 : i32
    %mul3A_7 = arith.muli %arg1, %mul3A_6 : i32
    %sub3A_8 = arith.constant 8 : i32
    %sub3A_9 = arith.subi %arg1, %sub3A_8 : i32
    %max3A_10 = arith.constant 0 : i32
    %max3A_11 = arith.maxsi %sub3A_9, %max3A_10 : i32
    %add3A_12 = arith.addi %mul3A_7, %max3A_11 : i32
    %select_n3A = arith.select %eq3A_0, %add3A_5, %add3A_12 : i32
    %eq3A_13 = arith.constant 0 : i32
    %eq3A_14 = arith.cmpi eq, %arg0, %eq3A_13 : i32
    %ge3A = arith.constant 4 : i32
    %ge3A_15 = arith.cmpi sge, %arg1, %ge3A : i32
    %convert_element_type3A = arith.extui %ge3A_15 : i1 to i32
    %add3A_16 = arith.constant 78 : i32
    %add3A_17 = arith.addi %add3A_16, %convert_element_type3A : i32
    %ge3A_18 = arith.constant 8 : i32
    %ge3A_19 = arith.cmpi sge, %arg1, %ge3A_18 : i32
    %convert_element_type3A_20 = arith.extui %ge3A_19 : i1 to i32
    %add3A_21 = arith.constant 77 : i32
    %add3A_22 = arith.addi %add3A_21, %convert_element_type3A_20 : i32
    %select_n3A_23 = arith.select %eq3A_14, %add3A_17, %add3A_22 : i32
    %eq3A_24 = arith.constant 0 : i32
    %eq3A_25 = arith.cmpi eq, %arg0, %eq3A_24 : i32
    %convert_element_type3A_26 = arith.extui %eq3A_25 : i1 to i32
    %cond3A = arith.constant 0 : i32
    %cond3A_27 = arith.cmpi ne, %convert_element_type3A_26, %cond3A : i32
    scf.if %cond3A_27 {
      %dma_start3A = arith.constant 0 : i32
      %dma_start3A_181 = arith.constant 0 : i32
      %dma_start3A_182 = arith.constant 0 : i32
      %dma_start3A_183 = tpu.memref_slice %arg5[%dma_start3A_181, %dma_start3A_182] : memref<79x128xi32, #tpu.memory_space<vmem>> -> memref<79x128xi32, #tpu.memory_space<vmem>>
      %dma_start3A_184 = arith.constant 0 : i32
      %dma_start3A_185 = tpu.memref_slice %arg3[%dma_start3A, %select_n3A, %dma_start3A_184] : memref<2x2500x128xi32, #tpu.memory_space<hbm>> -> memref<1x79x128xi32, #tpu.memory_space<hbm>>
      %dma_start3A_186 = tpu.memref_squeeze %dma_start3A_185 : memref<1x79x128xi32, #tpu.memory_space<hbm>> -> memref<79x128xi32, #tpu.memory_space<hbm>>
      %dma_start3A_187 = arith.constant 0 : i32
      %dma_start3A_188 = arith.constant 0 : i32
      %dma_start3A_189 = tpu.memref_slice %arg5[%dma_start3A_187, %dma_start3A_188] : memref<79x128xi32, #tpu.memory_space<vmem>> -> memref<79x128xi32, #tpu.memory_space<vmem>>
      %dma_start3A_190 = arith.constant 0 : i32
      %dma_start3A_191 = tpu.memref_slice %arg3[%dma_start3A, %select_n3A, %dma_start3A_190] : memref<2x2500x128xi32, #tpu.memory_space<hbm>> -> memref<1x79x128xi32, #tpu.memory_space<hbm>>
      %dma_start3A_192 = tpu.memref_squeeze %dma_start3A_191 : memref<1x79x128xi32, #tpu.memory_space<hbm>> -> memref<79x128xi32, #tpu.memory_space<hbm>>
      tpu.enqueue_dma source(%dma_start3A_192 : memref<79x128xi32, #tpu.memory_space<hbm>>) target(%dma_start3A_189 : memref<79x128xi32, #tpu.memory_space<vmem>>) target_semaphore(%arg12 : memref<!tpu.dma_semaphore, #tpu.memory_space<semaphore_mem>>)
      %dma_start3A_193 = arith.constant 1 : i32
      %dma_start3A_194 = arith.constant 0 : i32
      %dma_start3A_195 = arith.constant 0 : i32
      %dma_start3A_196 = tpu.memref_slice %arg6[%dma_start3A_194, %dma_start3A_195] : memref<79x128xi32, #tpu.memory_space<vmem>> -> memref<79x128xi32, #tpu.memory_space<vmem>>
      %dma_start3A_197 = arith.constant 0 : i32
      %dma_start3A_198 = tpu.memref_slice %arg3[%dma_start3A_193, %select_n3A, %dma_start3A_197] : memref<2x2500x128xi32, #tpu.memory_space<hbm>> -> memref<1x79x128xi32, #tpu.memory_space<hbm>>
      %dma_start3A_199 = tpu.memref_squeeze %dma_start3A_198 : memref<1x79x128xi32, #tpu.memory_space<hbm>> -> memref<79x128xi32, #tpu.memory_space<hbm>>
      %dma_start3A_200 = arith.constant 0 : i32
      %dma_start3A_201 = arith.constant 0 : i32
      %dma_start3A_202 = tpu.memref_slice %arg6[%dma_start3A_200, %dma_start3A_201] : memref<79x128xi32, #tpu.memory_space<vmem>> -> memref<79x128xi32, #tpu.memory_space<vmem>>
      %dma_start3A_203 = arith.constant 0 : i32
      %dma_start3A_204 = tpu.memref_slice %arg3[%dma_start3A_193, %select_n3A, %dma_start3A_203] : memref<2x2500x128xi32, #tpu.memory_space<hbm>> -> memref<1x79x128xi32, #tpu.memory_space<hbm>>
      %dma_start3A_205 = tpu.memref_squeeze %dma_start3A_204 : memref<1x79x128xi32, #tpu.memory_space<hbm>> -> memref<79x128xi32, #tpu.memory_space<hbm>>
      tpu.enqueue_dma source(%dma_start3A_205 : memref<79x128xi32, #tpu.memory_space<hbm>>) target(%dma_start3A_202 : memref<79x128xi32, #tpu.memory_space<vmem>>) target_semaphore(%arg12 : memref<!tpu.dma_semaphore, #tpu.memory_space<semaphore_mem>>)
    } else {
    }
    %eq3A_28 = arith.constant 1 : i32
    %eq3A_29 = arith.cmpi eq, %arg0, %eq3A_28 : i32
    %convert_element_type3A_30 = arith.extui %eq3A_29 : i1 to i32
    %cond3A_31 = arith.constant 0 : i32
    %cond3A_32 = arith.cmpi ne, %convert_element_type3A_30, %cond3A_31 : i32
    scf.if %cond3A_32 {
      %dma_start3A = arith.constant 0 : i32
      %dma_start3A_181 = arith.constant 0 : i32
      %dma_start3A_182 = arith.constant 0 : i32
      %dma_start3A_183 = tpu.memref_slice %arg5[%dma_start3A_181, %dma_start3A_182] : memref<79x128xi32, #tpu.memory_space<vmem>> -> memref<78x128xi32, #tpu.memory_space<vmem>>
      %dma_start3A_184 = arith.constant 0 : i32
      %dma_start3A_185 = tpu.memref_slice %arg3[%dma_start3A, %select_n3A, %dma_start3A_184] : memref<2x2500x128xi32, #tpu.memory_space<hbm>> -> memref<1x78x128xi32, #tpu.memory_space<hbm>>
      %dma_start3A_186 = tpu.memref_squeeze %dma_start3A_185 : memref<1x78x128xi32, #tpu.memory_space<hbm>> -> memref<78x128xi32, #tpu.memory_space<hbm>>
      %dma_start3A_187 = arith.constant 0 : i32
      %dma_start3A_188 = arith.constant 0 : i32
      %dma_start3A_189 = tpu.memref_slice %arg5[%dma_start3A_187, %dma_start3A_188] : memref<79x128xi32, #tpu.memory_space<vmem>> -> memref<78x128xi32, #tpu.memory_space<vmem>>
      %dma_start3A_190 = arith.constant 0 : i32
      %dma_start3A_191 = tpu.memref_slice %arg3[%dma_start3A, %select_n3A, %dma_start3A_190] : memref<2x2500x128xi32, #tpu.memory_space<hbm>> -> memref<1x78x128xi32, #tpu.memory_space<hbm>>
      %dma_start3A_192 = tpu.memref_squeeze %dma_start3A_191 : memref<1x78x128xi32, #tpu.memory_space<hbm>> -> memref<78x128xi32, #tpu.memory_space<hbm>>
      tpu.enqueue_dma source(%dma_start3A_192 : memref<78x128xi32, #tpu.memory_space<hbm>>) target(%dma_start3A_189 : memref<78x128xi32, #tpu.memory_space<vmem>>) target_semaphore(%arg12 : memref<!tpu.dma_semaphore, #tpu.memory_space<semaphore_mem>>)
      %dma_start3A_193 = arith.constant 1 : i32
      %dma_start3A_194 = arith.constant 0 : i32
      %dma_start3A_195 = arith.constant 0 : i32
      %dma_start3A_196 = tpu.memref_slice %arg6[%dma_start3A_194, %dma_start3A_195] : memref<79x128xi32, #tpu.memory_space<vmem>> -> memref<78x128xi32, #tpu.memory_space<vmem>>
      %dma_start3A_197 = arith.constant 0 : i32
      %dma_start3A_198 = tpu.memref_slice %arg3[%dma_start3A_193, %select_n3A, %dma_start3A_197] : memref<2x2500x128xi32, #tpu.memory_space<hbm>> -> memref<1x78x128xi32, #tpu.memory_space<hbm>>
      %dma_start3A_199 = tpu.memref_squeeze %dma_start3A_198 : memref<1x78x128xi32, #tpu.memory_space<hbm>> -> memref<78x128xi32, #tpu.memory_space<hbm>>
      %dma_start3A_200 = arith.constant 0 : i32
      %dma_start3A_201 = arith.constant 0 : i32
      %dma_start3A_202 = tpu.memref_slice %arg6[%dma_start3A_200, %dma_start3A_201] : memref<79x128xi32, #tpu.memory_space<vmem>> -> memref<78x128xi32, #tpu.memory_space<vmem>>
      %dma_start3A_203 = arith.constant 0 : i32
      %dma_start3A_204 = tpu.memref_slice %arg3[%dma_start3A_193, %select_n3A, %dma_start3A_203] : memref<2x2500x128xi32, #tpu.memory_space<hbm>> -> memref<1x78x128xi32, #tpu.memory_space<hbm>>
      %dma_start3A_205 = tpu.memref_squeeze %dma_start3A_204 : memref<1x78x128xi32, #tpu.memory_space<hbm>> -> memref<78x128xi32, #tpu.memory_space<hbm>>
      tpu.enqueue_dma source(%dma_start3A_205 : memref<78x128xi32, #tpu.memory_space<hbm>>) target(%dma_start3A_202 : memref<78x128xi32, #tpu.memory_space<vmem>>) target_semaphore(%arg12 : memref<!tpu.dma_semaphore, #tpu.memory_space<semaphore_mem>>)
    } else {
    }
    %broadcast_in_dim3A = arith.constant 0.000000e+00 : f32
    %broadcast_in_dim3A_33 = vector.broadcast %broadcast_in_dim3A : f32 to vector<16xf32>
    %scan3A = arith.constant 0 : i32
    %scan3A_34 = arith.constant 0 : i32
    %scan3A_35 = arith.constant 632 : i32
    %scan3A_36 = arith.addi %scan3A_34, %scan3A_35 : i32
    %scan3A_37 = arith.constant 1 : i32
    %scan3A_38 = scf.for %scan3A_181 = %scan3A_34 to %scan3A_36 step %scan3A_37 iter_args(%scan3A_182 = %scan3A) -> (i32)  : i32 {
      %swap3A = arith.index_cast %scan3A_181 : i32 to index
      %swap3A_183 = arith.constant 0 : index
      %swap3A_184 = tpu.vector_load %arg8[%swap3A, %swap3A_183] {strides = array<i32>} : memref<632x32xf32, #tpu.memory_space<vmem>>, vector<1x16xf32>,
      %swap3A_185 = vector.shape_cast %swap3A_184 : vector<1x16xf32> to vector<16xf32>
      %swap3A_186 = vector.shape_cast %broadcast_in_dim3A_33 : vector<16xf32> to vector<1x16xf32>
      tpu.vector_store %arg8[%swap3A, %swap3A_183], %swap3A_186 {strides = array<i32>} : memref<632x32xf32, #tpu.memory_space<vmem>>, vector<1x16xf32>,
      %swap3A_187 = arith.index_cast %scan3A_181 : i32 to index
      %swap3A_188 = arith.constant 16 : index
      %swap3A_189 = tpu.vector_load %arg8[%swap3A_187, %swap3A_188] {strides = array<i32>} : memref<632x32xf32, #tpu.memory_space<vmem>>, vector<1x16xf32>,
      %swap3A_190 = vector.shape_cast %swap3A_189 : vector<1x16xf32> to vector<16xf32>
      %swap3A_191 = vector.shape_cast %broadcast_in_dim3A_33 : vector<16xf32> to vector<1x16xf32>
      tpu.vector_store %arg8[%swap3A_187, %swap3A_188], %swap3A_191 {strides = array<i32>} : memref<632x32xf32, #tpu.memory_space<vmem>>, vector<1x16xf32>,
      %scan3A_192 = arith.constant 0 : i32
      scf.yield %scan3A_192 : i32
    }
    %scan3A_39 = arith.constant 632 : i32
    %mul3A_40 = arith.constant 632 : i32
    %mul3A_41 = arith.muli %arg1, %mul3A_40 : i32
    "tpu.region"() ({
      %run_scoped3A = tpu.sem_alloc : memref<!tpu.dma_semaphore, #tpu.memory_space<semaphore_mem>>
      %dma_start3A = arith.constant 0 : i32
      %dma_start3A_181 = tpu.memref_slice %arg9[%mul3A_41, %dma_start3A] : memref<10112x32xf32, #tpu.memory_space<vmem_shared>> -> memref<632x32xf32, #tpu.memory_space<vmem_shared>>
      %dma_start3A_182 = arith.constant 0 : i32
      %dma_start3A_183 = tpu.memref_slice %arg9[%mul3A_41, %dma_start3A_182] : memref<10112x32xf32, #tpu.memory_space<vmem_shared>> -> memref<632x32xf32, #tpu.memory_space<vmem_shared>>
      tpu.enqueue_dma source(%arg8 : memref<632x32xf32, #tpu.memory_space<vmem>>) target(%dma_start3A_183 : memref<632x32xf32, #tpu.memory_space<vmem_shared>>) target_semaphore(%run_scoped3A : memref<!tpu.dma_semaphore, #tpu.memory_space<semaphore_mem>>)
      %dma_wait3A_184 = arith.constant 0 : i32
      %dma_wait3A_185 = tpu.memref_slice %arg9[%mul3A_41, %dma_wait3A_184] : memref<10112x32xf32, #tpu.memory_space<vmem_shared>> -> memref<632x32xf32, #tpu.memory_space<vmem_shared>>
      %dma_wait3A_186 = arith.constant 0 : i32
      %dma_wait3A_187 = tpu.memref_slice %arg9[%mul3A_41, %dma_wait3A_186] : memref<10112x32xf32, #tpu.memory_space<vmem_shared>> -> memref<632x32xf32, #tpu.memory_space<vmem_shared>>
      tpu.wait_dma2 semaphore(%run_scoped3A : memref<!tpu.dma_semaphore, #tpu.memory_space<semaphore_mem>>) src(%arg8 : memref<632x32xf32, #tpu.memory_space<vmem>>) dst(%dma_wait3A_187 : memref<632x32xf32, #tpu.memory_space<vmem_shared>>)
      tpu.yield
    }) : () -> ()
    %eq3A_42 = arith.constant 0 : i32
    %eq3A_43 = arith.cmpi eq, %arg0, %eq3A_42 : i32
    %convert_element_type3A_44 = arith.extui %eq3A_43 : i1 to i32
    %cond3A_45 = arith.constant 0 : i32
    %cond3A_46 = arith.cmpi ne, %convert_element_type3A_44, %cond3A_45 : i32
    scf.if %cond3A_46 {
      %dma_wait3A_181 = arith.constant 0 : i32
      %dma_wait3A_182 = arith.constant 0 : i32
      %dma_wait3A_183 = arith.constant 0 : i32
      %dma_wait3A_184 = tpu.memref_slice %arg5[%dma_wait3A_182, %dma_wait3A_183] : memref<79x128xi32, #tpu.memory_space<vmem>> -> memref<79x128xi32, #tpu.memory_space<vmem>>
      %dma_wait3A_185 = arith.constant 0 : i32
      %dma_wait3A_186 = arith.constant 0 : i32
      %dma_wait3A_187 = tpu.memref_slice %arg3[%dma_wait3A_181, %dma_wait3A_185, %dma_wait3A_186] : memref<2x2500x128xi32, #tpu.memory_space<hbm>> -> memref<1x79x128xi32, #tpu.memory_space<hbm>>
      %dma_wait3A_188 = tpu.memref_squeeze %dma_wait3A_187 : memref<1x79x128xi32, #tpu.memory_space<hbm>> -> memref<79x128xi32, #tpu.memory_space<hbm>>
      %dma_wait3A_189 = arith.constant 0 : i32
      %dma_wait3A_190 = arith.constant 0 : i32
      %dma_wait3A_191 = tpu.memref_slice %arg5[%dma_wait3A_189, %dma_wait3A_190] : memref<79x128xi32, #tpu.memory_space<vmem>> -> memref<79x128xi32, #tpu.memory_space<vmem>>
      %dma_wait3A_192 = arith.constant 0 : i32
      %dma_wait3A_193 = arith.constant 0 : i32
      %dma_wait3A_194 = tpu.memref_slice %arg3[%dma_wait3A_181, %dma_wait3A_192, %dma_wait3A_193] : memref<2x2500x128xi32, #tpu.memory_space<hbm>> -> memref<1x79x128xi32, #tpu.memory_space<hbm>>
      %dma_wait3A_195 = tpu.memref_squeeze %dma_wait3A_194 : memref<1x79x128xi32, #tpu.memory_space<hbm>> -> memref<79x128xi32, #tpu.memory_space<hbm>>
      tpu.wait_dma2 semaphore(%arg12 : memref<!tpu.dma_semaphore, #tpu.memory_space<semaphore_mem>>) src(%dma_wait3A_195 : memref<79x128xi32, #tpu.memory_space<hbm>>) dst(%dma_wait3A_191 : memref<79x128xi32, #tpu.memory_space<vmem>>)
      %dma_wait3A_196 = arith.constant 1 : i32
      %dma_wait3A_197 = arith.constant 0 : i32
      %dma_wait3A_198 = arith.constant 0 : i32
      %dma_wait3A_199 = tpu.memref_slice %arg6[%dma_wait3A_197, %dma_wait3A_198] : memref<79x128xi32, #tpu.memory_space<vmem>> -> memref<79x128xi32, #tpu.memory_space<vmem>>
      %dma_wait3A_200 = arith.constant 0 : i32
      %dma_wait3A_201 = arith.constant 0 : i32
      %dma_wait3A_202 = tpu.memref_slice %arg3[%dma_wait3A_196, %dma_wait3A_200, %dma_wait3A_201] : memref<2x2500x128xi32, #tpu.memory_space<hbm>> -> memref<1x79x128xi32, #tpu.memory_space<hbm>>
      %dma_wait3A_203 = tpu.memref_squeeze %dma_wait3A_202 : memref<1x79x128xi32, #tpu.memory_space<hbm>> -> memref<79x128xi32, #tpu.memory_space<hbm>>
      %dma_wait3A_204 = arith.constant 0 : i32
      %dma_wait3A_205 = arith.constant 0 : i32
      %dma_wait3A_206 = tpu.memref_slice %arg6[%dma_wait3A_204, %dma_wait3A_205] : memref<79x128xi32, #tpu.memory_space<vmem>> -> memref<79x128xi32, #tpu.memory_space<vmem>>
      %dma_wait3A_207 = arith.constant 0 : i32
      %dma_wait3A_208 = arith.constant 0 : i32
      %dma_wait3A_209 = tpu.memref_slice %arg3[%dma_wait3A_196, %dma_wait3A_207, %dma_wait3A_208] : memref<2x2500x128xi32, #tpu.memory_space<hbm>> -> memref<1x79x128xi32, #tpu.memory_space<hbm>>
      %dma_wait3A_210 = tpu.memref_squeeze %dma_wait3A_209 : memref<1x79x128xi32, #tpu.memory_space<hbm>> -> memref<79x128xi32, #tpu.memory_space<hbm>>
      tpu.wait_dma2 semaphore(%arg12 : memref<!tpu.dma_semaphore, #tpu.memory_space<semaphore_mem>>) src(%dma_wait3A_210 : memref<79x128xi32, #tpu.memory_space<hbm>>) dst(%dma_wait3A_206 : memref<79x128xi32, #tpu.memory_space<vmem>>)
    } else {
    }
    %eq3A_47 = arith.constant 1 : i32
    %eq3A_48 = arith.cmpi eq, %arg0, %eq3A_47 : i32
    %convert_element_type3A_49 = arith.extui %eq3A_48 : i1 to i32
    %cond3A_50 = arith.constant 0 : i32
    %cond3A_51 = arith.cmpi ne, %convert_element_type3A_49, %cond3A_50 : i32
    scf.if %cond3A_51 {
      %dma_wait3A_181 = arith.constant 0 : i32
      %dma_wait3A_182 = arith.constant 0 : i32
      %dma_wait3A_183 = arith.constant 0 : i32
      %dma_wait3A_184 = tpu.memref_slice %arg5[%dma_wait3A_182, %dma_wait3A_183] : memref<79x128xi32, #tpu.memory_space<vmem>> -> memref<78x128xi32, #tpu.memory_space<vmem>>
      %dma_wait3A_185 = arith.constant 0 : i32
      %dma_wait3A_186 = arith.constant 0 : i32
      %dma_wait3A_187 = tpu.memref_slice %arg3[%dma_wait3A_181, %dma_wait3A_185, %dma_wait3A_186] : memref<2x2500x128xi32, #tpu.memory_space<hbm>> -> memref<1x78x128xi32, #tpu.memory_space<hbm>>
      %dma_wait3A_188 = tpu.memref_squeeze %dma_wait3A_187 : memref<1x78x128xi32, #tpu.memory_space<hbm>> -> memref<78x128xi32, #tpu.memory_space<hbm>>
      %dma_wait3A_189 = arith.constant 0 : i32
      %dma_wait3A_190 = arith.constant 0 : i32
      %dma_wait3A_191 = tpu.memref_slice %arg5[%dma_wait3A_189, %dma_wait3A_190] : memref<79x128xi32, #tpu.memory_space<vmem>> -> memref<78x128xi32, #tpu.memory_space<vmem>>
      %dma_wait3A_192 = arith.constant 0 : i32
      %dma_wait3A_193 = arith.constant 0 : i32
      %dma_wait3A_194 = tpu.memref_slice %arg3[%dma_wait3A_181, %dma_wait3A_192, %dma_wait3A_193] : memref<2x2500x128xi32, #tpu.memory_space<hbm>> -> memref<1x78x128xi32, #tpu.memory_space<hbm>>
      %dma_wait3A_195 = tpu.memref_squeeze %dma_wait3A_194 : memref<1x78x128xi32, #tpu.memory_space<hbm>> -> memref<78x128xi32, #tpu.memory_space<hbm>>
      tpu.wait_dma2 semaphore(%arg12 : memref<!tpu.dma_semaphore, #tpu.memory_space<semaphore_mem>>) src(%dma_wait3A_195 : memref<78x128xi32, #tpu.memory_space<hbm>>) dst(%dma_wait3A_191 : memref<78x128xi32, #tpu.memory_space<vmem>>)
      %dma_wait3A_196 = arith.constant 1 : i32
      %dma_wait3A_197 = arith.constant 0 : i32
      %dma_wait3A_198 = arith.constant 0 : i32
      %dma_wait3A_199 = tpu.memref_slice %arg6[%dma_wait3A_197, %dma_wait3A_198] : memref<79x128xi32, #tpu.memory_space<vmem>> -> memref<78x128xi32, #tpu.memory_space<vmem>>
      %dma_wait3A_200 = arith.constant 0 : i32
      %dma_wait3A_201 = arith.constant 0 : i32
      %dma_wait3A_202 = tpu.memref_slice %arg3[%dma_wait3A_196, %dma_wait3A_200, %dma_wait3A_201] : memref<2x2500x128xi32, #tpu.memory_space<hbm>> -> memref<1x78x128xi32, #tpu.memory_space<hbm>>
      %dma_wait3A_203 = tpu.memref_squeeze %dma_wait3A_202 : memref<1x78x128xi32, #tpu.memory_space<hbm>> -> memref<78x128xi32, #tpu.memory_space<hbm>>
      %dma_wait3A_204 = arith.constant 0 : i32
      %dma_wait3A_205 = arith.constant 0 : i32
      %dma_wait3A_206 = tpu.memref_slice %arg6[%dma_wait3A_204, %dma_wait3A_205] : memref<79x128xi32, #tpu.memory_space<vmem>> -> memref<78x128xi32, #tpu.memory_space<vmem>>
      %dma_wait3A_207 = arith.constant 0 : i32
      %dma_wait3A_208 = arith.constant 0 : i32
      %dma_wait3A_209 = tpu.memref_slice %arg3[%dma_wait3A_196, %dma_wait3A_207, %dma_wait3A_208] : memref<2x2500x128xi32, #tpu.memory_space<hbm>> -> memref<1x78x128xi32, #tpu.memory_space<hbm>>
      %dma_wait3A_210 = tpu.memref_squeeze %dma_wait3A_209 : memref<1x78x128xi32, #tpu.memory_space<hbm>> -> memref<78x128xi32, #tpu.memory_space<hbm>>
      tpu.wait_dma2 semaphore(%arg12 : memref<!tpu.dma_semaphore, #tpu.memory_space<semaphore_mem>>) src(%dma_wait3A_210 : memref<78x128xi32, #tpu.memory_space<hbm>>) dst(%dma_wait3A_206 : memref<78x128xi32, #tpu.memory_space<vmem>>)
    } else {
    }
    %barrier3A = arith.constant 0 : index
    tpu.barrier barrier_id(%barrier3A)
    %gt3A = arith.constant 0 : i32
    %gt3A_52 = arith.cmpi sgt, %select_n3A_23, %gt3A : i32
    %convert_element_type3A_53 = arith.extui %gt3A_52 : i1 to i32
    %cond3A_54 = arith.constant 0 : i32
    %cond3A_55 = arith.cmpi ne, %convert_element_type3A_53, %cond3A_54 : i32
    scf.if %cond3A_55 {
      %dma_start3A = arith.constant 0 : i32
      %dma_start3A_181 = arith.constant 0 : i32
      %dma_start3A_182 = arith.constant 0 : i32
      %dma_start3A_183 = arith.constant 0 : i32
      %dma_start3A_184 = arith.constant 0 : i32
      %dma_start3A_185 = tpu.memref_slice %arg7[%dma_start3A_181, %dma_start3A_183, %dma_start3A_184] : memref<6x128x32xf32, #tpu.memory_space<vmem>> -> memref<1x128x32xf32, #tpu.memory_space<vmem>>
      %dma_start3A_186 = tpu.memref_squeeze %dma_start3A_185 : memref<1x128x32xf32, #tpu.memory_space<vmem>> -> memref<128x32xf32, #tpu.memory_space<vmem>>
      %dma_start3A_187 = arith.constant 0 : i32
      %dma_start3A_188 = tpu.memref_slice %arg5[%dma_start3A, %dma_start3A_187] : memref<79x128xi32, #tpu.memory_space<vmem>> -> memref<1x128xi32, #tpu.memory_space<vmem>>
      %dma_start3A_189 = tpu.memref_squeeze %dma_start3A_188 : memref<1x128xi32, #tpu.memory_space<vmem>> -> memref<128xi32, #tpu.memory_space<vmem>>
      %dma_start3A_190 = arith.constant 0 : i32
      %dma_start3A_191 = arith.constant 0 : i32
      %dma_start3A_192 = tpu.memref_slice %arg2[%dma_start3A_190, %dma_start3A_191] : memref<10000x32xf32, #tpu.memory_space<hbm>> -> memref<10000x32xf32, #tpu.memory_space<hbm>>
      %dma_start3A_193 = tpu.memref_slice %arg10[%dma_start3A_182] : memref<6x!tpu.dma_semaphore, #tpu.memory_space<semaphore_mem>> -> memref<1x!tpu.dma_semaphore, #tpu.memory_space<semaphore_mem>>
      %dma_start3A_194 = tpu.memref_squeeze %dma_start3A_193 : memref<1x!tpu.dma_semaphore, #tpu.memory_space<semaphore_mem>> -> memref<!tpu.dma_semaphore, #tpu.memory_space<semaphore_mem>>
      tpu.enqueue_indirect_dma source(%dma_start3A_192 : memref<10000x32xf32, #tpu.memory_space<hbm>>) target(%dma_start3A_186 : memref<128x32xf32, #tpu.memory_space<vmem>>) offsets(%dma_start3A_189 : memref<128xi32, #tpu.memory_space<vmem>>) semaphore(%dma_start3A_194 : memref<!tpu.dma_semaphore, #tpu.memory_space<semaphore_mem>>)
    } else {
    }
    %gt3A_56 = arith.constant 1 : i32
    %gt3A_57 = arith.cmpi sgt, %select_n3A_23, %gt3A_56 : i32
    %convert_element_type3A_58 = arith.extui %gt3A_57 : i1 to i32
    %cond3A_59 = arith.constant 0 : i32
    %cond3A_60 = arith.cmpi ne, %convert_element_type3A_58, %cond3A_59 : i32
    scf.if %cond3A_60 {
      %dma_start3A = arith.constant 1 : i32
      %dma_start3A_181 = arith.constant 1 : i32
      %dma_start3A_182 = arith.constant 1 : i32
      %dma_start3A_183 = arith.constant 0 : i32
      %dma_start3A_184 = arith.constant 0 : i32
      %dma_start3A_185 = tpu.memref_slice %arg7[%dma_start3A_181, %dma_start3A_183, %dma_start3A_184] : memref<6x128x32xf32, #tpu.memory_space<vmem>> -> memref<1x128x32xf32, #tpu.memory_space<vmem>>
      %dma_start3A_186 = tpu.memref_squeeze %dma_start3A_185 : memref<1x128x32xf32, #tpu.memory_space<vmem>> -> memref<128x32xf32, #tpu.memory_space<vmem>>
      %dma_start3A_187 = arith.constant 0 : i32
      %dma_start3A_188 = tpu.memref_slice %arg5[%dma_start3A, %dma_start3A_187] : memref<79x128xi32, #tpu.memory_space<vmem>> -> memref<1x128xi32, #tpu.memory_space<vmem>>
      %dma_start3A_189 = tpu.memref_squeeze %dma_start3A_188 : memref<1x128xi32, #tpu.memory_space<vmem>> -> memref<128xi32, #tpu.memory_space<vmem>>
      %dma_start3A_190 = arith.constant 0 : i32
      %dma_start3A_191 = arith.constant 0 : i32
      %dma_start3A_192 = tpu.memref_slice %arg2[%dma_start3A_190, %dma_start3A_191] : memref<10000x32xf32, #tpu.memory_space<hbm>> -> memref<10000x32xf32, #tpu.memory_space<hbm>>
      %dma_start3A_193 = tpu.memref_slice %arg10[%dma_start3A_182] : memref<6x!tpu.dma_semaphore, #tpu.memory_space<semaphore_mem>> -> memref<1x!tpu.dma_semaphore, #tpu.memory_space<semaphore_mem>>
      %dma_start3A_194 = tpu.memref_squeeze %dma_start3A_193 : memref<1x!tpu.dma_semaphore, #tpu.memory_space<semaphore_mem>> -> memref<!tpu.dma_semaphore, #tpu.memory_space<semaphore_mem>>
      tpu.enqueue_indirect_dma source(%dma_start3A_192 : memref<10000x32xf32, #tpu.memory_space<hbm>>) target(%dma_start3A_186 : memref<128x32xf32, #tpu.memory_space<vmem>>) offsets(%dma_start3A_189 : memref<128xi32, #tpu.memory_space<vmem>>) semaphore(%dma_start3A_194 : memref<!tpu.dma_semaphore, #tpu.memory_space<semaphore_mem>>)
    } else {
    }
    %gt3A_61 = arith.constant 2 : i32
    %gt3A_62 = arith.cmpi sgt, %select_n3A_23, %gt3A_61 : i32
    %convert_element_type3A_63 = arith.extui %gt3A_62 : i1 to i32
    %cond3A_64 = arith.constant 0 : i32
    %cond3A_65 = arith.cmpi ne, %convert_element_type3A_63, %cond3A_64 : i32
    scf.if %cond3A_65 {
      %dma_start3A = arith.constant 2 : i32
      %dma_start3A_181 = arith.constant 2 : i32
      %dma_start3A_182 = arith.constant 2 : i32
      %dma_start3A_183 = arith.constant 0 : i32
      %dma_start3A_184 = arith.constant 0 : i32
      %dma_start3A_185 = tpu.memref_slice %arg7[%dma_start3A_181, %dma_start3A_183, %dma_start3A_184] : memref<6x128x32xf32, #tpu.memory_space<vmem>> -> memref<1x128x32xf32, #tpu.memory_space<vmem>>
      %dma_start3A_186 = tpu.memref_squeeze %dma_start3A_185 : memref<1x128x32xf32, #tpu.memory_space<vmem>> -> memref<128x32xf32, #tpu.memory_space<vmem>>
      %dma_start3A_187 = arith.constant 0 : i32
      %dma_start3A_188 = tpu.memref_slice %arg5[%dma_start3A, %dma_start3A_187] : memref<79x128xi32, #tpu.memory_space<vmem>> -> memref<1x128xi32, #tpu.memory_space<vmem>>
      %dma_start3A_189 = tpu.memref_squeeze %dma_start3A_188 : memref<1x128xi32, #tpu.memory_space<vmem>> -> memref<128xi32, #tpu.memory_space<vmem>>
      %dma_start3A_190 = arith.constant 0 : i32
      %dma_start3A_191 = arith.constant 0 : i32
      %dma_start3A_192 = tpu.memref_slice %arg2[%dma_start3A_190, %dma_start3A_191] : memref<10000x32xf32, #tpu.memory_space<hbm>> -> memref<10000x32xf32, #tpu.memory_space<hbm>>
      %dma_start3A_193 = tpu.memref_slice %arg10[%dma_start3A_182] : memref<6x!tpu.dma_semaphore, #tpu.memory_space<semaphore_mem>> -> memref<1x!tpu.dma_semaphore, #tpu.memory_space<semaphore_mem>>
      %dma_start3A_194 = tpu.memref_squeeze %dma_start3A_193 : memref<1x!tpu.dma_semaphore, #tpu.memory_space<semaphore_mem>> -> memref<!tpu.dma_semaphore, #tpu.memory_space<semaphore_mem>>
      tpu.enqueue_indirect_dma source(%dma_start3A_192 : memref<10000x32xf32, #tpu.memory_space<hbm>>) target(%dma_start3A_186 : memref<128x32xf32, #tpu.memory_space<vmem>>) offsets(%dma_start3A_189 : memref<128xi32, #tpu.memory_space<vmem>>) semaphore(%dma_start3A_194 : memref<!tpu.dma_semaphore, #tpu.memory_space<semaphore_mem>>)
    } else {
    }
    %gt3A_66 = arith.constant 3 : i32
    %gt3A_67 = arith.cmpi sgt, %select_n3A_23, %gt3A_66 : i32
    %convert_element_type3A_68 = arith.extui %gt3A_67 : i1 to i32
    %cond3A_69 = arith.constant 0 : i32
    %cond3A_70 = arith.cmpi ne, %convert_element_type3A_68, %cond3A_69 : i32
    scf.if %cond3A_70 {
      %dma_start3A = arith.constant 3 : i32
      %dma_start3A_181 = arith.constant 3 : i32
      %dma_start3A_182 = arith.constant 3 : i32
      %dma_start3A_183 = arith.constant 0 : i32
      %dma_start3A_184 = arith.constant 0 : i32
      %dma_start3A_185 = tpu.memref_slice %arg7[%dma_start3A_181, %dma_start3A_183, %dma_start3A_184] : memref<6x128x32xf32, #tpu.memory_space<vmem>> -> memref<1x128x32xf32, #tpu.memory_space<vmem>>
      %dma_start3A_186 = tpu.memref_squeeze %dma_start3A_185 : memref<1x128x32xf32, #tpu.memory_space<vmem>> -> memref<128x32xf32, #tpu.memory_space<vmem>>
      %dma_start3A_187 = arith.constant 0 : i32
      %dma_start3A_188 = tpu.memref_slice %arg5[%dma_start3A, %dma_start3A_187] : memref<79x128xi32, #tpu.memory_space<vmem>> -> memref<1x128xi32, #tpu.memory_space<vmem>>
      %dma_start3A_189 = tpu.memref_squeeze %dma_start3A_188 : memref<1x128xi32, #tpu.memory_space<vmem>> -> memref<128xi32, #tpu.memory_space<vmem>>
      %dma_start3A_190 = arith.constant 0 : i32
      %dma_start3A_191 = arith.constant 0 : i32
      %dma_start3A_192 = tpu.memref_slice %arg2[%dma_start3A_190, %dma_start3A_191] : memref<10000x32xf32, #tpu.memory_space<hbm>> -> memref<10000x32xf32, #tpu.memory_space<hbm>>
      %dma_start3A_193 = tpu.memref_slice %arg10[%dma_start3A_182] : memref<6x!tpu.dma_semaphore, #tpu.memory_space<semaphore_mem>> -> memref<1x!tpu.dma_semaphore, #tpu.memory_space<semaphore_mem>>
      %dma_start3A_194 = tpu.memref_squeeze %dma_start3A_193 : memref<1x!tpu.dma_semaphore, #tpu.memory_space<semaphore_mem>> -> memref<!tpu.dma_semaphore, #tpu.memory_space<semaphore_mem>>
      tpu.enqueue_indirect_dma source(%dma_start3A_192 : memref<10000x32xf32, #tpu.memory_space<hbm>>) target(%dma_start3A_186 : memref<128x32xf32, #tpu.memory_space<vmem>>) offsets(%dma_start3A_189 : memref<128xi32, #tpu.memory_space<vmem>>) semaphore(%dma_start3A_194 : memref<!tpu.dma_semaphore, #tpu.memory_space<semaphore_mem>>)
    } else {
    }
    %gt3A_71 = arith.constant 4 : i32
    %gt3A_72 = arith.cmpi sgt, %select_n3A_23, %gt3A_71 : i32
    %convert_element_type3A_73 = arith.extui %gt3A_72 : i1 to i32
    %cond3A_74 = arith.constant 0 : i32
    %cond3A_75 = arith.cmpi ne, %convert_element_type3A_73, %cond3A_74 : i32
    scf.if %cond3A_75 {
      %dma_start3A = arith.constant 4 : i32
      %dma_start3A_181 = arith.constant 4 : i32
      %dma_start3A_182 = arith.constant 4 : i32
      %dma_start3A_183 = arith.constant 0 : i32
      %dma_start3A_184 = arith.constant 0 : i32
      %dma_start3A_185 = tpu.memref_slice %arg7[%dma_start3A_181, %dma_start3A_183, %dma_start3A_184] : memref<6x128x32xf32, #tpu.memory_space<vmem>> -> memref<1x128x32xf32, #tpu.memory_space<vmem>>
      %dma_start3A_186 = tpu.memref_squeeze %dma_start3A_185 : memref<1x128x32xf32, #tpu.memory_space<vmem>> -> memref<128x32xf32, #tpu.memory_space<vmem>>
      %dma_start3A_187 = arith.constant 0 : i32
      %dma_start3A_188 = tpu.memref_slice %arg5[%dma_start3A, %dma_start3A_187] : memref<79x128xi32, #tpu.memory_space<vmem>> -> memref<1x128xi32, #tpu.memory_space<vmem>>
      %dma_start3A_189 = tpu.memref_squeeze %dma_start3A_188 : memref<1x128xi32, #tpu.memory_space<vmem>> -> memref<128xi32, #tpu.memory_space<vmem>>
      %dma_start3A_190 = arith.constant 0 : i32
      %dma_start3A_191 = arith.constant 0 : i32
      %dma_start3A_192 = tpu.memref_slice %arg2[%dma_start3A_190, %dma_start3A_191] : memref<10000x32xf32, #tpu.memory_space<hbm>> -> memref<10000x32xf32, #tpu.memory_space<hbm>>
      %dma_start3A_193 = tpu.memref_slice %arg10[%dma_start3A_182] : memref<6x!tpu.dma_semaphore, #tpu.memory_space<semaphore_mem>> -> memref<1x!tpu.dma_semaphore, #tpu.memory_space<semaphore_mem>>
      %dma_start3A_194 = tpu.memref_squeeze %dma_start3A_193 : memref<1x!tpu.dma_semaphore, #tpu.memory_space<semaphore_mem>> -> memref<!tpu.dma_semaphore, #tpu.memory_space<semaphore_mem>>
      tpu.enqueue_indirect_dma source(%dma_start3A_192 : memref<10000x32xf32, #tpu.memory_space<hbm>>) target(%dma_start3A_186 : memref<128x32xf32, #tpu.memory_space<vmem>>) offsets(%dma_start3A_189 : memref<128xi32, #tpu.memory_space<vmem>>) semaphore(%dma_start3A_194 : memref<!tpu.dma_semaphore, #tpu.memory_space<semaphore_mem>>)
    } else {
    }
    %while3A = arith.constant 0 : i32
    %while3A_76 = arith.constant 0 : i32
    %while3A_77 = arith.subi %select_n3A_23, %while3A : i32
    %while3A_78 = arith.addi %while3A, %while3A_77 : i32
    %while3A_79 = arith.constant 1 : i32
    %while3A_80 = arith.divsi %while3A_77, %while3A_79 : i32
    %while3A_81 = arith.muli %while3A_80, %while3A_79 : i32
    %while3A_82 = arith.addi %while3A, %while3A_81 : i32
    %while3A_83 = arith.constant 1 : i32
    %while3A_84 = scf.for %while3A_181 = %while3A to %while3A_82 step %while3A_83 iter_args(%while3A_182 = %while3A_76) -> (i32)  : i32 {
      %jit3A = arith.constant 6 : i32
      %eq3A_183 = arith.constant 0 : i32
      %eq3A_184 = arith.cmpi eq, %jit3A, %eq3A_183 : i32
      %jit3A_185 = arith.constant 1 : i32
      %select_n3A_186 = arith.select %eq3A_184, %jit3A_185, %jit3A : i32
      %rem3A = arith.remsi %while3A_181, %select_n3A_186 : i32
      %ne3A = arith.constant 0 : i32
      %ne3A_187 = arith.cmpi ne, %rem3A, %ne3A : i32
      %lt3A = arith.constant 0 : i32
      %lt3A_188 = arith.cmpi slt, %rem3A, %lt3A : i32
      %lt3A_189 = arith.constant 0 : i32
      %lt3A_190 = arith.cmpi slt, %select_n3A_186, %lt3A_189 : i32
      %ne3A_191 = arith.xori %lt3A_188, %lt3A_190 : i1
      %and3A = arith.andi %ne3A_191, %ne3A_187 : i1
      %add3A_192 = arith.addi %rem3A, %select_n3A_186 : i32
      %select_n3A_193 = arith.select %and3A, %add3A_192, %rem3A : i32
      %add3A_194 = arith.constant 6 : i32
      %add3A_195 = arith.addi %while3A_181, %add3A_194 : i32
      %sub3A_196 = arith.constant 1 : i32
      %sub3A_197 = arith.subi %add3A_195, %sub3A_196 : i32
      %lt3A_198 = arith.cmpi slt, %sub3A_197, %select_n3A_23 : i32
      %convert_element_type3A_199 = arith.extui %lt3A_198 : i1 to i32
      %cond3A_200 = arith.constant 0 : i32
      %cond3A_201 = arith.cmpi ne, %convert_element_type3A_199, %cond3A_200 : i32
      scf.if %cond3A_201 {
        %add3A_227 = arith.constant 6 : i32
        %add3A_228 = arith.addi %while3A_181, %add3A_227 : i32
        %sub3A_229 = arith.constant 1 : i32
        %sub3A_230 = arith.subi %add3A_228, %sub3A_229 : i32
        %jit3A_231 = arith.constant 6 : i32
        %eq3A_232 = arith.constant 0 : i32
        %eq3A_233 = arith.cmpi eq, %jit3A_231, %eq3A_232 : i32
        %jit3A_234 = arith.constant 1 : i32
        %select_n3A_235 = arith.select %eq3A_233, %jit3A_234, %jit3A_231 : i32
        %rem3A_236 = arith.remsi %sub3A_230, %select_n3A_235 : i32
        %ne3A_237 = arith.constant 0 : i32
        %ne3A_238 = arith.cmpi ne, %rem3A_236, %ne3A_237 : i32
        %lt3A_239 = arith.constant 0 : i32
        %lt3A_240 = arith.cmpi slt, %rem3A_236, %lt3A_239 : i32
        %lt3A_241 = arith.constant 0 : i32
        %lt3A_242 = arith.cmpi slt, %select_n3A_235, %lt3A_241 : i32
        %ne3A_243 = arith.xori %lt3A_240, %lt3A_242 : i1
        %and3A_244 = arith.andi %ne3A_243, %ne3A_238 : i1
        %add3A_245 = arith.addi %rem3A_236, %select_n3A_235 : i32
        %select_n3A_246 = arith.select %and3A_244, %add3A_245, %rem3A_236 : i32
        %ge3A_247 = arith.constant 1 : i32
        %ge3A_248 = arith.cmpi sge, %while3A_181, %ge3A_247 : i32
        %convert_element_type3A_249 = arith.extui %ge3A_248 : i1 to i32
        %cond3A_250 = arith.constant 0 : i32
        %cond3A_251 = arith.cmpi ne, %convert_element_type3A_249, %cond3A_250 : i32
        scf.if %cond3A_251 {
          %dma_wait3A_268 = arith.constant 0 : i32
          %dma_wait3A_269 = arith.constant 0 : i32
          %dma_wait3A_270 = arith.constant 0 : i32
          %dma_wait3A_271 = tpu.memref_slice %arg7[%select_n3A_246, %dma_wait3A_269, %dma_wait3A_270] : memref<6x128x32xf32, #tpu.memory_space<vmem>> -> memref<1x128x32xf32, #tpu.memory_space<vmem>>
          %dma_wait3A_272 = tpu.memref_squeeze %dma_wait3A_271 : memref<1x128x32xf32, #tpu.memory_space<vmem>> -> memref<128x32xf32, #tpu.memory_space<vmem>>
          %dma_wait3A_273 = arith.constant 0 : i32
          %dma_wait3A_274 = tpu.memref_slice %arg6[%dma_wait3A_268, %dma_wait3A_273] : memref<79x128xi32, #tpu.memory_space<vmem>> -> memref<1x128xi32, #tpu.memory_space<vmem>>
          %dma_wait3A_275 = tpu.memref_squeeze %dma_wait3A_274 : memref<1x128xi32, #tpu.memory_space<vmem>> -> memref<128xi32, #tpu.memory_space<vmem>>
          %dma_wait3A_276 = arith.constant 0 : i32
          %dma_wait3A_277 = arith.constant 0 : i32
          %dma_wait3A_278 = tpu.memref_slice %arg9[%dma_wait3A_276, %dma_wait3A_277] : memref<10112x32xf32, #tpu.memory_space<vmem_shared>> -> memref<10112x32xf32, #tpu.memory_space<vmem_shared>>
          %dma_wait3A_279 = tpu.memref_slice %arg11[%select_n3A_246] : memref<6x!tpu.dma_semaphore, #tpu.memory_space<semaphore_mem>> -> memref<1x!tpu.dma_semaphore, #tpu.memory_space<semaphore_mem>>
          %dma_wait3A_280 = tpu.memref_squeeze %dma_wait3A_279 : memref<1x!tpu.dma_semaphore, #tpu.memory_space<semaphore_mem>> -> memref<!tpu.dma_semaphore, #tpu.memory_space<semaphore_mem>>
          tpu.wait_indirect_dma semaphore(%dma_wait3A_280 : memref<!tpu.dma_semaphore, #tpu.memory_space<semaphore_mem>>) src(%dma_wait3A_272 : memref<128x32xf32, #tpu.memory_space<vmem>>) dst(%dma_wait3A_278 : memref<10112x32xf32, #tpu.memory_space<vmem_shared>>)
        } else {
        }
        %add3A_252 = arith.constant 6 : i32
        %add3A_253 = arith.addi %while3A_181, %add3A_252 : i32
        %sub3A_254 = arith.constant 1 : i32
        %sub3A_255 = arith.subi %add3A_253, %sub3A_254 : i32
        %dma_start3A_256 = arith.constant 0 : i32
        %dma_start3A_257 = arith.constant 0 : i32
        %dma_start3A_258 = tpu.memref_slice %arg7[%select_n3A_246, %dma_start3A_256, %dma_start3A_257] : memref<6x128x32xf32, #tpu.memory_space<vmem>> -> memref<1x128x32xf32, #tpu.memory_space<vmem>>
        %dma_start3A_259 = tpu.memref_squeeze %dma_start3A_258 : memref<1x128x32xf32, #tpu.memory_space<vmem>> -> memref<128x32xf32, #tpu.memory_space<vmem>>
        %dma_start3A_260 = arith.constant 0 : i32
        %dma_start3A_261 = tpu.memref_slice %arg5[%sub3A_255, %dma_start3A_260] : memref<79x128xi32, #tpu.memory_space<vmem>> -> memref<1x128xi32, #tpu.memory_space<vmem>>
        %dma_start3A_262 = tpu.memref_squeeze %dma_start3A_261 : memref<1x128xi32, #tpu.memory_space<vmem>> -> memref<128xi32, #tpu.memory_space<vmem>>
        %dma_start3A_263 = arith.constant 0 : i32
        %dma_start3A_264 = arith.constant 0 : i32
        %dma_start3A_265 = tpu.memref_slice %arg2[%dma_start3A_263, %dma_start3A_264] : memref<10000x32xf32, #tpu.memory_space<hbm>> -> memref<10000x32xf32, #tpu.memory_space<hbm>>
        %dma_start3A_266 = tpu.memref_slice %arg10[%select_n3A_246] : memref<6x!tpu.dma_semaphore, #tpu.memory_space<semaphore_mem>> -> memref<1x!tpu.dma_semaphore, #tpu.memory_space<semaphore_mem>>
        %dma_start3A_267 = tpu.memref_squeeze %dma_start3A_266 : memref<1x!tpu.dma_semaphore, #tpu.memory_space<semaphore_mem>> -> memref<!tpu.dma_semaphore, #tpu.memory_space<semaphore_mem>>
        tpu.enqueue_indirect_dma source(%dma_start3A_265 : memref<10000x32xf32, #tpu.memory_space<hbm>>) target(%dma_start3A_259 : memref<128x32xf32, #tpu.memory_space<vmem>>) offsets(%dma_start3A_262 : memref<128xi32, #tpu.memory_space<vmem>>) semaphore(%dma_start3A_267 : memref<!tpu.dma_semaphore, #tpu.memory_space<semaphore_mem>>)
      } else {
      }
      %dma_wait3A_202 = arith.constant 0 : i32
      %dma_wait3A_203 = arith.constant 0 : i32
      %dma_wait3A_204 = arith.constant 0 : i32
      %dma_wait3A_205 = tpu.memref_slice %arg7[%select_n3A_193, %dma_wait3A_203, %dma_wait3A_204] : memref<6x128x32xf32, #tpu.memory_space<vmem>> -> memref<1x128x32xf32, #tpu.memory_space<vmem>>
      %dma_wait3A_206 = tpu.memref_squeeze %dma_wait3A_205 : memref<1x128x32xf32, #tpu.memory_space<vmem>> -> memref<128x32xf32, #tpu.memory_space<vmem>>
      %dma_wait3A_207 = arith.constant 0 : i32
      %dma_wait3A_208 = tpu.memref_slice %arg5[%dma_wait3A_202, %dma_wait3A_207] : memref<79x128xi32, #tpu.memory_space<vmem>> -> memref<1x128xi32, #tpu.memory_space<vmem>>
      %dma_wait3A_209 = tpu.memref_squeeze %dma_wait3A_208 : memref<1x128xi32, #tpu.memory_space<vmem>> -> memref<128xi32, #tpu.memory_space<vmem>>
      %dma_wait3A_210 = arith.constant 0 : i32
      %dma_wait3A_211 = arith.constant 0 : i32
      %dma_wait3A_212 = tpu.memref_slice %arg2[%dma_wait3A_210, %dma_wait3A_211] : memref<10000x32xf32, #tpu.memory_space<hbm>> -> memref<10000x32xf32, #tpu.memory_space<hbm>>
      %dma_wait3A_213 = tpu.memref_slice %arg10[%select_n3A_193] : memref<6x!tpu.dma_semaphore, #tpu.memory_space<semaphore_mem>> -> memref<1x!tpu.dma_semaphore, #tpu.memory_space<semaphore_mem>>
      %dma_wait3A_214 = tpu.memref_squeeze %dma_wait3A_213 : memref<1x!tpu.dma_semaphore, #tpu.memory_space<semaphore_mem>> -> memref<!tpu.dma_semaphore, #tpu.memory_space<semaphore_mem>>
      tpu.wait_indirect_dma semaphore(%dma_wait3A_214 : memref<!tpu.dma_semaphore, #tpu.memory_space<semaphore_mem>>) src(%dma_wait3A_212 : memref<10000x32xf32, #tpu.memory_space<hbm>>) dst(%dma_wait3A_206 : memref<128x32xf32, #tpu.memory_space<vmem>>)
      %dma_start3A = arith.constant 0 : i32
      %dma_start3A_215 = arith.constant 0 : i32
      %dma_start3A_216 = tpu.memref_slice %arg7[%select_n3A_193, %dma_start3A, %dma_start3A_215] : memref<6x128x32xf32, #tpu.memory_space<vmem>> -> memref<1x128x32xf32, #tpu.memory_space<vmem>>
      %dma_start3A_217 = tpu.memref_squeeze %dma_start3A_216 : memref<1x128x32xf32, #tpu.memory_space<vmem>> -> memref<128x32xf32, #tpu.memory_space<vmem>>
      %dma_start3A_218 = arith.constant 0 : i32
      %dma_start3A_219 = tpu.memref_slice %arg6[%while3A_181, %dma_start3A_218] : memref<79x128xi32, #tpu.memory_space<vmem>> -> memref<1x128xi32, #tpu.memory_space<vmem>>
      %dma_start3A_220 = tpu.memref_squeeze %dma_start3A_219 : memref<1x128xi32, #tpu.memory_space<vmem>> -> memref<128xi32, #tpu.memory_space<vmem>>
      %dma_start3A_221 = arith.constant 0 : i32
      %dma_start3A_222 = arith.constant 0 : i32
      %dma_start3A_223 = tpu.memref_slice %arg9[%dma_start3A_221, %dma_start3A_222] : memref<10112x32xf32, #tpu.memory_space<vmem_shared>> -> memref<10112x32xf32, #tpu.memory_space<vmem_shared>>
      %dma_start3A_224 = tpu.memref_slice %arg11[%select_n3A_193] : memref<6x!tpu.dma_semaphore, #tpu.memory_space<semaphore_mem>> -> memref<1x!tpu.dma_semaphore, #tpu.memory_space<semaphore_mem>>
      %dma_start3A_225 = tpu.memref_squeeze %dma_start3A_224 : memref<1x!tpu.dma_semaphore, #tpu.memory_space<semaphore_mem>> -> memref<!tpu.dma_semaphore, #tpu.memory_space<semaphore_mem>>
      tpu.enqueue_indirect_dma source(%dma_start3A_217 : memref<128x32xf32, #tpu.memory_space<vmem>>) target(%dma_start3A_223 : memref<10112x32xf32, #tpu.memory_space<vmem_shared>>) offsets(%dma_start3A_220 : memref<128xi32, #tpu.memory_space<vmem>>) semaphore(%dma_start3A_225 : memref<!tpu.dma_semaphore, #tpu.memory_space<semaphore_mem>>) {add = true}
      %while3A_226 = arith.constant 0 : i32
      scf.yield %while3A_226 : i32
    }
    %while3A_85 = arith.constant 1 : i32
    %while3A_86 = scf.for %while3A_181 = %while3A_82 to %while3A_78 step %while3A_85 iter_args(%while3A_182 = %while3A_84) -> (i32)  : i32 {
      %jit3A = arith.constant 6 : i32
      %eq3A_183 = arith.constant 0 : i32
      %eq3A_184 = arith.cmpi eq, %jit3A, %eq3A_183 : i32
      %jit3A_185 = arith.constant 1 : i32
      %select_n3A_186 = arith.select %eq3A_184, %jit3A_185, %jit3A : i32
      %rem3A = arith.remsi %while3A_181, %select_n3A_186 : i32
      %ne3A = arith.constant 0 : i32
      %ne3A_187 = arith.cmpi ne, %rem3A, %ne3A : i32
      %lt3A = arith.constant 0 : i32
      %lt3A_188 = arith.cmpi slt, %rem3A, %lt3A : i32
      %lt3A_189 = arith.constant 0 : i32
      %lt3A_190 = arith.cmpi slt, %select_n3A_186, %lt3A_189 : i32
      %ne3A_191 = arith.xori %lt3A_188, %lt3A_190 : i1
      %and3A = arith.andi %ne3A_191, %ne3A_187 : i1
      %add3A_192 = arith.addi %rem3A, %select_n3A_186 : i32
      %select_n3A_193 = arith.select %and3A, %add3A_192, %rem3A : i32
      %add3A_194 = arith.constant 6 : i32
      %add3A_195 = arith.addi %while3A_181, %add3A_194 : i32
      %sub3A_196 = arith.constant 1 : i32
      %sub3A_197 = arith.subi %add3A_195, %sub3A_196 : i32
      %lt3A_198 = arith.cmpi slt, %sub3A_197, %select_n3A_23 : i32
      %convert_element_type3A_199 = arith.extui %lt3A_198 : i1 to i32
      %cond3A_200 = arith.constant 0 : i32
      %cond3A_201 = arith.cmpi ne, %convert_element_type3A_199, %cond3A_200 : i32
      scf.if %cond3A_201 {
        %add3A_227 = arith.constant 6 : i32
        %add3A_228 = arith.addi %while3A_181, %add3A_227 : i32
        %sub3A_229 = arith.constant 1 : i32
        %sub3A_230 = arith.subi %add3A_228, %sub3A_229 : i32
        %jit3A_231 = arith.constant 6 : i32
        %eq3A_232 = arith.constant 0 : i32
        %eq3A_233 = arith.cmpi eq, %jit3A_231, %eq3A_232 : i32
        %jit3A_234 = arith.constant 1 : i32
        %select_n3A_235 = arith.select %eq3A_233, %jit3A_234, %jit3A_231 : i32
        %rem3A_236 = arith.remsi %sub3A_230, %select_n3A_235 : i32
        %ne3A_237 = arith.constant 0 : i32
        %ne3A_238 = arith.cmpi ne, %rem3A_236, %ne3A_237 : i32
        %lt3A_239 = arith.constant 0 : i32
        %lt3A_240 = arith.cmpi slt, %rem3A_236, %lt3A_239 : i32
        %lt3A_241 = arith.constant 0 : i32
        %lt3A_242 = arith.cmpi slt, %select_n3A_235, %lt3A_241 : i32
        %ne3A_243 = arith.xori %lt3A_240, %lt3A_242 : i1
        %and3A_244 = arith.andi %ne3A_243, %ne3A_238 : i1
        %add3A_245 = arith.addi %rem3A_236, %select_n3A_235 : i32
        %select_n3A_246 = arith.select %and3A_244, %add3A_245, %rem3A_236 : i32
        %ge3A_247 = arith.constant 1 : i32
        %ge3A_248 = arith.cmpi sge, %while3A_181, %ge3A_247 : i32
        %convert_element_type3A_249 = arith.extui %ge3A_248 : i1 to i32
        %cond3A_250 = arith.constant 0 : i32
        %cond3A_251 = arith.cmpi ne, %convert_element_type3A_249, %cond3A_250 : i32
        scf.if %cond3A_251 {
          %dma_wait3A_268 = arith.constant 0 : i32
          %dma_wait3A_269 = arith.constant 0 : i32
          %dma_wait3A_270 = arith.constant 0 : i32
          %dma_wait3A_271 = tpu.memref_slice %arg7[%select_n3A_246, %dma_wait3A_269, %dma_wait3A_270] : memref<6x128x32xf32, #tpu.memory_space<vmem>> -> memref<1x128x32xf32, #tpu.memory_space<vmem>>
          %dma_wait3A_272 = tpu.memref_squeeze %dma_wait3A_271 : memref<1x128x32xf32, #tpu.memory_space<vmem>> -> memref<128x32xf32, #tpu.memory_space<vmem>>
          %dma_wait3A_273 = arith.constant 0 : i32
          %dma_wait3A_274 = tpu.memref_slice %arg6[%dma_wait3A_268, %dma_wait3A_273] : memref<79x128xi32, #tpu.memory_space<vmem>> -> memref<1x128xi32, #tpu.memory_space<vmem>>
          %dma_wait3A_275 = tpu.memref_squeeze %dma_wait3A_274 : memref<1x128xi32, #tpu.memory_space<vmem>> -> memref<128xi32, #tpu.memory_space<vmem>>
          %dma_wait3A_276 = arith.constant 0 : i32
          %dma_wait3A_277 = arith.constant 0 : i32
          %dma_wait3A_278 = tpu.memref_slice %arg9[%dma_wait3A_276, %dma_wait3A_277] : memref<10112x32xf32, #tpu.memory_space<vmem_shared>> -> memref<10112x32xf32, #tpu.memory_space<vmem_shared>>
          %dma_wait3A_279 = tpu.memref_slice %arg11[%select_n3A_246] : memref<6x!tpu.dma_semaphore, #tpu.memory_space<semaphore_mem>> -> memref<1x!tpu.dma_semaphore, #tpu.memory_space<semaphore_mem>>
          %dma_wait3A_280 = tpu.memref_squeeze %dma_wait3A_279 : memref<1x!tpu.dma_semaphore, #tpu.memory_space<semaphore_mem>> -> memref<!tpu.dma_semaphore, #tpu.memory_space<semaphore_mem>>
          tpu.wait_indirect_dma semaphore(%dma_wait3A_280 : memref<!tpu.dma_semaphore, #tpu.memory_space<semaphore_mem>>) src(%dma_wait3A_272 : memref<128x32xf32, #tpu.memory_space<vmem>>) dst(%dma_wait3A_278 : memref<10112x32xf32, #tpu.memory_space<vmem_shared>>)
        } else {
        }
        %add3A_252 = arith.constant 6 : i32
        %add3A_253 = arith.addi %while3A_181, %add3A_252 : i32
        %sub3A_254 = arith.constant 1 : i32
        %sub3A_255 = arith.subi %add3A_253, %sub3A_254 : i32
        %dma_start3A_256 = arith.constant 0 : i32
        %dma_start3A_257 = arith.constant 0 : i32
        %dma_start3A_258 = tpu.memref_slice %arg7[%select_n3A_246, %dma_start3A_256, %dma_start3A_257] : memref<6x128x32xf32, #tpu.memory_space<vmem>> -> memref<1x128x32xf32, #tpu.memory_space<vmem>>
        %dma_start3A_259 = tpu.memref_squeeze %dma_start3A_258 : memref<1x128x32xf32, #tpu.memory_space<vmem>> -> memref<128x32xf32, #tpu.memory_space<vmem>>
        %dma_start3A_260 = arith.constant 0 : i32
        %dma_start3A_261 = tpu.memref_slice %arg5[%sub3A_255, %dma_start3A_260] : memref<79x128xi32, #tpu.memory_space<vmem>> -> memref<1x128xi32, #tpu.memory_space<vmem>>
        %dma_start3A_262 = tpu.memref_squeeze %dma_start3A_261 : memref<1x128xi32, #tpu.memory_space<vmem>> -> memref<128xi32, #tpu.memory_space<vmem>>
        %dma_start3A_263 = arith.constant 0 : i32
        %dma_start3A_264 = arith.constant 0 : i32
        %dma_start3A_265 = tpu.memref_slice %arg2[%dma_start3A_263, %dma_start3A_264] : memref<10000x32xf32, #tpu.memory_space<hbm>> -> memref<10000x32xf32, #tpu.memory_space<hbm>>
        %dma_start3A_266 = tpu.memref_slice %arg10[%select_n3A_246] : memref<6x!tpu.dma_semaphore, #tpu.memory_space<semaphore_mem>> -> memref<1x!tpu.dma_semaphore, #tpu.memory_space<semaphore_mem>>
        %dma_start3A_267 = tpu.memref_squeeze %dma_start3A_266 : memref<1x!tpu.dma_semaphore, #tpu.memory_space<semaphore_mem>> -> memref<!tpu.dma_semaphore, #tpu.memory_space<semaphore_mem>>
        tpu.enqueue_indirect_dma source(%dma_start3A_265 : memref<10000x32xf32, #tpu.memory_space<hbm>>) target(%dma_start3A_259 : memref<128x32xf32, #tpu.memory_space<vmem>>) offsets(%dma_start3A_262 : memref<128xi32, #tpu.memory_space<vmem>>) semaphore(%dma_start3A_267 : memref<!tpu.dma_semaphore, #tpu.memory_space<semaphore_mem>>)
      } else {
      }
      %dma_wait3A_202 = arith.constant 0 : i32
      %dma_wait3A_203 = arith.constant 0 : i32
      %dma_wait3A_204 = arith.constant 0 : i32
      %dma_wait3A_205 = tpu.memref_slice %arg7[%select_n3A_193, %dma_wait3A_203, %dma_wait3A_204] : memref<6x128x32xf32, #tpu.memory_space<vmem>> -> memref<1x128x32xf32, #tpu.memory_space<vmem>>
      %dma_wait3A_206 = tpu.memref_squeeze %dma_wait3A_205 : memref<1x128x32xf32, #tpu.memory_space<vmem>> -> memref<128x32xf32, #tpu.memory_space<vmem>>
      %dma_wait3A_207 = arith.constant 0 : i32
      %dma_wait3A_208 = tpu.memref_slice %arg5[%dma_wait3A_202, %dma_wait3A_207] : memref<79x128xi32, #tpu.memory_space<vmem>> -> memref<1x128xi32, #tpu.memory_space<vmem>>
      %dma_wait3A_209 = tpu.memref_squeeze %dma_wait3A_208 : memref<1x128xi32, #tpu.memory_space<vmem>> -> memref<128xi32, #tpu.memory_space<vmem>>
      %dma_wait3A_210 = arith.constant 0 : i32
      %dma_wait3A_211 = arith.constant 0 : i32
      %dma_wait3A_212 = tpu.memref_slice %arg2[%dma_wait3A_210, %dma_wait3A_211] : memref<10000x32xf32, #tpu.memory_space<hbm>> -> memref<10000x32xf32, #tpu.memory_space<hbm>>
      %dma_wait3A_213 = tpu.memref_slice %arg10[%select_n3A_193] : memref<6x!tpu.dma_semaphore, #tpu.memory_space<semaphore_mem>> -> memref<1x!tpu.dma_semaphore, #tpu.memory_space<semaphore_mem>>
      %dma_wait3A_214 = tpu.memref_squeeze %dma_wait3A_213 : memref<1x!tpu.dma_semaphore, #tpu.memory_space<semaphore_mem>> -> memref<!tpu.dma_semaphore, #tpu.memory_space<semaphore_mem>>
      tpu.wait_indirect_dma semaphore(%dma_wait3A_214 : memref<!tpu.dma_semaphore, #tpu.memory_space<semaphore_mem>>) src(%dma_wait3A_212 : memref<10000x32xf32, #tpu.memory_space<hbm>>) dst(%dma_wait3A_206 : memref<128x32xf32, #tpu.memory_space<vmem>>)
      %dma_start3A = arith.constant 0 : i32
      %dma_start3A_215 = arith.constant 0 : i32
      %dma_start3A_216 = tpu.memref_slice %arg7[%select_n3A_193, %dma_start3A, %dma_start3A_215] : memref<6x128x32xf32, #tpu.memory_space<vmem>> -> memref<1x128x32xf32, #tpu.memory_space<vmem>>
      %dma_start3A_217 = tpu.memref_squeeze %dma_start3A_216 : memref<1x128x32xf32, #tpu.memory_space<vmem>> -> memref<128x32xf32, #tpu.memory_space<vmem>>
      %dma_start3A_218 = arith.constant 0 : i32
      %dma_start3A_219 = tpu.memref_slice %arg6[%while3A_181, %dma_start3A_218] : memref<79x128xi32, #tpu.memory_space<vmem>> -> memref<1x128xi32, #tpu.memory_space<vmem>>
      %dma_start3A_220 = tpu.memref_squeeze %dma_start3A_219 : memref<1x128xi32, #tpu.memory_space<vmem>> -> memref<128xi32, #tpu.memory_space<vmem>>
      %dma_start3A_221 = arith.constant 0 : i32
      %dma_start3A_222 = arith.constant 0 : i32
      %dma_start3A_223 = tpu.memref_slice %arg9[%dma_start3A_221, %dma_start3A_222] : memref<10112x32xf32, #tpu.memory_space<vmem_shared>> -> memref<10112x32xf32, #tpu.memory_space<vmem_shared>>
      %dma_start3A_224 = tpu.memref_slice %arg11[%select_n3A_193] : memref<6x!tpu.dma_semaphore, #tpu.memory_space<semaphore_mem>> -> memref<1x!tpu.dma_semaphore, #tpu.memory_space<semaphore_mem>>
      %dma_start3A_225 = tpu.memref_squeeze %dma_start3A_224 : memref<1x!tpu.dma_semaphore, #tpu.memory_space<semaphore_mem>> -> memref<!tpu.dma_semaphore, #tpu.memory_space<semaphore_mem>>
      tpu.enqueue_indirect_dma source(%dma_start3A_217 : memref<128x32xf32, #tpu.memory_space<vmem>>) target(%dma_start3A_223 : memref<10112x32xf32, #tpu.memory_space<vmem_shared>>) offsets(%dma_start3A_220 : memref<128xi32, #tpu.memory_space<vmem>>) semaphore(%dma_start3A_225 : memref<!tpu.dma_semaphore, #tpu.memory_space<semaphore_mem>>) {add = true}
      %while3A_226 = arith.constant 0 : i32
      scf.yield %while3A_226 : i32
    }
    %dma_wait3A = arith.constant 0 : i32
    %dma_wait3A_87 = arith.constant 0 : i32
    %dma_wait3A_88 = arith.constant 0 : i32
    %dma_wait3A_89 = arith.constant 0 : i32
    %dma_wait3A_90 = arith.constant 0 : i32
    %dma_wait3A_91 = tpu.memref_slice %arg7[%dma_wait3A, %dma_wait3A_89, %dma_wait3A_90] : memref<6x128x32xf32, #tpu.memory_space<vmem>> -> memref<1x128x32xf32, #tpu.memory_space<vmem>>
    %dma_wait3A_92 = tpu.memref_squeeze %dma_wait3A_91 : memref<1x128x32xf32, #tpu.memory_space<vmem>> -> memref<128x32xf32, #tpu.memory_space<vmem>>
    %dma_wait3A_93 = arith.constant 0 : i32
    %dma_wait3A_94 = tpu.memref_slice %arg6[%dma_wait3A_87, %dma_wait3A_93] : memref<79x128xi32, #tpu.memory_space<vmem>> -> memref<1x128xi32, #tpu.memory_space<vmem>>
    %dma_wait3A_95 = tpu.memref_squeeze %dma_wait3A_94 : memref<1x128xi32, #tpu.memory_space<vmem>> -> memref<128xi32, #tpu.memory_space<vmem>>
    %dma_wait3A_96 = arith.constant 0 : i32
    %dma_wait3A_97 = arith.constant 0 : i32
    %dma_wait3A_98 = tpu.memref_slice %arg9[%dma_wait3A_96, %dma_wait3A_97] : memref<10112x32xf32, #tpu.memory_space<vmem_shared>> -> memref<10112x32xf32, #tpu.memory_space<vmem_shared>>
    %dma_wait3A_99 = tpu.memref_slice %arg11[%dma_wait3A_88] : memref<6x!tpu.dma_semaphore, #tpu.memory_space<semaphore_mem>> -> memref<1x!tpu.dma_semaphore, #tpu.memory_space<semaphore_mem>>
    %dma_wait3A_100 = tpu.memref_squeeze %dma_wait3A_99 : memref<1x!tpu.dma_semaphore, #tpu.memory_space<semaphore_mem>> -> memref<!tpu.dma_semaphore, #tpu.memory_space<semaphore_mem>>
    tpu.wait_indirect_dma semaphore(%dma_wait3A_100 : memref<!tpu.dma_semaphore, #tpu.memory_space<semaphore_mem>>) src(%dma_wait3A_92 : memref<128x32xf32, #tpu.memory_space<vmem>>) dst(%dma_wait3A_98 : memref<10112x32xf32, #tpu.memory_space<vmem_shared>>)
    %dma_wait3A_101 = arith.constant 1 : i32
    %dma_wait3A_102 = arith.constant 0 : i32
    %dma_wait3A_103 = arith.constant 1 : i32
    %dma_wait3A_104 = arith.constant 0 : i32
    %dma_wait3A_105 = arith.constant 0 : i32
    %dma_wait3A_106 = tpu.memref_slice %arg7[%dma_wait3A_101, %dma_wait3A_104, %dma_wait3A_105] : memref<6x128x32xf32, #tpu.memory_space<vmem>> -> memref<1x128x32xf32, #tpu.memory_space<vmem>>
    %dma_wait3A_107 = tpu.memref_squeeze %dma_wait3A_106 : memref<1x128x32xf32, #tpu.memory_space<vmem>> -> memref<128x32xf32, #tpu.memory_space<vmem>>
    %dma_wait3A_108 = arith.constant 0 : i32
    %dma_wait3A_109 = tpu.memref_slice %arg6[%dma_wait3A_102, %dma_wait3A_108] : memref<79x128xi32, #tpu.memory_space<vmem>> -> memref<1x128xi32, #tpu.memory_space<vmem>>
    %dma_wait3A_110 = tpu.memref_squeeze %dma_wait3A_109 : memref<1x128xi32, #tpu.memory_space<vmem>> -> memref<128xi32, #tpu.memory_space<vmem>>
    %dma_wait3A_111 = arith.constant 0 : i32
    %dma_wait3A_112 = arith.constant 0 : i32
    %dma_wait3A_113 = tpu.memref_slice %arg9[%dma_wait3A_111, %dma_wait3A_112] : memref<10112x32xf32, #tpu.memory_space<vmem_shared>> -> memref<10112x32xf32, #tpu.memory_space<vmem_shared>>
    %dma_wait3A_114 = tpu.memref_slice %arg11[%dma_wait3A_103] : memref<6x!tpu.dma_semaphore, #tpu.memory_space<semaphore_mem>> -> memref<1x!tpu.dma_semaphore, #tpu.memory_space<semaphore_mem>>
    %dma_wait3A_115 = tpu.memref_squeeze %dma_wait3A_114 : memref<1x!tpu.dma_semaphore, #tpu.memory_space<semaphore_mem>> -> memref<!tpu.dma_semaphore, #tpu.memory_space<semaphore_mem>>
    tpu.wait_indirect_dma semaphore(%dma_wait3A_115 : memref<!tpu.dma_semaphore, #tpu.memory_space<semaphore_mem>>) src(%dma_wait3A_107 : memref<128x32xf32, #tpu.memory_space<vmem>>) dst(%dma_wait3A_113 : memref<10112x32xf32, #tpu.memory_space<vmem_shared>>)
    %dma_wait3A_116 = arith.constant 2 : i32
    %dma_wait3A_117 = arith.constant 0 : i32
    %dma_wait3A_118 = arith.constant 2 : i32
    %dma_wait3A_119 = arith.constant 0 : i32
    %dma_wait3A_120 = arith.constant 0 : i32
    %dma_wait3A_121 = tpu.memref_slice %arg7[%dma_wait3A_116, %dma_wait3A_119, %dma_wait3A_120] : memref<6x128x32xf32, #tpu.memory_space<vmem>> -> memref<1x128x32xf32, #tpu.memory_space<vmem>>
    %dma_wait3A_122 = tpu.memref_squeeze %dma_wait3A_121 : memref<1x128x32xf32, #tpu.memory_space<vmem>> -> memref<128x32xf32, #tpu.memory_space<vmem>>
    %dma_wait3A_123 = arith.constant 0 : i32
    %dma_wait3A_124 = tpu.memref_slice %arg6[%dma_wait3A_117, %dma_wait3A_123] : memref<79x128xi32, #tpu.memory_space<vmem>> -> memref<1x128xi32, #tpu.memory_space<vmem>>
    %dma_wait3A_125 = tpu.memref_squeeze %dma_wait3A_124 : memref<1x128xi32, #tpu.memory_space<vmem>> -> memref<128xi32, #tpu.memory_space<vmem>>
    %dma_wait3A_126 = arith.constant 0 : i32
    %dma_wait3A_127 = arith.constant 0 : i32
    %dma_wait3A_128 = tpu.memref_slice %arg9[%dma_wait3A_126, %dma_wait3A_127] : memref<10112x32xf32, #tpu.memory_space<vmem_shared>> -> memref<10112x32xf32, #tpu.memory_space<vmem_shared>>
    %dma_wait3A_129 = tpu.memref_slice %arg11[%dma_wait3A_118] : memref<6x!tpu.dma_semaphore, #tpu.memory_space<semaphore_mem>> -> memref<1x!tpu.dma_semaphore, #tpu.memory_space<semaphore_mem>>
    %dma_wait3A_130 = tpu.memref_squeeze %dma_wait3A_129 : memref<1x!tpu.dma_semaphore, #tpu.memory_space<semaphore_mem>> -> memref<!tpu.dma_semaphore, #tpu.memory_space<semaphore_mem>>
    tpu.wait_indirect_dma semaphore(%dma_wait3A_130 : memref<!tpu.dma_semaphore, #tpu.memory_space<semaphore_mem>>) src(%dma_wait3A_122 : memref<128x32xf32, #tpu.memory_space<vmem>>) dst(%dma_wait3A_128 : memref<10112x32xf32, #tpu.memory_space<vmem_shared>>)
    %dma_wait3A_131 = arith.constant 3 : i32
    %dma_wait3A_132 = arith.constant 0 : i32
    %dma_wait3A_133 = arith.constant 3 : i32
    %dma_wait3A_134 = arith.constant 0 : i32
    %dma_wait3A_135 = arith.constant 0 : i32
    %dma_wait3A_136 = tpu.memref_slice %arg7[%dma_wait3A_131, %dma_wait3A_134, %dma_wait3A_135] : memref<6x128x32xf32, #tpu.memory_space<vmem>> -> memref<1x128x32xf32, #tpu.memory_space<vmem>>
    %dma_wait3A_137 = tpu.memref_squeeze %dma_wait3A_136 : memref<1x128x32xf32, #tpu.memory_space<vmem>> -> memref<128x32xf32, #tpu.memory_space<vmem>>
    %dma_wait3A_138 = arith.constant 0 : i32
    %dma_wait3A_139 = tpu.memref_slice %arg6[%dma_wait3A_132, %dma_wait3A_138] : memref<79x128xi32, #tpu.memory_space<vmem>> -> memref<1x128xi32, #tpu.memory_space<vmem>>
    %dma_wait3A_140 = tpu.memref_squeeze %dma_wait3A_139 : memref<1x128xi32, #tpu.memory_space<vmem>> -> memref<128xi32, #tpu.memory_space<vmem>>
    %dma_wait3A_141 = arith.constant 0 : i32
    %dma_wait3A_142 = arith.constant 0 : i32
    %dma_wait3A_143 = tpu.memref_slice %arg9[%dma_wait3A_141, %dma_wait3A_142] : memref<10112x32xf32, #tpu.memory_space<vmem_shared>> -> memref<10112x32xf32, #tpu.memory_space<vmem_shared>>
    %dma_wait3A_144 = tpu.memref_slice %arg11[%dma_wait3A_133] : memref<6x!tpu.dma_semaphore, #tpu.memory_space<semaphore_mem>> -> memref<1x!tpu.dma_semaphore, #tpu.memory_space<semaphore_mem>>
    %dma_wait3A_145 = tpu.memref_squeeze %dma_wait3A_144 : memref<1x!tpu.dma_semaphore, #tpu.memory_space<semaphore_mem>> -> memref<!tpu.dma_semaphore, #tpu.memory_space<semaphore_mem>>
    tpu.wait_indirect_dma semaphore(%dma_wait3A_145 : memref<!tpu.dma_semaphore, #tpu.memory_space<semaphore_mem>>) src(%dma_wait3A_137 : memref<128x32xf32, #tpu.memory_space<vmem>>) dst(%dma_wait3A_143 : memref<10112x32xf32, #tpu.memory_space<vmem_shared>>)
    %dma_wait3A_146 = arith.constant 4 : i32
    %dma_wait3A_147 = arith.constant 0 : i32
    %dma_wait3A_148 = arith.constant 4 : i32
    %dma_wait3A_149 = arith.constant 0 : i32
    %dma_wait3A_150 = arith.constant 0 : i32
    %dma_wait3A_151 = tpu.memref_slice %arg7[%dma_wait3A_146, %dma_wait3A_149, %dma_wait3A_150] : memref<6x128x32xf32, #tpu.memory_space<vmem>> -> memref<1x128x32xf32, #tpu.memory_space<vmem>>
    %dma_wait3A_152 = tpu.memref_squeeze %dma_wait3A_151 : memref<1x128x32xf32, #tpu.memory_space<vmem>> -> memref<128x32xf32, #tpu.memory_space<vmem>>
    %dma_wait3A_153 = arith.constant 0 : i32
    %dma_wait3A_154 = tpu.memref_slice %arg6[%dma_wait3A_147, %dma_wait3A_153] : memref<79x128xi32, #tpu.memory_space<vmem>> -> memref<1x128xi32, #tpu.memory_space<vmem>>
    %dma_wait3A_155 = tpu.memref_squeeze %dma_wait3A_154 : memref<1x128xi32, #tpu.memory_space<vmem>> -> memref<128xi32, #tpu.memory_space<vmem>>
    %dma_wait3A_156 = arith.constant 0 : i32
    %dma_wait3A_157 = arith.constant 0 : i32
    %dma_wait3A_158 = tpu.memref_slice %arg9[%dma_wait3A_156, %dma_wait3A_157] : memref<10112x32xf32, #tpu.memory_space<vmem_shared>> -> memref<10112x32xf32, #tpu.memory_space<vmem_shared>>
    %dma_wait3A_159 = tpu.memref_slice %arg11[%dma_wait3A_148] : memref<6x!tpu.dma_semaphore, #tpu.memory_space<semaphore_mem>> -> memref<1x!tpu.dma_semaphore, #tpu.memory_space<semaphore_mem>>
    %dma_wait3A_160 = tpu.memref_squeeze %dma_wait3A_159 : memref<1x!tpu.dma_semaphore, #tpu.memory_space<semaphore_mem>> -> memref<!tpu.dma_semaphore, #tpu.memory_space<semaphore_mem>>
    tpu.wait_indirect_dma semaphore(%dma_wait3A_160 : memref<!tpu.dma_semaphore, #tpu.memory_space<semaphore_mem>>) src(%dma_wait3A_152 : memref<128x32xf32, #tpu.memory_space<vmem>>) dst(%dma_wait3A_158 : memref<10112x32xf32, #tpu.memory_space<vmem_shared>>)
    %dma_wait3A_161 = arith.constant 5 : i32
    %dma_wait3A_162 = arith.constant 0 : i32
    %dma_wait3A_163 = arith.constant 5 : i32
    %dma_wait3A_164 = arith.constant 0 : i32
    %dma_wait3A_165 = arith.constant 0 : i32
    %dma_wait3A_166 = tpu.memref_slice %arg7[%dma_wait3A_161, %dma_wait3A_164, %dma_wait3A_165] : memref<6x128x32xf32, #tpu.memory_space<vmem>> -> memref<1x128x32xf32, #tpu.memory_space<vmem>>
    %dma_wait3A_167 = tpu.memref_squeeze %dma_wait3A_166 : memref<1x128x32xf32, #tpu.memory_space<vmem>> -> memref<128x32xf32, #tpu.memory_space<vmem>>
    %dma_wait3A_168 = arith.constant 0 : i32
    %dma_wait3A_169 = tpu.memref_slice %arg6[%dma_wait3A_162, %dma_wait3A_168] : memref<79x128xi32, #tpu.memory_space<vmem>> -> memref<1x128xi32, #tpu.memory_space<vmem>>
    %dma_wait3A_170 = tpu.memref_squeeze %dma_wait3A_169 : memref<1x128xi32, #tpu.memory_space<vmem>> -> memref<128xi32, #tpu.memory_space<vmem>>
    %dma_wait3A_171 = arith.constant 0 : i32
    %dma_wait3A_172 = arith.constant 0 : i32
    %dma_wait3A_173 = tpu.memref_slice %arg9[%dma_wait3A_171, %dma_wait3A_172] : memref<10112x32xf32, #tpu.memory_space<vmem_shared>> -> memref<10112x32xf32, #tpu.memory_space<vmem_shared>>
    %dma_wait3A_174 = tpu.memref_slice %arg11[%dma_wait3A_163] : memref<6x!tpu.dma_semaphore, #tpu.memory_space<semaphore_mem>> -> memref<1x!tpu.dma_semaphore, #tpu.memory_space<semaphore_mem>>
    %dma_wait3A_175 = tpu.memref_squeeze %dma_wait3A_174 : memref<1x!tpu.dma_semaphore, #tpu.memory_space<semaphore_mem>> -> memref<!tpu.dma_semaphore, #tpu.memory_space<semaphore_mem>>
    tpu.wait_indirect_dma semaphore(%dma_wait3A_175 : memref<!tpu.dma_semaphore, #tpu.memory_space<semaphore_mem>>) src(%dma_wait3A_167 : memref<128x32xf32, #tpu.memory_space<vmem>>) dst(%dma_wait3A_173 : memref<10112x32xf32, #tpu.memory_space<vmem_shared>>)
    %barrier3A_176 = arith.constant 0 : index
    tpu.barrier barrier_id(%barrier3A_176)
    %mul3A_177 = arith.constant 632 : i32
    %mul3A_178 = arith.muli %arg1, %mul3A_177 : i32
    "tpu.region"() ({
      %run_scoped3A = tpu.sem_alloc : memref<!tpu.dma_semaphore, #tpu.memory_space<semaphore_mem>>
      %dma_start3A = arith.constant 0 : i32
      %dma_start3A_181 = tpu.memref_slice %arg9[%mul3A_178, %dma_start3A] : memref<10112x32xf32, #tpu.memory_space<vmem_shared>> -> memref<632x32xf32, #tpu.memory_space<vmem_shared>>
      %dma_start3A_182 = arith.constant 0 : i32
      %dma_start3A_183 = tpu.memref_slice %arg9[%mul3A_178, %dma_start3A_182] : memref<10112x32xf32, #tpu.memory_space<vmem_shared>> -> memref<632x32xf32, #tpu.memory_space<vmem_shared>>
      tpu.enqueue_dma source(%dma_start3A_183 : memref<632x32xf32, #tpu.memory_space<vmem_shared>>) target(%arg8 : memref<632x32xf32, #tpu.memory_space<vmem>>) target_semaphore(%run_scoped3A : memref<!tpu.dma_semaphore, #tpu.memory_space<semaphore_mem>>)
      %dma_wait3A_184 = arith.constant 0 : i32
      %dma_wait3A_185 = tpu.memref_slice %arg9[%mul3A_178, %dma_wait3A_184] : memref<10112x32xf32, #tpu.memory_space<vmem_shared>> -> memref<632x32xf32, #tpu.memory_space<vmem_shared>>
      %dma_wait3A_186 = arith.constant 0 : i32
      %dma_wait3A_187 = tpu.memref_slice %arg9[%mul3A_178, %dma_wait3A_186] : memref<10112x32xf32, #tpu.memory_space<vmem_shared>> -> memref<632x32xf32, #tpu.memory_space<vmem_shared>>
      tpu.wait_dma2 semaphore(%run_scoped3A : memref<!tpu.dma_semaphore, #tpu.memory_space<semaphore_mem>>) src(%dma_wait3A_187 : memref<632x32xf32, #tpu.memory_space<vmem_shared>>) dst(%arg8 : memref<632x32xf32, #tpu.memory_space<vmem>>)
      tpu.yield
    }) : () -> ()
    %mul3A_179 = arith.constant 632 : i32
    %mul3A_180 = arith.muli %arg1, %mul3A_179 : i32
    "tpu.region"() ({
      %run_scoped3A = tpu.sem_alloc : memref<!tpu.dma_semaphore, #tpu.memory_space<semaphore_mem>>
      %dma_start3A = arith.constant 0 : i32
      %dma_start3A_181 = tpu.memref_slice %arg4[%arg0, %mul3A_180, %dma_start3A] : memref<2x10112x32xf32, #tpu.memory_space<hbm>> -> memref<1x632x32xf32, #tpu.memory_space<hbm>>
      %dma_start3A_182 = tpu.memref_squeeze %dma_start3A_181 : memref<1x632x32xf32, #tpu.memory_space<hbm>> -> memref<632x32xf32, #tpu.memory_space<hbm>>
      %dma_start3A_183 = arith.constant 0 : i32
      %dma_start3A_184 = tpu.memref_slice %arg4[%arg0, %mul3A_180, %dma_start3A_183] : memref<2x10112x32xf32, #tpu.memory_space<hbm>> -> memref<1x632x32xf32, #tpu.memory_space<hbm>>
      %dma_start3A_185 = tpu.memref_squeeze %dma_start3A_184 : memref<1x632x32xf32, #tpu.memory_space<hbm>> -> memref<632x32xf32, #tpu.memory_space<hbm>>
      tpu.enqueue_dma source(%arg8 : memref<632x32xf32, #tpu.memory_space<vmem>>) target(%dma_start3A_185 : memref<632x32xf32, #tpu.memory_space<hbm>>) target_semaphore(%run_scoped3A : memref<!tpu.dma_semaphore, #tpu.memory_space<semaphore_mem>>)
      %dma_wait3A_186 = arith.constant 0 : i32
      %dma_wait3A_187 = tpu.memref_slice %arg4[%arg0, %mul3A_180, %dma_wait3A_186] : memref<2x10112x32xf32, #tpu.memory_space<hbm>> -> memref<1x632x32xf32, #tpu.memory_space<hbm>>
      %dma_wait3A_188 = tpu.memref_squeeze %dma_wait3A_187 : memref<1x632x32xf32, #tpu.memory_space<hbm>> -> memref<632x32xf32, #tpu.memory_space<hbm>>
      %dma_wait3A_189 = arith.constant 0 : i32
      %dma_wait3A_190 = tpu.memref_slice %arg4[%arg0, %mul3A_180, %dma_wait3A_189] : memref<2x10112x32xf32, #tpu.memory_space<hbm>> -> memref<1x632x32xf32, #tpu.memory_space<hbm>>
      %dma_wait3A_191 = tpu.memref_squeeze %dma_wait3A_190 : memref<1x632x32xf32, #tpu.memory_space<hbm>> -> memref<632x32xf32, #tpu.memory_space<hbm>>
      tpu.wait_dma2 semaphore(%run_scoped3A : memref<!tpu.dma_semaphore, #tpu.memory_space<semaphore_mem>>) src(%arg8 : memref<632x32xf32, #tpu.memory_space<vmem>>) dst(%dma_wait3A_191 : memref<632x32xf32, #tpu.memory_space<hbm>>)
      tpu.yield
    }) : () -> ()
    return
  }
}

module attributes {stable_mosaic.version = 14 : i64} {
  func.func @_mm_body(%arg0: memref<10000x128xf32, #tpu.memory_space<vmem>>, %arg1: memref<128x32xf32, #tpu.memory_space<vmem>>, %arg2: memref<2500x128xf32, #tpu.memory_space<vmem>>) attributes {dimension_semantics = [], scalar_prefetch = 0 : i64, scratch_operands = 0 : i64, tpu.core_type = #tpu.core_type<tc>} {
    %get3A = arith.constant 0 : index
    %get3A_0 = arith.constant 0 : index
    %get3A_1 = vector.load %arg0[%get3A, %get3A_0] : memref<10000x128xf32, #tpu.memory_space<vmem>>, vector<2500x128xf32>
    %get3A_2 = arith.constant 0 : index
    %get3A_3 = arith.constant 0 : index
    %get3A_4 = vector.load %arg1[%get3A_2, %get3A_3] : memref<128x32xf32, #tpu.memory_space<vmem>>, vector<128x32xf32>
    %dot_general3A = arith.constant dense<0.000000e+00> : vector<2500x32xf32>
    %dot_general3A_5 = tpu.matmul %get3A_1, %get3A_4, %dot_general3A {dimension_numbers = #tpu.dot_dimension_numbers<[1], [0], [0], [1], [0, 0, 1, 1], [], []>, transpose_lhs_hint = false} : vector<2500x128xf32>, vector<128x32xf32>, vector<2500x32xf32> -> vector<2500x32xf32>
    %swap3A = arith.constant 0 : index
    %swap3A_6 = arith.constant 0 : index
    %swap3A_7 = vector.load %arg2[%swap3A, %swap3A_6] : memref<2500x128xf32, #tpu.memory_space<vmem>>, vector<2500x32xf32>
    tpu.vector_store %arg2[%swap3A, %swap3A_6], %dot_general3A_5 {strides = array<i32>} : memref<2500x128xf32, #tpu.memory_space<vmem>>, vector<2500x32xf32>,
    %get3A_8 = arith.constant 2500 : index
    %get3A_9 = arith.constant 0 : index
    %get3A_10 = vector.load %arg0[%get3A_8, %get3A_9] : memref<10000x128xf32, #tpu.memory_space<vmem>>, vector<2500x128xf32>
    %get3A_11 = arith.constant 0 : index
    %get3A_12 = arith.constant 0 : index
    %get3A_13 = vector.load %arg1[%get3A_11, %get3A_12] : memref<128x32xf32, #tpu.memory_space<vmem>>, vector<128x32xf32>
    %dot_general3A_14 = arith.constant dense<0.000000e+00> : vector<2500x32xf32>
    %dot_general3A_15 = tpu.matmul %get3A_10, %get3A_13, %dot_general3A_14 {dimension_numbers = #tpu.dot_dimension_numbers<[1], [0], [0], [1], [0, 0, 1, 1], [], []>, transpose_lhs_hint = false} : vector<2500x128xf32>, vector<128x32xf32>, vector<2500x32xf32> -> vector<2500x32xf32>
    %swap3A_16 = arith.constant 0 : index
    %swap3A_17 = arith.constant 32 : index
    %swap3A_18 = vector.load %arg2[%swap3A_16, %swap3A_17] : memref<2500x128xf32, #tpu.memory_space<vmem>>, vector<2500x32xf32>
    tpu.vector_store %arg2[%swap3A_16, %swap3A_17], %dot_general3A_15 {strides = array<i32>} : memref<2500x128xf32, #tpu.memory_space<vmem>>, vector<2500x32xf32>,
    %get3A_19 = arith.constant 5000 : index
    %get3A_20 = arith.constant 0 : index
    %get3A_21 = vector.load %arg0[%get3A_19, %get3A_20] : memref<10000x128xf32, #tpu.memory_space<vmem>>, vector<2500x128xf32>
    %get3A_22 = arith.constant 0 : index
    %get3A_23 = arith.constant 0 : index
    %get3A_24 = vector.load %arg1[%get3A_22, %get3A_23] : memref<128x32xf32, #tpu.memory_space<vmem>>, vector<128x32xf32>
    %dot_general3A_25 = arith.constant dense<0.000000e+00> : vector<2500x32xf32>
    %dot_general3A_26 = tpu.matmul %get3A_21, %get3A_24, %dot_general3A_25 {dimension_numbers = #tpu.dot_dimension_numbers<[1], [0], [0], [1], [0, 0, 1, 1], [], []>, transpose_lhs_hint = false} : vector<2500x128xf32>, vector<128x32xf32>, vector<2500x32xf32> -> vector<2500x32xf32>
    %swap3A_27 = arith.constant 0 : index
    %swap3A_28 = arith.constant 64 : index
    %swap3A_29 = vector.load %arg2[%swap3A_27, %swap3A_28] : memref<2500x128xf32, #tpu.memory_space<vmem>>, vector<2500x32xf32>
    tpu.vector_store %arg2[%swap3A_27, %swap3A_28], %dot_general3A_26 {strides = array<i32>} : memref<2500x128xf32, #tpu.memory_space<vmem>>, vector<2500x32xf32>,
    %get3A_30 = arith.constant 7500 : index
    %get3A_31 = arith.constant 0 : index
    %get3A_32 = vector.load %arg0[%get3A_30, %get3A_31] : memref<10000x128xf32, #tpu.memory_space<vmem>>, vector<2500x128xf32>
    %get3A_33 = arith.constant 0 : index
    %get3A_34 = arith.constant 0 : index
    %get3A_35 = vector.load %arg1[%get3A_33, %get3A_34] : memref<128x32xf32, #tpu.memory_space<vmem>>, vector<128x32xf32>
    %dot_general3A_36 = arith.constant dense<0.000000e+00> : vector<2500x32xf32>
    %dot_general3A_37 = tpu.matmul %get3A_32, %get3A_35, %dot_general3A_36 {dimension_numbers = #tpu.dot_dimension_numbers<[1], [0], [0], [1], [0, 0, 1, 1], [], []>, transpose_lhs_hint = false} : vector<2500x128xf32>, vector<128x32xf32>, vector<2500x32xf32> -> vector<2500x32xf32>
    %swap3A_38 = arith.constant 0 : index
    %swap3A_39 = arith.constant 96 : index
    %swap3A_40 = vector.load %arg2[%swap3A_38, %swap3A_39] : memref<2500x128xf32, #tpu.memory_space<vmem>>, vector<2500x32xf32>
    tpu.vector_store %arg2[%swap3A_38, %swap3A_39], %dot_general3A_37 {strides = array<i32>} : memref<2500x128xf32, #tpu.memory_space<vmem>>, vector<2500x32xf32>,
    return
  }
}

module attributes {stable_mosaic.version = 14 : i64} {
  func.func @_mid_body(%arg0: memref<2500x128xf32, #tpu.memory_space<vmem>>, %arg1: memref<2x2528x128xf32, #tpu.memory_space<vmem>>, %arg2: memref<1x128xf32, #tpu.memory_space<vmem>>, %arg3: memref<128x128xf32, #tpu.memory_space<vmem>>, %arg4: memref<1x128xf32, #tpu.memory_space<vmem>>, %arg5: memref<1x128xf32, #tpu.memory_space<vmem>>, %arg6: memref<1x128xf32, #tpu.memory_space<vmem>>, %arg7: memref<128x128xf32, #tpu.memory_space<vmem>>, %arg8: memref<2500x128xf32, #tpu.memory_space<vmem>>) attributes {dimension_semantics = [], scalar_prefetch = 0 : i64, scratch_operands = 0 : i64, tpu.core_type = #tpu.core_type<tc>} {
    %get3A = arith.constant 0 : index
    %get3A_0 = arith.constant 0 : index
    %get3A_1 = vector.load %arg0[%get3A, %get3A_0] : memref<2500x128xf32, #tpu.memory_space<vmem>>, vector<2500x128xf32>
    %get3A_2 = arith.constant 0 : index
    %get3A_3 = arith.constant 0 : index
    %get3A_4 = arith.constant 0 : index
    %get3A_5 = vector.load %arg1[%get3A_2, %get3A_3, %get3A_4] : memref<2x2528x128xf32, #tpu.memory_space<vmem>>, vector<2x2528x128xf32>
    %get3A_6 = arith.constant 0 : index
    %get3A_7 = arith.constant 0 : index
    %get3A_8 = vector.load %arg2[%get3A_6, %get3A_7] : memref<1x128xf32, #tpu.memory_space<vmem>>, vector<1x128xf32>
    %get3A_9 = arith.constant 0 : index
    %get3A_10 = arith.constant 0 : index
    %get3A_11 = vector.load %arg3[%get3A_9, %get3A_10] : memref<128x128xf32, #tpu.memory_space<vmem>>, vector<128x128xf32>
    %get3A_12 = arith.constant 0 : index
    %get3A_13 = arith.constant 0 : index
    %get3A_14 = vector.load %arg4[%get3A_12, %get3A_13] : memref<1x128xf32, #tpu.memory_space<vmem>>, vector<1x128xf32>
    %slice3A = vector.extract_strided_slice %get3A_5 {offsets = [0, 0, 0], sizes = [1, 2500, 128], strides = [1, 1, 1]} : vector<2x2528x128xf32> to vector<1x2500x128xf32>
    %squeeze3A = vector.shape_cast %slice3A : vector<1x2500x128xf32> to vector<2500x128xf32>
    %slice3A_15 = vector.extract_strided_slice %get3A_5 {offsets = [1, 0, 0], sizes = [1, 2500, 128], strides = [1, 1, 1]} : vector<2x2528x128xf32> to vector<1x2500x128xf32>
    %squeeze3A_16 = vector.shape_cast %slice3A_15 : vector<1x2500x128xf32> to vector<2500x128xf32>
    %add3A = arith.addf %squeeze3A, %squeeze3A_16 : vector<2500x128xf32>
    %add3A_17 = arith.addf %get3A_1, %add3A : vector<2500x128xf32>
    %add3A_18 = vector.broadcast %get3A_8 : vector<1x128xf32> to vector<2500x128xf32>
    %add3A_19 = arith.addf %add3A_17, %add3A_18 : vector<2500x128xf32>
    %max3A = arith.constant 0.000000e+00 : f32
    %max3A_20 = vector.broadcast %max3A : f32 to vector<2500x128xf32>
    %max3A_21 = arith.maximumf %add3A_19, %max3A_20 : vector<2500x128xf32>
    %dot_general3A = arith.constant dense<0.000000e+00> : vector<2500x128xf32>
    %dot_general3A_22 = tpu.matmul %max3A_21, %get3A_11, %dot_general3A {dimension_numbers = #tpu.dot_dimension_numbers<[1], [0], [0], [1], [0, 0, 1, 1], [], []>, transpose_lhs_hint = false} : vector<2500x128xf32>, vector<128x128xf32>, vector<2500x128xf32> -> vector<2500x128xf32>
    %add3A_23 = vector.broadcast %get3A_14 : vector<1x128xf32> to vector<2500x128xf32>
    %add3A_24 = arith.addf %dot_general3A_22, %add3A_23 : vector<2500x128xf32>
    %max3A_25 = arith.constant 0.000000e+00 : f32
    %max3A_26 = vector.broadcast %max3A_25 : f32 to vector<2500x128xf32>
    %max3A_27 = arith.maximumf %add3A_24, %max3A_26 : vector<2500x128xf32>
    %get3A_28 = arith.constant 0 : index
    %get3A_29 = arith.constant 0 : index
    %get3A_30 = vector.load %arg5[%get3A_28, %get3A_29] : memref<1x128xf32, #tpu.memory_space<vmem>>, vector<1x128xf32>
    %get3A_31 = arith.constant 0 : index
    %get3A_32 = arith.constant 0 : index
    %get3A_33 = vector.load %arg6[%get3A_31, %get3A_32] : memref<1x128xf32, #tpu.memory_space<vmem>>, vector<1x128xf32>
    %reduce_sum3A = arith.constant dense<0.000000e+00> : vector<128xf32>
    %reduce_sum3A_34 = vector.multi_reduction <add>, %max3A_27, %reduce_sum3A [0] : vector<2500x128xf32> to vector<128xf32>
    %broadcast_in_dim3A = vector.shape_cast %reduce_sum3A_34 : vector<128xf32> to vector<1x128xf32>
    %mul3A = arith.mulf %max3A_27, %max3A_27 : vector<2500x128xf32>
    %reduce_sum3A_35 = arith.constant dense<0.000000e+00> : vector<128xf32>
    %reduce_sum3A_36 = vector.multi_reduction <add>, %mul3A, %reduce_sum3A_35 [0] : vector<2500x128xf32> to vector<128xf32>
    %broadcast_in_dim3A_37 = vector.shape_cast %reduce_sum3A_36 : vector<128xf32> to vector<1x128xf32>
    %slice3A_38 = vector.extract_strided_slice %broadcast_in_dim3A {offsets = [0, 0], sizes = [1, 32], strides = [1, 1]} : vector<1x128xf32> to vector<1x32xf32>
    %slice3A_39 = vector.extract_strided_slice %broadcast_in_dim3A {offsets = [0, 32], sizes = [1, 32], strides = [1, 1]} : vector<1x128xf32> to vector<1x32xf32>
    %add3A_40 = arith.addf %slice3A_38, %slice3A_39 : vector<1x32xf32>
    %slice3A_41 = vector.extract_strided_slice %broadcast_in_dim3A {offsets = [0, 64], sizes = [1, 32], strides = [1, 1]} : vector<1x128xf32> to vector<1x32xf32>
    %add3A_42 = arith.addf %add3A_40, %slice3A_41 : vector<1x32xf32>
    %slice3A_43 = vector.extract_strided_slice %broadcast_in_dim3A {offsets = [0, 96], sizes = [1, 32], strides = [1, 1]} : vector<1x128xf32> to vector<1x32xf32>
    %add3A_44 = arith.addf %add3A_42, %slice3A_43 : vector<1x32xf32>
    %slice3A_45 = vector.extract_strided_slice %broadcast_in_dim3A_37 {offsets = [0, 0], sizes = [1, 32], strides = [1, 1]} : vector<1x128xf32> to vector<1x32xf32>
    %slice3A_46 = vector.extract_strided_slice %broadcast_in_dim3A_37 {offsets = [0, 32], sizes = [1, 32], strides = [1, 1]} : vector<1x128xf32> to vector<1x32xf32>
    %add3A_47 = arith.addf %slice3A_45, %slice3A_46 : vector<1x32xf32>
    %slice3A_48 = vector.extract_strided_slice %broadcast_in_dim3A_37 {offsets = [0, 64], sizes = [1, 32], strides = [1, 1]} : vector<1x128xf32> to vector<1x32xf32>
    %add3A_49 = arith.addf %add3A_47, %slice3A_48 : vector<1x32xf32>
    %slice3A_50 = vector.extract_strided_slice %broadcast_in_dim3A_37 {offsets = [0, 96], sizes = [1, 32], strides = [1, 1]} : vector<1x128xf32> to vector<1x32xf32>
    %add3A_51 = arith.addf %add3A_49, %slice3A_50 : vector<1x32xf32>
    %concatenate3A = tpu.concatenate %add3A_44, %add3A_44, %add3A_44, %add3A_44 in 1 : vector<1x32xf32>, vector<1x32xf32>, vector<1x32xf32>, vector<1x32xf32> -> vector<1x128xf32>
    %mul3A_52 = arith.constant 9.99999974E-5 : f32
    %mul3A_53 = vector.broadcast %mul3A_52 : f32 to vector<1x128xf32>
    %mul3A_54 = arith.mulf %concatenate3A, %mul3A_53 : vector<1x128xf32>
    %concatenate3A_55 = tpu.concatenate %add3A_51, %add3A_51, %add3A_51, %add3A_51 in 1 : vector<1x32xf32>, vector<1x32xf32>, vector<1x32xf32>, vector<1x32xf32> -> vector<1x128xf32>
    %mul3A_56 = arith.constant 9.99999974E-5 : f32
    %mul3A_57 = vector.broadcast %mul3A_56 : f32 to vector<1x128xf32>
    %mul3A_58 = arith.mulf %concatenate3A_55, %mul3A_57 : vector<1x128xf32>
    %mul3A_59 = arith.mulf %mul3A_54, %mul3A_54 : vector<1x128xf32>
    %sub3A = arith.subf %mul3A_58, %mul3A_59 : vector<1x128xf32>
    %sub3A_60 = vector.broadcast %mul3A_54 : vector<1x128xf32> to vector<2500x128xf32>
    %sub3A_61 = arith.subf %max3A_27, %sub3A_60 : vector<2500x128xf32>
    %add3A_62 = arith.constant 9.99999974E-6 : f32
    %add3A_63 = vector.broadcast %add3A_62 : f32 to vector<1x128xf32>
    %add3A_64 = arith.addf %sub3A, %add3A_63 : vector<1x128xf32>
    %rsqrt3A = math.rsqrt %add3A_64 : vector<1x128xf32>
    %mul3A_65 = vector.broadcast %rsqrt3A : vector<1x128xf32> to vector<2500x128xf32>
    %mul3A_66 = arith.mulf %sub3A_61, %mul3A_65 : vector<2500x128xf32>
    %mul3A_67 = vector.broadcast %get3A_30 : vector<1x128xf32> to vector<2500x128xf32>
    %mul3A_68 = arith.mulf %mul3A_66, %mul3A_67 : vector<2500x128xf32>
    %add3A_69 = vector.broadcast %get3A_33 : vector<1x128xf32> to vector<2500x128xf32>
    %add3A_70 = arith.addf %mul3A_68, %add3A_69 : vector<2500x128xf32>
    %get3A_71 = arith.constant 0 : index
    %get3A_72 = arith.constant 0 : index
    %get3A_73 = vector.load %arg7[%get3A_71, %get3A_72] : memref<128x128xf32, #tpu.memory_space<vmem>>, vector<128x128xf32>
    %dot_general3A_74 = arith.constant dense<0.000000e+00> : vector<2500x128xf32>
    %dot_general3A_75 = tpu.matmul %add3A_70, %get3A_73, %dot_general3A_74 {dimension_numbers = #tpu.dot_dimension_numbers<[1], [0], [0], [1], [0, 0, 1, 1], [], []>, transpose_lhs_hint = false} : vector<2500x128xf32>, vector<128x128xf32>, vector<2500x128xf32> -> vector<2500x128xf32>
    %swap3A = arith.constant 0 : index
    %swap3A_76 = arith.constant 0 : index
    %swap3A_77 = vector.load %arg8[%swap3A, %swap3A_76] : memref<2500x128xf32, #tpu.memory_space<vmem>>, vector<2500x128xf32>
    tpu.vector_store %arg8[%swap3A, %swap3A_76], %dot_general3A_75 {strides = array<i32>} : memref<2500x128xf32, #tpu.memory_space<vmem>>, vector<2500x128xf32>,
    return
  }
}

module attributes {stable_mosaic.version = 14 : i64} {
  func.func @_tail_body(%arg0: memref<2500x128xf32, #tpu.memory_space<vmem>>, %arg1: memref<2x2528x128xf32, #tpu.memory_space<vmem>>, %arg2: memref<1x128xf32, #tpu.memory_space<vmem>>, %arg3: memref<128x128xf32, #tpu.memory_space<vmem>>, %arg4: memref<1x128xf32, #tpu.memory_space<vmem>>, %arg5: memref<1x128xf32, #tpu.memory_space<vmem>>, %arg6: memref<1x128xf32, #tpu.memory_space<vmem>>, %arg7: memref<128x128xf32, #tpu.memory_space<vmem>>, %arg8: memref<1x128xf32, #tpu.memory_space<vmem>>, %arg9: memref<128x64xf32, #tpu.memory_space<vmem>>, %arg10: memref<1x64xf32, #tpu.memory_space<vmem>>, %arg11: memref<2500x64xf32, #tpu.memory_space<vmem>>) attributes {dimension_semantics = [], scalar_prefetch = 0 : i64, scratch_operands = 0 : i64, tpu.core_type = #tpu.core_type<tc>} {
    %get3A = arith.constant 0 : index
    %get3A_0 = arith.constant 0 : index
    %get3A_1 = vector.load %arg0[%get3A, %get3A_0] : memref<2500x128xf32, #tpu.memory_space<vmem>>, vector<2500x128xf32>
    %get3A_2 = arith.constant 0 : index
    %get3A_3 = arith.constant 0 : index
    %get3A_4 = arith.constant 0 : index
    %get3A_5 = vector.load %arg1[%get3A_2, %get3A_3, %get3A_4] : memref<2x2528x128xf32, #tpu.memory_space<vmem>>, vector<2x2528x128xf32>
    %get3A_6 = arith.constant 0 : index
    %get3A_7 = arith.constant 0 : index
    %get3A_8 = vector.load %arg2[%get3A_6, %get3A_7] : memref<1x128xf32, #tpu.memory_space<vmem>>, vector<1x128xf32>
    %get3A_9 = arith.constant 0 : index
    %get3A_10 = arith.constant 0 : index
    %get3A_11 = vector.load %arg3[%get3A_9, %get3A_10] : memref<128x128xf32, #tpu.memory_space<vmem>>, vector<128x128xf32>
    %get3A_12 = arith.constant 0 : index
    %get3A_13 = arith.constant 0 : index
    %get3A_14 = vector.load %arg4[%get3A_12, %get3A_13] : memref<1x128xf32, #tpu.memory_space<vmem>>, vector<1x128xf32>
    %slice3A = vector.extract_strided_slice %get3A_5 {offsets = [0, 0, 0], sizes = [1, 2500, 128], strides = [1, 1, 1]} : vector<2x2528x128xf32> to vector<1x2500x128xf32>
    %squeeze3A = vector.shape_cast %slice3A : vector<1x2500x128xf32> to vector<2500x128xf32>
    %slice3A_15 = vector.extract_strided_slice %get3A_5 {offsets = [1, 0, 0], sizes = [1, 2500, 128], strides = [1, 1, 1]} : vector<2x2528x128xf32> to vector<1x2500x128xf32>
    %squeeze3A_16 = vector.shape_cast %slice3A_15 : vector<1x2500x128xf32> to vector<2500x128xf32>
    %add3A = arith.addf %squeeze3A, %squeeze3A_16 : vector<2500x128xf32>
    %add3A_17 = arith.addf %get3A_1, %add3A : vector<2500x128xf32>
    %add3A_18 = vector.broadcast %get3A_8 : vector<1x128xf32> to vector<2500x128xf32>
    %add3A_19 = arith.addf %add3A_17, %add3A_18 : vector<2500x128xf32>
    %max3A = arith.constant 0.000000e+00 : f32
    %max3A_20 = vector.broadcast %max3A : f32 to vector<2500x128xf32>
    %max3A_21 = arith.maximumf %add3A_19, %max3A_20 : vector<2500x128xf32>
    %dot_general3A = arith.constant dense<0.000000e+00> : vector<2500x128xf32>
    %dot_general3A_22 = tpu.matmul %max3A_21, %get3A_11, %dot_general3A {dimension_numbers = #tpu.dot_dimension_numbers<[1], [0], [0], [1], [0, 0, 1, 1], [], []>, transpose_lhs_hint = false} : vector<2500x128xf32>, vector<128x128xf32>, vector<2500x128xf32> -> vector<2500x128xf32>
    %add3A_23 = vector.broadcast %get3A_14 : vector<1x128xf32> to vector<2500x128xf32>
    %add3A_24 = arith.addf %dot_general3A_22, %add3A_23 : vector<2500x128xf32>
    %max3A_25 = arith.constant 0.000000e+00 : f32
    %max3A_26 = vector.broadcast %max3A_25 : f32 to vector<2500x128xf32>
    %max3A_27 = arith.maximumf %add3A_24, %max3A_26 : vector<2500x128xf32>
    %get3A_28 = arith.constant 0 : index
    %get3A_29 = arith.constant 0 : index
    %get3A_30 = vector.load %arg5[%get3A_28, %get3A_29] : memref<1x128xf32, #tpu.memory_space<vmem>>, vector<1x128xf32>
    %get3A_31 = arith.constant 0 : index
    %get3A_32 = arith.constant 0 : index
    %get3A_33 = vector.load %arg6[%get3A_31, %get3A_32] : memref<1x128xf32, #tpu.memory_space<vmem>>, vector<1x128xf32>
    %reduce_sum3A = arith.constant dense<0.000000e+00> : vector<128xf32>
    %reduce_sum3A_34 = vector.multi_reduction <add>, %max3A_27, %reduce_sum3A [0] : vector<2500x128xf32> to vector<128xf32>
    %broadcast_in_dim3A = vector.shape_cast %reduce_sum3A_34 : vector<128xf32> to vector<1x128xf32>
    %mul3A = arith.mulf %max3A_27, %max3A_27 : vector<2500x128xf32>
    %reduce_sum3A_35 = arith.constant dense<0.000000e+00> : vector<128xf32>
    %reduce_sum3A_36 = vector.multi_reduction <add>, %mul3A, %reduce_sum3A_35 [0] : vector<2500x128xf32> to vector<128xf32>
    %broadcast_in_dim3A_37 = vector.shape_cast %reduce_sum3A_36 : vector<128xf32> to vector<1x128xf32>
    %slice3A_38 = vector.extract_strided_slice %broadcast_in_dim3A {offsets = [0, 0], sizes = [1, 32], strides = [1, 1]} : vector<1x128xf32> to vector<1x32xf32>
    %slice3A_39 = vector.extract_strided_slice %broadcast_in_dim3A {offsets = [0, 32], sizes = [1, 32], strides = [1, 1]} : vector<1x128xf32> to vector<1x32xf32>
    %add3A_40 = arith.addf %slice3A_38, %slice3A_39 : vector<1x32xf32>
    %slice3A_41 = vector.extract_strided_slice %broadcast_in_dim3A {offsets = [0, 64], sizes = [1, 32], strides = [1, 1]} : vector<1x128xf32> to vector<1x32xf32>
    %add3A_42 = arith.addf %add3A_40, %slice3A_41 : vector<1x32xf32>
    %slice3A_43 = vector.extract_strided_slice %broadcast_in_dim3A {offsets = [0, 96], sizes = [1, 32], strides = [1, 1]} : vector<1x128xf32> to vector<1x32xf32>
    %add3A_44 = arith.addf %add3A_42, %slice3A_43 : vector<1x32xf32>
    %slice3A_45 = vector.extract_strided_slice %broadcast_in_dim3A_37 {offsets = [0, 0], sizes = [1, 32], strides = [1, 1]} : vector<1x128xf32> to vector<1x32xf32>
    %slice3A_46 = vector.extract_strided_slice %broadcast_in_dim3A_37 {offsets = [0, 32], sizes = [1, 32], strides = [1, 1]} : vector<1x128xf32> to vector<1x32xf32>
    %add3A_47 = arith.addf %slice3A_45, %slice3A_46 : vector<1x32xf32>
    %slice3A_48 = vector.extract_strided_slice %broadcast_in_dim3A_37 {offsets = [0, 64], sizes = [1, 32], strides = [1, 1]} : vector<1x128xf32> to vector<1x32xf32>
    %add3A_49 = arith.addf %add3A_47, %slice3A_48 : vector<1x32xf32>
    %slice3A_50 = vector.extract_strided_slice %broadcast_in_dim3A_37 {offsets = [0, 96], sizes = [1, 32], strides = [1, 1]} : vector<1x128xf32> to vector<1x32xf32>
    %add3A_51 = arith.addf %add3A_49, %slice3A_50 : vector<1x32xf32>
    %concatenate3A = tpu.concatenate %add3A_44, %add3A_44, %add3A_44, %add3A_44 in 1 : vector<1x32xf32>, vector<1x32xf32>, vector<1x32xf32>, vector<1x32xf32> -> vector<1x128xf32>
    %mul3A_52 = arith.constant 9.99999974E-5 : f32
    %mul3A_53 = vector.broadcast %mul3A_52 : f32 to vector<1x128xf32>
    %mul3A_54 = arith.mulf %concatenate3A, %mul3A_53 : vector<1x128xf32>
    %concatenate3A_55 = tpu.concatenate %add3A_51, %add3A_51, %add3A_51, %add3A_51 in 1 : vector<1x32xf32>, vector<1x32xf32>, vector<1x32xf32>, vector<1x32xf32> -> vector<1x128xf32>
    %mul3A_56 = arith.constant 9.99999974E-5 : f32
    %mul3A_57 = vector.broadcast %mul3A_56 : f32 to vector<1x128xf32>
    %mul3A_58 = arith.mulf %concatenate3A_55, %mul3A_57 : vector<1x128xf32>
    %mul3A_59 = arith.mulf %mul3A_54, %mul3A_54 : vector<1x128xf32>
    %sub3A = arith.subf %mul3A_58, %mul3A_59 : vector<1x128xf32>
    %sub3A_60 = vector.broadcast %mul3A_54 : vector<1x128xf32> to vector<2500x128xf32>
    %sub3A_61 = arith.subf %max3A_27, %sub3A_60 : vector<2500x128xf32>
    %add3A_62 = arith.constant 9.99999974E-6 : f32
    %add3A_63 = vector.broadcast %add3A_62 : f32 to vector<1x128xf32>
    %add3A_64 = arith.addf %sub3A, %add3A_63 : vector<1x128xf32>
    %rsqrt3A = math.rsqrt %add3A_64 : vector<1x128xf32>
    %mul3A_65 = vector.broadcast %rsqrt3A : vector<1x128xf32> to vector<2500x128xf32>
    %mul3A_66 = arith.mulf %sub3A_61, %mul3A_65 : vector<2500x128xf32>
    %mul3A_67 = vector.broadcast %get3A_30 : vector<1x128xf32> to vector<2500x128xf32>
    %mul3A_68 = arith.mulf %mul3A_66, %mul3A_67 : vector<2500x128xf32>
    %add3A_69 = vector.broadcast %get3A_33 : vector<1x128xf32> to vector<2500x128xf32>
    %add3A_70 = arith.addf %mul3A_68, %add3A_69 : vector<2500x128xf32>
    %get3A_71 = arith.constant 0 : index
    %get3A_72 = arith.constant 0 : index
    %get3A_73 = vector.load %arg7[%get3A_71, %get3A_72] : memref<128x128xf32, #tpu.memory_space<vmem>>, vector<128x128xf32>
    %dot_general3A_74 = arith.constant dense<0.000000e+00> : vector<2500x128xf32>
    %dot_general3A_75 = tpu.matmul %add3A_70, %get3A_73, %dot_general3A_74 {dimension_numbers = #tpu.dot_dimension_numbers<[1], [0], [0], [1], [0, 0, 1, 1], [], []>, transpose_lhs_hint = false} : vector<2500x128xf32>, vector<128x128xf32>, vector<2500x128xf32> -> vector<2500x128xf32>
    %get3A_76 = arith.constant 0 : index
    %get3A_77 = arith.constant 0 : index
    %get3A_78 = vector.load %arg8[%get3A_76, %get3A_77] : memref<1x128xf32, #tpu.memory_space<vmem>>, vector<1x128xf32>
    %add3A_79 = vector.broadcast %get3A_78 : vector<1x128xf32> to vector<2500x128xf32>
    %add3A_80 = arith.addf %dot_general3A_75, %add3A_79 : vector<2500x128xf32>
    %max3A_81 = arith.constant 0.000000e+00 : f32
    %max3A_82 = vector.broadcast %max3A_81 : f32 to vector<2500x128xf32>
    %max3A_83 = arith.maximumf %add3A_80, %max3A_82 : vector<2500x128xf32>
    %get3A_84 = arith.constant 0 : index
    %get3A_85 = arith.constant 0 : index
    %get3A_86 = vector.load %arg9[%get3A_84, %get3A_85] : memref<128x64xf32, #tpu.memory_space<vmem>>, vector<128x64xf32>
    %dot_general3A_87 = arith.constant dense<0.000000e+00> : vector<2500x64xf32>
    %dot_general3A_88 = tpu.matmul %max3A_83, %get3A_86, %dot_general3A_87 {dimension_numbers = #tpu.dot_dimension_numbers<[1], [0], [0], [1], [0, 0, 1, 1], [], []>, transpose_lhs_hint = false} : vector<2500x128xf32>, vector<128x64xf32>, vector<2500x64xf32> -> vector<2500x64xf32>
    %get3A_89 = arith.constant 0 : index
    %get3A_90 = arith.constant 0 : index
    %get3A_91 = vector.load %arg10[%get3A_89, %get3A_90] : memref<1x64xf32, #tpu.memory_space<vmem>>, vector<1x64xf32>
    %add3A_92 = vector.broadcast %get3A_91 : vector<1x64xf32> to vector<2500x64xf32>
    %add3A_93 = arith.addf %dot_general3A_88, %add3A_92 : vector<2500x64xf32>
    %iota3A = tpu.iota {dimensions = array<i32: 0>} : vector<64x64xi32>
    %jit3A = arith.constant 16 : i32
    %div3A = vector.broadcast %jit3A : i32 to vector<64x64xi32>
    %div3A_94 = arith.divsi %iota3A, %div3A : vector<64x64xi32>
    %sign3A = arith.constant 0 : i32
    %sign3A_95 = vector.broadcast %sign3A : i32 to vector<64x64xi32>
    %sign3A_96 = arith.cmpi sgt, %iota3A, %sign3A_95 : vector<64x64xi32>
    %sign3A_97 = arith.extui %sign3A_96 : vector<64x64xi1> to vector<64x64xi32>
    %sign3A_98 = arith.constant 0 : i32
    %sign3A_99 = vector.broadcast %sign3A_98 : i32 to vector<64x64xi32>
    %sign3A_100 = arith.cmpi slt, %iota3A, %sign3A_99 : vector<64x64xi32>
    %sign3A_101 = arith.extui %sign3A_100 : vector<64x64xi1> to vector<64x64xi32>
    %sign3A_102 = arith.subi %sign3A_97, %sign3A_101 : vector<64x64xi32>
    %sign3A_103 = arith.constant 0 : i32
    %sign3A_104 = arith.cmpi sgt, %jit3A, %sign3A_103 : i32
    %sign3A_105 = arith.extui %sign3A_104 : i1 to i32
    %sign3A_106 = arith.constant 0 : i32
    %sign3A_107 = arith.cmpi slt, %jit3A, %sign3A_106 : i32
    %sign3A_108 = arith.extui %sign3A_107 : i1 to i32
    %sign3A_109 = arith.subi %sign3A_105, %sign3A_108 : i32
    %ne3A = vector.broadcast %sign3A_109 : i32 to vector<64x64xi32>
    %ne3A_110 = arith.cmpi ne, %sign3A_102, %ne3A : vector<64x64xi32>
    %rem3A = vector.broadcast %jit3A : i32 to vector<64x64xi32>
    %rem3A_111 = arith.remsi %iota3A, %rem3A : vector<64x64xi32>
    %ne3A_112 = arith.constant 0 : i32
    %ne3A_113 = vector.broadcast %ne3A_112 : i32 to vector<64x64xi32>
    %ne3A_114 = arith.cmpi ne, %rem3A_111, %ne3A_113 : vector<64x64xi32>
    %and3A = arith.andi %ne3A_110, %ne3A_114 : vector<64x64xi1>
    %sub3A_115 = arith.constant 1 : i32
    %sub3A_116 = vector.broadcast %sub3A_115 : i32 to vector<64x64xi32>
    %sub3A_117 = arith.subi %div3A_94, %sub3A_116 : vector<64x64xi32>
    %select_n3A = arith.select %and3A, %sub3A_117, %div3A_94 : vector<64x64xi1>, vector<64x64xi32>
    %iota3A_118 = tpu.iota {dimensions = array<i32: 1>} : vector<64x64xi32>
    %jit3A_119 = arith.constant 16 : i32
    %div3A_120 = vector.broadcast %jit3A_119 : i32 to vector<64x64xi32>
    %div3A_121 = arith.divsi %iota3A_118, %div3A_120 : vector<64x64xi32>
    %sign3A_122 = arith.constant 0 : i32
    %sign3A_123 = vector.broadcast %sign3A_122 : i32 to vector<64x64xi32>
    %sign3A_124 = arith.cmpi sgt, %iota3A_118, %sign3A_123 : vector<64x64xi32>
    %sign3A_125 = arith.extui %sign3A_124 : vector<64x64xi1> to vector<64x64xi32>
    %sign3A_126 = arith.constant 0 : i32
    %sign3A_127 = vector.broadcast %sign3A_126 : i32 to vector<64x64xi32>
    %sign3A_128 = arith.cmpi slt, %iota3A_118, %sign3A_127 : vector<64x64xi32>
    %sign3A_129 = arith.extui %sign3A_128 : vector<64x64xi1> to vector<64x64xi32>
    %sign3A_130 = arith.subi %sign3A_125, %sign3A_129 : vector<64x64xi32>
    %sign3A_131 = arith.constant 0 : i32
    %sign3A_132 = arith.cmpi sgt, %jit3A_119, %sign3A_131 : i32
    %sign3A_133 = arith.extui %sign3A_132 : i1 to i32
    %sign3A_134 = arith.constant 0 : i32
    %sign3A_135 = arith.cmpi slt, %jit3A_119, %sign3A_134 : i32
    %sign3A_136 = arith.extui %sign3A_135 : i1 to i32
    %sign3A_137 = arith.subi %sign3A_133, %sign3A_136 : i32
    %ne3A_138 = vector.broadcast %sign3A_137 : i32 to vector<64x64xi32>
    %ne3A_139 = arith.cmpi ne, %sign3A_130, %ne3A_138 : vector<64x64xi32>
    %rem3A_140 = vector.broadcast %jit3A_119 : i32 to vector<64x64xi32>
    %rem3A_141 = arith.remsi %iota3A_118, %rem3A_140 : vector<64x64xi32>
    %ne3A_142 = arith.constant 0 : i32
    %ne3A_143 = vector.broadcast %ne3A_142 : i32 to vector<64x64xi32>
    %ne3A_144 = arith.cmpi ne, %rem3A_141, %ne3A_143 : vector<64x64xi32>
    %and3A_145 = arith.andi %ne3A_139, %ne3A_144 : vector<64x64xi1>
    %sub3A_146 = arith.constant 1 : i32
    %sub3A_147 = vector.broadcast %sub3A_146 : i32 to vector<64x64xi32>
    %sub3A_148 = arith.subi %div3A_121, %sub3A_147 : vector<64x64xi32>
    %select_n3A_149 = arith.select %and3A_145, %sub3A_148, %div3A_121 : vector<64x64xi1>, vector<64x64xi32>
    %eq3A = arith.cmpi eq, %select_n3A, %select_n3A_149 : vector<64x64xi32>
    %convert_element_type3A = arith.extui %eq3A : vector<64x64xi1> to vector<64x64xi32>
    %convert_element_type3A_150 = arith.sitofp %convert_element_type3A : vector<64x64xi32> to vector<64x64xf32>
    %exp3A = math.exp %add3A_93 : vector<2500x64xf32>
    %dot_general3A_151 = arith.constant dense<0.000000e+00> : vector<2500x64xf32>
    %dot_general3A_152 = tpu.matmul %exp3A, %convert_element_type3A_150, %dot_general3A_151 {dimension_numbers = #tpu.dot_dimension_numbers<[1], [0], [0], [1], [0, 0, 1, 1], [], []>, transpose_lhs_hint = false} : vector<2500x64xf32>, vector<64x64xf32>, vector<2500x64xf32> -> vector<2500x64xf32>
    %log3A = math.log %dot_general3A_152 : vector<2500x64xf32>
    %sub3A_153 = arith.subf %add3A_93, %log3A : vector<2500x64xf32>
    %swap3A = arith.constant 0 : index
    %swap3A_154 = arith.constant 0 : index
    %swap3A_155 = vector.load %arg11[%swap3A, %swap3A_154] : memref<2500x64xf32, #tpu.memory_space<vmem>>, vector<2500x64xf32>
    tpu.vector_store %arg11[%swap3A, %swap3A_154], %sub3A_153 {strides = array<i32>} : memref<2500x64xf32, #tpu.memory_space<vmem>>, vector<2500x64xf32>,
    return
  }
}

</mosaic_0001>

<sc_bundles>
// kernel: kernel.10.cloned.1.call-start
scs
__scs_entry_jumppad:
0x0: {  	(pc) =	sbr.rel $0x88, $3  }
0x1: {  	(tag) =	ssettag $0x0;
	lr =	simm.s32 $0x1  }
0x2: {  	[smem:$0x3F8F] =	sst lr;
	_ =	strace $0xD0000000  }
0x3: {  	_ = 	snop  }
0x4: {  	_ = 	snop  }
0x5: {  	_ = 	snop  }
0x6: {  	_ = 	snop  }
0x7: {  	_ = 	snop  }
__scs_overlays_trampoline_lowered:
0x8: {  	[smem:$0x3F9E] =	sst s0  }
0x9: {  	[smem:$0x3F9F] =	sst s1  }
0xa: {  	[smem:$0x3FA0] =	sst s2  }
0xb: {  	[smem:$0x3FA1] =	sst s3  }
0xc: {  	[smem:$0x3FA2] =	sst s4  }
0xd: {  	[smem:$0x3FA3] =	sst s5  }
0xe: {  	[smem:$0x3FA4] =	sst s6  }
0xf: {  	[smem:$0x3FA5] =	sst s7  }
0x10: {  	[smem:$0x3FA6] =	sst s8  }
0x11: {  	[smem:$0x3FA7] =	sst s9;
	s0 =	simm.s32 @!p0 $0x0  }
0x12: {  	s1 =	sld [smem:$0x3F8D];
	s0 =	simm.s32 @p0 $0x1  }
0x13: {  	[smem:$0x3FA8] =	sst s0;
	s0 =	simm.s32 @!p1 $0x0  }
0x14: {  	s2 =	sld [smem:$0x3F8C];
	s0 =	simm.s32 @p1 $0x1  }
0x15: {  	[smem:$0x3FA9] =	sst s0;
	s0 =	simm.s32 @!p2 $0x0  }
0x16: {  	s3 =	sld [smem:$0x3FDB];
	s0 =	simm.s32 @p2 $0x1  }
0x17: {  	s4 =	simm.s32 $0x1BF5;
	[smem:$0x3FAB] =	sst s0  }
0x18: {  	s0 =	sld [smem:$0x3F8E];
	_ =	swait.ge [sflag:s4], $0x0  }
0x19: {  	s7 =	sld [smem:$0x3F8F]  }
0x1a: {  	s8 =	sadd.s32 $0xFFFFE003, lr  }
0x1b: {  	s9 =	sadd.s32 $0xFFFFFEF7, lr;
	s5 =	simm.s32 $0xFFFFFFFF;
	p2 =	slt.u32 s8, $0xFFFFF086  }
0x1c: {  	p1 =	slt.u32 s9, $0xF7A;
	s5 =	simm.s32 @!p2 $0x0  }
0x1d: {  	s5 =	simm.s32 @p1 $0x1;
	p0 =	seq.s32 s7, s2  }
0x1e: {  	s7 =	smul.u32 @!p0 $0xF7A, s2;
	p2 =	seq.s32 @!p0 s5, $0x0  }
0x1f: {  	s9 =	smul.u32 $0xF7A, s1;
	s8 =	simm.s32 @!p0 $0x1BF5;
	p2 =	por !p2, p0  }
0x20: {  	[sflag:s8] =	ssyncset.s32 @!p0 $0xFFFFF086;
	s6 =	sadd.s32 @!p0 s3, s7;
	s7 =	simm.s32 @!p0 $0x108  }
0x21: {  	s3 =	sadd.s32 s3, s9;
	s6 =	sadd.s32 @!p0 $0x88, s6;
	s7 =	simm.s32 @p2 $0x1082  }
0x22: {  	[simem:s7], [sflag:s8] =	dma.local @!p0 [hbm:s6], $0xF7A  }
0x23: {  	s9 =	sor.u32 $0xD0000000, s2;
	s6 =	simm.s32 $0x108;
	_ =	swait.ge @!p0 [sflag:s8], $0x0  }
0x24: {  	s3 =	sadd.s32 $0x88, s3;
	s6 =	simm.s32 @!p1 $0x1082;
	[sflag:s4] =	ssyncset.s32 $0xFFFFF086  }
0x25: {  	[simem:s6], [sflag:s4] =	dma.local [hbm:s3], $0xF7A  }
0x26: {  	[smem:$0x3F8F] =	sst s1;
	(tag) =	ssettag s2;
	_ =	strace s9  }
0x27: {  	s1 =	sld [smem:$0x3F9F]  }
0x28: {  	s2 =	sld [smem:$0x3FA0]  }
0x29: {  	s4 =	sld [smem:$0x3FA2]  }
0x2a: {  	p0 =	seq.s32 s5, $0x0;
	s5 =	sld [smem:$0x3FA3]  }
0x2b: {  	s6 =	sld [smem:$0x3FA4]  }
0x2c: {  	s7 =	sld [smem:$0x3FA5]  }
0x2d: {  	s3 =	simm.s32 $0x108;
	s8 =	sld [smem:$0x3FA6]  }
0x2e: {  	s3 =	simm.s32 @!p0 $0x1082;
	s9 =	sld [smem:$0x3FA7]  }
0x2f: {  	lr =	sadd.s32 s0, s3;
	s0 =	sld [smem:$0x3F9E]  }
0x30: {  	s3 =	sld [smem:$0x3FA1]  }
0x31: {  	[smem:$0x3FAA] =	sst s10  }
0x32: {  	s10 =	sld [smem:$0x3FA8];
	_ =	sdelay $0x3  }
0x33: {  	p0 =	seq.s32 s10, $0x1;
	s10 =	sld [smem:$0x3FAA];
	_ =	sdelay $0x3  }
0x34: {  	[smem:$0x3FAA] =	sst s10  }
0x35: {  	s10 =	sld [smem:$0x3FA9];
	_ =	sdelay $0x3  }
0x36: {  	p1 =	seq.s32 s10, $0x1;
	s10 =	sld [smem:$0x3FAA];
	_ =	sdelay $0x3  }
0x37: {  	[smem:$0x3FAA] =	sst s10  }
0x38: {  	s10 =	sld [smem:$0x3FAB]  }
0x39: {  	_ = 	snop;
	(pc) =	sbr.ind lr, $3  }
0x3a: {  	_ = 	snop  }
0x3b: {  	_ = 	snop  }
0x3c: {  	p2 =	seq.s32 s10, $0x1;
	s10 =	sld [smem:$0x3FAA]  }
0x3d: {  	_ =	shalt  }
0x3e: {  	_ =	shalt  }
0x3f: {  	_ =	shalt  }
0x40: {  	_ =	shalt  }
0x41: {  	_ =	shalt  }
0x42: {  	_ =	shalt  }
0x43: {  	_ =	shalt  }
0x44: {  	_ =	shalt  }
0x45: {  	_ =	shalt  }
0x46: {  	_ =	shalt  }
0x47: {  	_ =	shalt  }
0x48: {  	_ =	shalt  }
0x49: {  	_ =	shalt  }
0x4a: {  	_ =	shalt  }
0x4b: {  	_ =	shalt  }
0x4c: {  	_ =	shalt  }
0x4d: {  	_ =	shalt  }
0x4e: {  	_ =	shalt  }
0x4f: {  	_ =	shalt  }
0x50: {  	_ =	shalt  }
0x51: {  	_ =	shalt  }
0x52: {  	_ =	shalt  }
0x53: {  	_ =	shalt  }
0x54: {  	_ =	shalt  }
0x55: {  	_ =	shalt  }
0x56: {  	_ =	shalt  }
0x57: {  	_ =	shalt  }
0x58: {  	_ =	shalt  }
0x59: {  	_ =	shalt  }
0x5a: {  	_ =	shalt  }
0x5b: {  	_ =	shalt  }
0x5c: {  	_ =	shalt  }
0x5d: {  	_ =	shalt  }
0x5e: {  	_ =	shalt  }
0x5f: {  	_ =	shalt  }
0x60: {  	_ =	shalt  }
0x61: {  	_ =	shalt  }
0x62: {  	_ =	shalt  }
0x63: {  	_ =	shalt  }
0x64: {  	_ =	shalt  }
0x65: {  	_ =	shalt  }
0x66: {  	_ =	shalt  }
0x67: {  	_ =	shalt  }
0x68: {  	_ =	shalt  }
0x69: {  	_ =	shalt  }
0x6a: {  	_ =	shalt  }
0x6b: {  	_ =	shalt  }
0x6c: {  	_ =	shalt  }
0x6d: {  	_ =	shalt  }
0x6e: {  	_ =	shalt  }
0x6f: {  	_ =	shalt  }
0x70: {  	_ =	shalt  }
0x71: {  	_ =	shalt  }
0x72: {  	_ =	shalt  }
0x73: {  	_ =	shalt  }
0x74: {  	_ =	shalt  }
0x75: {  	_ =	shalt  }
0x76: {  	_ =	shalt  }
0x77: {  	_ =	shalt  }
0x78: {  	_ =	shalt  }
0x79: {  	_ =	shalt  }
0x7a: {  	_ =	shalt  }
0x7b: {  	_ =	shalt  }
0x7c: {  	_ =	shalt  }
0x7d: {  	_ =	shalt  }
0x7e: {  	_ =	shalt  }
0x7f: {  	_ =	shalt  }
0x80: {  	_ =	shalt  }
0x81: {  	_ =	shalt  }
0x82: {  	_ =	shalt  }
0x83: {  	_ =	shalt  }
0x84: {  	_ =	shalt  }
0x85: {  	_ =	shalt  }
0x86: {  	_ =	shalt  }
0x87: {  	_ =	shalt  }
.Lfunc_end0:
.L_simem_size_0:
called_computation.1_lowered:
.L_overlay_start_0:
0x88: {  	s2 =	sld [smem:$0x3FD9]  }
0x89: {  	s3 =	sld [smem:$0x3FFE];
	_ =	sdelay $0x1  }
0x8a: {  	s1 =	srdreg.scid  }
0x8b: {  	s0 =	sand.u32 $0x1, s1  }
0x8c: {  	s16 =	sshll.u32 s0, $0xA;
	s2 =	sadd.s32 s3, s2  }
0x8d: {  	s2 =	sadd.s32 s2, s16  }
0x8e: {  	[smem:$0x3FB6] =	sst s2  }
0x8f: {  	_ = 	snop  }
0x90: {  	(tm) =	ssettm $0x1  }
0x91: {  	s17 =	sld [smem:$0x3FFB];
	_ =	sdelay $0x3  }
0x92: {  	_ =	strace s17  }
0x93: {  	s2 =	sld [smem:$0x3FFC];
	_ =	sdelay $0x3  }
0x94: {  	_ =	strace s2  }
0x95: {  	s2 =	sld [smem:$0x3FFD];
	_ =	sdelay $0x3  }
0x96: {  	_ =	strace s2  }
0x97: {  	_ =	strace $0x8FFFFFFF  }
0x98: {  	s18 =	sld [smem:$0x3FDB];
	_ =	sdelay $0x1  }
0x99: {  	s19 =	simm.s32 $_scs_section_size  }
0x9a: {  	s4 =	simm.s32 $_size__tile_overlayer_lowered;
	s5 =	simm.s32 $_tile_overlayer_lowered  }
0x9b: {  	s22 =	simm.s32 $0x1BFF;
	s21 =	sshll.u32 s5, $0x1;
	s2 =	sadd.s32 s19, s18  }
0x9c: {  	s6 =	simm.s32 $0x0;
	s20 =	sshll.u32 s4, $0x1;
	s4 =	sadd.s32 s21, s2  }
0x9d: {  	[timem:s6], [sflag:s22] =	dma.local [hbm:s4], s20  }
0x9e: {  	_ =	swait.ge [sflag:s22], s20  }
0x9f: {  	s3 =	ssub.s32 $0x0, s20;
	[sflag:s22] =	ssyncset.done $0x0  }
0xa0: {  	[sflag:s22] =	ssyncadd.s32 s3;
	_ =	sdelay $0x1  }
0xa1: {  	s23 =	simm.s32 $0x1B8B  }
0xa2: {  	_ =	swait.ge [sflag:s23], $0x1  }
0xa3: {  	[sflag:s23] =	ssyncset.done $0x0  }
0xa4: {  	s25 =	simm.s32 $0x1B8E;
	s24 =	sld [smem:$0x3FFE];
	[sflag:s23] =	ssyncadd.s32 $0xFFFFFFFF  }
0xa5: {  	s26 =	simm.s32 $execute0_lowered;
	[smem:$0x3FD2] =	sst s25  }
0xa6: {  	s4 =	sshll.u32 s26, $0x1;
	_ =	strace $0x80000049;
	[dreg:$0x1] =	wrdreg $0xFFFFFFFF  }
0xa7: {  	s28 =	simm.s32 $_size_execute0_lowered;
	s2 =	sadd.s32 s2, s4;
	[dreg:$0x0] =	wrdreg $0x0  }
0xa8: {  	s4 =	sshll.u32 s28, $0x1;
	[dreg:$0x2] =	wrdreg s2  }
0xa9: {  	[dreg:$0x3] =	wrdreg s4  }
0xaa: {  	[dreg:$0x4] =	wrdreg $0xC0  }
0xab: {  	_ =	task [dreg:s6], $0x5FFFF  }
0xac: {  	[dreg:$0x1] =	wrdreg $0xFFFFFFFF  }
0xad: {  	[dreg:$0x0] =	wrdreg $0x60  }
0xae: {  	[dreg:$0x2] =	wrdreg s24  }
0xaf: {  	[dreg:$0x3] =	wrdreg $0xFE000  }
0xb0: {  	[dreg:$0x4] =	wrdreg $0x9  }
0xb1: {  	_ =	task.clear_ibuf [dreg:s6], $0x5FFFF;
	_ =	strace $0x90000049  }
0xb2: {  	s29 =	simm.s32 $0x9;
	_ =	strace $0x8000004B  }
0xb3: {  	_ =	swait.ge [sflag:s29], $0x1  }
0xb4: {  	[sflag:s29] =	ssyncadd.s32 $0xFFFFFFFF  }
0xb5: {  	_ =	strace $0x9000004B  }
0xb6: {  	_ =	sfence  }
0xb7: {  	s30 =	sld [smem:$0x0];
	_ =	sdelay $0x2  }
0xb8: {  	s31 =	sshll.u32 s1, $0xD;
	s1 =	sshrl.u32 s1, $0x2  }
0xb9: {  	s3 =	sand.u32 $0x4000, s31;
	s1 =	sadd.s32 s1, s30  }
0xba: {  	s0 =	sor.u32 s3, s0;
	s1 =	sshll.u32 s1, $0x11  }
0xbb: {  	s0 =	sor.u32 s1, s0  }
0xbc: {  	s0 =	sadd.s32 $0x8F2B, s0  }
0xbd: {  	[sflag:s0] =	ssyncadd.remote.s32 $0x1  }
0xbe: {  	_ =	sfence.sel $0xFFFF  }
0xbf: {  	[dreg:$0x0] =	wrdreg $0xFFFFFFFF;
	(pc) =	sbr.abs _section_cstart, $3  }
0xc0: {  	[dreg:$0x1] =	wrdreg $0xFFFFFFFF  }
0xc1: {  	_ =	task.clear_ibuf [dreg:s6], $0x2FFFF;
	_ =	strace $0x9FFFFFFF  }
0xc2: {  	(tm) =	ssettm $0x7FFFFFFF  }
0xc3: {  	_ =	shalt  }
tec
execute0_lowered:
.L_overlay_start_1:
0x0: {  	(tag) =	ssettag $0x1  }
0x1: {  	s0 =	rddreg [dreg:$0x0]  }
0x2: {  	s2 =	rddreg [dreg:$0x1]  }
0x3: {  	s1 =	srdreg.scid;
	s13 =	stileid.u32;
	s4 =	simm.s32 $0x0  }
0x4: {  	s14 =	simm.s32 $0xE;
	s15 =	simm.s32 $0x80;
	s28 =	simm.s32 $0xB  }
0x5: {  	s29 =	simm.s32 $0xC;
	s30 =	simm.s32 $0x0;
	s3 =	smul.u32 $0x4F00, s13  }
0x6: {  	s1 =	sand.u32 $0x1, s1;
	[smem:$0x7FF] =	sst s4;
	s21 =	smul.u32 $0x4D, s13  }
0x7: {  	s4 =	sadd.s32 $0x17400, s0;
	s8 =	sadd.s32 $0x3A00, s0;
	s9 =	smul.u32 $0x4E, s13  }
0x8: {  	p1 =	sgt.u32 s13, $0x3;
	s5 =	smul.u32 $0x4F000, s1;
	s6 =	ssub.s32 $0x2, s1  }
0x9: {  	s10 =	smax.u32 s13, $0x8;
	_ =	strace $0x8000004A;
	s7 =	sshrl.u32 s6, $0x1  }
0xa: {  	p0 =	seq.s32 s1, $0x0;
	s5 =	sadd.s32 s3, s5;
	s12 =	ssub.s32 s6, s7  }
0xb: {  	s6 =	simm.s32 $0x4F;
	s7 =	sadd.s32 s21, s10;
	s10 =	sadd.s32 s3, s2  }
0xc: {  	s5 =	sshrl.u32 s5, $0x3;
	s6 =	simm.s32 @!p1 $0x4E;
	p1 =	sgt.u32 s13, $0x7  }
0xd: {  	s13 =	smax.u32 s13, $0x4;
	s22 =	sshll.u32 s7, $0x4;
	s12 =	smax.u32 s12, $0x1  }
0xe: {  	s11 =	sadd.s32 s5, s0;
	s5 =	simm.s32 $0x4E;
	s9 =	sadd.s32 s9, s13  }
0xf: {  	s24 =	sadd.s32 $0xFFFFFF80, s22;
	s0 =	sadd.s32 $0xD640, s0;
	s13 =	simm.s32 $0xAF00  }
0x10: {  	s5 =	simm.s32 @!p1 $0x4D;
	s23 =	sshll.u32 s9, $0x4;
	s26 =	sadd.s32 s24, s0  }
0x11: {  	s11 =	sadd.s32 $0x21200, s11;
	s5 =	smov.u32 @p0 s6;
	s25 =	sadd.s32 $0x4D40, s23  }
0x12: {  	s6 =	sadd.s32 s8, s24;
	[dreg:$0x5] =	wrdreg s26;
	p0 =	sne.s32 s1, $0x0  }
0x13: {  	s23 =	simm.s32 $0x7;
	s24 =	simm.s32 $0x8;
	s26 =	simm.s32 $0xA  }
0x14: {  	[dreg:$0x4] =	wrdreg s6;
	s8 =	sadd.s32 s8, s25;
	s31 =	sshll.u32 s5, $0x2  }
0x15: {  	v0 =	vimm.f32 $0.0e+00;
	s9 =	sadd.s32 s25, s0;
	s25 =	simm.s32 $0x9;
	[dreg:$0x3] =	wrdreg s31  }
.LBB2_1:
0x16: {  	s0 =	simm.s32 @p0 $0x0;
	s1 =	rddreg [dreg:$0x4]  }
0x17: {  	[tilespmem:s0], [sflag:$0xD] =	stream.linear.gather @p0 [hbm4b:s1+s0], $0x2700, $0x38;
	[tilespmem:$0x14D00] =	vst v63  }
0x18: {  	s3 =	rddreg [dreg:$0x5];
	s1 =	simm.s32 @p0 $0x2780  }
0x19: {  	[tilespmem:s1], [sflag:$0xD] =	stream.linear.gather @p0 [hbm4b:s3+s0], $0x2700, $0x38;
	[tilespmem:$0x14D00] =	vst v63  }
0x1a: {  	s0 =	simm.s32 @!p0 $0x0  }
0x1b: {  	[tilespmem:s0], [sflag:$0xD] =	stream.linear.gather @!p0 [hbm4b:s8+s0], $0x2780, $0x38;
	[tilespmem:$0x14D00] =	vst v63  }
0x1c: {  	s1 =	simm.s32 @!p0 $0x2780  }
0x1d: {  	[tilespmem:s1], [sflag:$0xD] =	stream.linear.gather @!p0 [hbm4b:s9+s0], $0x2780, $0x38;
	[tilespmem:$0x14D00] =	vst v63  }
0x1e: {  	s0 =	simm.s32 $0x80;
	s1 =	simm.s32 $0x0  }
.LBB2_2:
0x1f: {  	p1 =	sne.s32 s0, $0x13B80;
	[tilespmem:s1+$0xAF00] =	vst v0;
	s3 =	smov.u32 s0;
	s0 =	sadd.s32 $0x80, s0  }
.Ltmp0:
0x20: {  	[tilespmem:s1+$0xAF10] =	vst v0;
	(pc) =	sbr.rel @p1 .LBB2_2-.Ltmp0, $2  }
0x21: {  	_ =	sdelay $0x2  }
0x22: {  	s1 =	sshra.s32 s3, $0x2  }
0x23: {  	[tilespmem:s1+$0xAF00] =	vst v0  }
0x24: {  	[tilespmem:s1+$0xAF10] =	vst v0  }
0x25: {  	[spmem:s10] =	stream.linear.scatter [tilespmem:s13], [sflag:$0xE], $0x4F00, $0x38;
	[tilespmem:$0x14D00] =	vst v63  }
0x26: {  	_ =	swait.ge [sflag:s14], $0x4F00  }
0x27: {  	[sflag:s14] =	ssyncset.done $0x0  }
0x28: {  	s0 =	simm.s32 @p0 $0xD;
	[sflag:s14] =	ssyncadd.s32 $0xFFFFB100  }
0x29: {  	_ =	swait.ge @p0 [sflag:s0], $0x2700  }
0x2a: {  	[sflag:s0] =	ssyncset.done @p0 $0x0  }
0x2b: {  	[sflag:s0] =	ssyncadd.s32 @p0 $0xFFFFD900  }
0x2c: {  	_ =	swait.ge @p0 [sflag:s0], $0x2700  }
0x2d: {  	[sflag:s0] =	ssyncset.done @p0 $0x0  }
0x2e: {  	[sflag:s0] =	ssyncadd.s32 @p0 $0xFFFFD900;
	s0 =	simm.s32 @!p0 $0xD  }
0x2f: {  	_ =	swait.ge @!p0 [sflag:s0], $0x2780  }
0x30: {  	[sflag:s0] =	ssyncset.done @!p0 $0x0  }
0x31: {  	[sflag:s0] =	ssyncadd.s32 @!p0 $0xFFFFD880  }
0x32: {  	_ =	swait.ge @!p0 [sflag:s0], $0x2780  }
0x33: {  	[sflag:s0] =	ssyncset.done @!p0 $0x0  }
0x34: {  	[sflag:s0] =	ssyncadd.s32 @!p0 $0xFFFFD880  }
0x35: {  	s31 =	simm.s32 $0x0;
	s0 =	simm.s32 $0x4F00;
	[bflag:$0x0] =	sbarrier.arrive $0xFFFF  }
0x36: {  	[tilespmem:s0], [sflag:$0x1] =	stream.indirect.gather [hbm4b:s4+s15], $0x20, s31, s15, $0xb8;
	[tilespmem:$0x14D00] =	vst v63  }
0x37: {  	s17 =	simm.s32 $0x5F00;
	s18 =	simm.s32 $0x100;
	s3 =	simm.s32 $0x6F00  }
0x38: {  	[tilespmem:s17], [sflag:$0x2] =	stream.indirect.gather [hbm4b:s4+s15], $0x20, s15, s15, $0xb8;
	[tilespmem:$0x14D00] =	vst v63  }
0x39: {  	s19 =	simm.s32 $0x180;
	s20 =	simm.s32 $0x7F00;
	s21 =	simm.s32 $0x200  }
0x3a: {  	[tilespmem:s3], [sflag:$0x3] =	stream.indirect.gather [hbm4b:s4+s15], $0x20, s18, s15, $0xb8;
	[tilespmem:$0x14D00] =	vst v63  }
0x3b: {  	s22 =	simm.s32 $0x8F00;
	s1 =	simm.s32 $0x2780;
	s16 =	simm.s32 $0x9F00  }
0x3c: {  	[tilespmem:s20], [sflag:$0x4] =	stream.indirect.gather [hbm4b:s4+s15], $0x20, s19, s15, $0xb8;
	[tilespmem:$0x14D00] =	vst v63  }
0x3d: {  	s17 =	simm.s32 $0x280;
	s3 =	simm.s32 $0x5;
	s18 =	simm.s32 $0x0  }
0x3e: {  	[tilespmem:s22], [sflag:$0x5] =	stream.indirect.gather [hbm4b:s4+s15], $0x20, s21, s15, $0xb8;
	[tilespmem:$0x14D00] =	vst v63  }
.LBB2_4:
0x3f: {  	s19 =	smulhi.u32 $0xAAAAAAAB, s3;
	_ =	sdelay $0x1  }
0x40: {  	p1 =	sge.u32 s3, s5;
	s21 =	smulhi.u32 $0xAAAAAAAB, s18;
	s19 =	sshrl.u32 s19, $0x2  }
0x41: {  	p2 =	seq.s32 @!p1 s31, $0x0;
	s20 =	smul.u32 $0xFFFFFFE8, s19  }
0x42: {  	p2 =	por p2, p1  }
0x43: {  	s21 =	sshrl.u32 s21, $0x2;
	s19 =	smul.u32 $0xFFFE8000, s19;
	s20 =	sshra.s32 s20, $0x2  }
0x44: {  	s6 =	sshra.s32 @!p2 s31, $0x2;
	s7 =	smul.u32 $0xFFFFFFE8, s21;
	s22 =	sadd.s32 $0xC, s20  }
0x45: {  	s19 =	sshra.s32 s19, $0x2;
	s6 =	sadd.s32 @!p2 s6, s22  }
0x46: {  	s7 =	sshra.s32 s7, $0x2;
	s20 =	sadd.s32 $0x6, s20;
	_ =	swait.ge @!p2 [sflag:s6], $0x1000  }
0x47: {  	s19 =	sadd.s32 s19, s16;
	s22 =	sshra.s32 @!p1 s31, $0x2;
	[sflag:s6] =	ssyncset.done @!p2 $0x0  }
0x48: {  	[sflag:s6] =	ssyncadd.s32 @!p2 $0xFFFFF000;
	s6 =	sadd.s32 @!p1 s22, s20;
	s20 =	simm.s32 @!p1 $0x80  }
0x49: {  	[tilespmem:s19], [sflag:s6] =	stream.indirect.gather @!p1 [hbm4b:s4+s20], $0x20, s17, s20, $0xb8;
	[tilespmem:$0x14D00] =	vst v63  }
0x4a: {  	s22 =	sshra.s32 s31, $0x2;
	s20 =	sor.u32 $0x1, s7  }
0x4b: {  	s21 =	smul.u32 $0xFFFE8000, s21;
	s6 =	sadd.s32 s22, s20  }
0x4c: {  	s31 =	sadd.s32 $0x4, s31;
	s7 =	sadd.s32 $0x7, s7;
	_ =	swait.ge [sflag:s6], $0x1000  }
0x4d: {  	s19 =	sshra.s32 s21, $0x2;
	s21 =	sadd.s32 s22, s7;
	s22 =	rddreg [dreg:$0x3]  }
0x4e: {  	p1 =	sne.s32 s22, s31  }
.Ltmp1:
0x4f: {  	_ = 	snop;
	(pc) =	sbr.rel @p1 .LBB2_4-.Ltmp1, $4  }
0x50: {  	s18 =	sadd.s32 $0x1, s18;
	s3 =	sadd.s32 $0x1, s3;
	[sflag:s6] =	ssyncset.done $0x0  }
0x51: {  	s16 =	sadd.s32 $0x1000, s16;
	s19 =	sadd.s32 s19, s0;
	[sflag:s6] =	ssyncadd.s32 $0xFFFFF000  }
0x52: {  	[spmem:s2] =	stream.indirect.scatter.add.f32 [tilespmem:s19], [sflag:s21], $0x20, s1, s15, $0xb8;
	[tilespmem:$0x14D00] =	vst v63  }
0x53: {  	s17 =	sadd.s32 $0x80, s17;
	s0 =	sadd.s32 $0x1000, s0;
	s1 =	sadd.s32 $0x80, s1  }
0x54: {  	_ =	swait.ge [sflag:s23], $0x1000  }
0x55: {  	[sflag:s23] =	ssyncset.done $0x0  }
0x56: {  	[sflag:s23] =	ssyncadd.s32 $0xFFFFF000  }
0x57: {  	_ =	swait.ge [sflag:s24], $0x1000  }
0x58: {  	[sflag:s24] =	ssyncset.done $0x0  }
0x59: {  	[sflag:s24] =	ssyncadd.s32 $0xFFFFF000  }
0x5a: {  	_ =	swait.ge [sflag:s25], $0x1000  }
0x5b: {  	[sflag:s25] =	ssyncset.done $0x0  }
0x5c: {  	[sflag:s25] =	ssyncadd.s32 $0xFFFFF000  }
0x5d: {  	_ =	swait.ge [sflag:s26], $0x1000  }
0x5e: {  	[sflag:s26] =	ssyncset.done $0x0  }
0x5f: {  	[sflag:s26] =	ssyncadd.s32 $0xFFFFF000  }
0x60: {  	_ =	swait.ge [sflag:s28], $0x1000  }
0x61: {  	[sflag:s28] =	ssyncset.done $0x0  }
0x62: {  	[sflag:s28] =	ssyncadd.s32 $0xFFFFF000  }
0x63: {  	_ =	swait.ge [sflag:s29], $0x1000  }
0x64: {  	[sflag:s29] =	ssyncset.done $0x0  }
0x65: {  	[sflag:s29] =	ssyncadd.s32 $0xFFFFF000  }
0x66: {  	[bflag:$0x0] =	sbarrier.arrive $0xFFFF  }
0x67: {  	[tilespmem:s13], [sflag:$0xE] =	stream.linear.gather [spmem:s10], $0x4F00, $0x38;
	[tilespmem:$0x14D00] =	vst v63  }
0x68: {  	s30 =	sadd.s32 $0x1, s30;
	_ =	swait.ge [sflag:s14], $0x4F00  }
0x69: {  	p1 =	sne.s32 s30, s12;
	[sflag:s14] =	ssyncset.done $0x0  }
.Ltmp2:
0x6a: {  	s0 =	simm.s32 $0x0;
	[sflag:s14] =	ssyncadd.s32 $0xFFFFB100;
	(pc) =	sbr.rel @p1 .LBB2_1-.Ltmp2, $4  }
0x6b: {  	[hbm4b:s11+s0] =	stream.linear.scatter [tilespmem:s13], [sflag:$0xE], $0x4F00, $0x38;
	[tilespmem:$0x14D00] =	vst v63  }
0x6c: {  	_ =	swait.ge [sflag:s14], $0x4F00  }
0x6d: {  	[sflag:s14] =	ssyncset.done $0x0  }
0x6e: {  	[sflag:s14] =	ssyncadd.s32 $0xFFFFB100  }
0x6f: {  	_ =	sfence.sel $0x180000  }
0x70: {  	[bflag:$0x0] =	sbarrier.arrive $0xFFFF  }
0x71: {  	_ =	strace $0x9000004A  }
0x72: {  	s0 =	stileid.u32;
	[bflag:$0x2] =	sbarrier.arrive $0xFFFF  }
0x73: {  	p0 =	sne.s32 s0, $0x0;
	s0 =	rddreg [dreg:$0x2]  }
0x74: {  	s0 =	sadd.s32 @!p0 $0x100000, s0  }
0x75: {  	[sflag:s0] =	ssyncadd.tile.s32 @!p0 $0x1;
	_ =	shalt  }
.Lfunc_end2:
_tile_overlayer_lowered:
.L_overlay_start_2:
0x76: {  	(tag) =	ssettag $0x2  }
0x77: {  	s0 =	rddreg [dreg:$0x0];
	s2 =	stileid.u32  }
0x78: {  	s1 =	rddreg [dreg:$0x1];
	p0 =	sne.s32 s2, $0x0  }
0x79: {  	s3 =	rddreg [dreg:$0x2];
	[bflag:$0x3] =	sbarrier.arrive $0xFFFF;
	s2 =	simm.s32 @!p0 $0x1C0E  }
0x7a: {  	[timem:s3], [sflag:s2] =	dma.local @!p0 [hbm:s0], s1  }
0x7b: {  	s0 =	simm.s32 @!p0 $0xE  }
0x7c: {  	_ =	swait.ge @!p0 [sflag:s0], s1  }
0x7d: {  	s1 =	ssub.s32 @!p0 $0x0, s1;
	[sflag:s0] =	ssyncset.done @!p0 $0x0  }
0x7e: {  	[sflag:s0] =	ssyncadd.s32 @!p0 s1  }
0x7f: {  	[bflag:$0x3] =	sbarrier.arrive $0xFFFF  }
0x80: {  	_ =	shalt  }

// kernel: kernel.7.cloned.1.call-start
scs
__scs_entry_jumppad:
0x0: {  	(pc) =	sbr.rel $0x88, $3  }
0x1: {  	(tag) =	ssettag $0x0;
	lr =	simm.s32 $0x1  }
0x2: {  	[smem:$0x3F8F] =	sst lr;
	_ =	strace $0xD0000000  }
0x3: {  	_ = 	snop  }
0x4: {  	_ = 	snop  }
0x5: {  	_ = 	snop  }
0x6: {  	_ = 	snop  }
0x7: {  	_ = 	snop  }
__scs_overlays_trampoline_lowered:
0x8: {  	[smem:$0x3F9E] =	sst s0  }
0x9: {  	[smem:$0x3F9F] =	sst s1  }
0xa: {  	[smem:$0x3FA0] =	sst s2  }
0xb: {  	[smem:$0x3FA1] =	sst s3  }
0xc: {  	[smem:$0x3FA2] =	sst s4  }
0xd: {  	[smem:$0x3FA3] =	sst s5  }
0xe: {  	[smem:$0x3FA4] =	sst s6  }
0xf: {  	[smem:$0x3FA5] =	sst s7  }
0x10: {  	[smem:$0x3FA6] =	sst s8  }
0x11: {  	[smem:$0x3FA7] =	sst s9;
	s0 =	simm.s32 @!p0 $0x0  }
0x12: {  	s1 =	sld [smem:$0x3F8D];
	s0 =	simm.s32 @p0 $0x1  }
0x13: {  	[smem:$0x3FA8] =	sst s0;
	s0 =	simm.s32 @!p1 $0x0  }
0x14: {  	s2 =	sld [smem:$0x3F8C];
	s0 =	simm.s32 @p1 $0x1  }
0x15: {  	[smem:$0x3FA9] =	sst s0;
	s0 =	simm.s32 @!p2 $0x0  }
0x16: {  	s3 =	sld [smem:$0x3FDB];
	s0 =	simm.s32 @p2 $0x1  }
0x17: {  	s4 =	simm.s32 $0x1BF5;
	[smem:$0x3FAB] =	sst s0  }
0x18: {  	s0 =	sld [smem:$0x3F8E];
	_ =	swait.ge [sflag:s4], $0x0  }
0x19: {  	s7 =	sld [smem:$0x3F8F]  }
0x1a: {  	s8 =	sadd.s32 $0xFFFFE003, lr  }
0x1b: {  	s9 =	sadd.s32 $0xFFFFFEF7, lr;
	s5 =	simm.s32 $0xFFFFFFFF;
	p2 =	slt.u32 s8, $0xFFFFF086  }
0x1c: {  	p1 =	slt.u32 s9, $0xF7A;
	s5 =	simm.s32 @!p2 $0x0  }
0x1d: {  	s5 =	simm.s32 @p1 $0x1;
	p0 =	seq.s32 s7, s2  }
0x1e: {  	s7 =	smul.u32 @!p0 $0xF7A, s2;
	p2 =	seq.s32 @!p0 s5, $0x0  }
0x1f: {  	s9 =	smul.u32 $0xF7A, s1;
	s8 =	simm.s32 @!p0 $0x1BF5;
	p2 =	por !p2, p0  }
0x20: {  	[sflag:s8] =	ssyncset.s32 @!p0 $0xFFFFF086;
	s6 =	sadd.s32 @!p0 s3, s7;
	s7 =	simm.s32 @!p0 $0x108  }
0x21: {  	s3 =	sadd.s32 s3, s9;
	s6 =	sadd.s32 @!p0 $0x88, s6;
	s7 =	simm.s32 @p2 $0x1082  }
0x22: {  	[simem:s7], [sflag:s8] =	dma.local @!p0 [hbm:s6], $0xF7A  }
0x23: {  	s9 =	sor.u32 $0xD0000000, s2;
	s6 =	simm.s32 $0x108;
	_ =	swait.ge @!p0 [sflag:s8], $0x0  }
0x24: {  	s3 =	sadd.s32 $0x88, s3;
	s6 =	simm.s32 @!p1 $0x1082;
	[sflag:s4] =	ssyncset.s32 $0xFFFFF086  }
0x25: {  	[simem:s6], [sflag:s4] =	dma.local [hbm:s3], $0xF7A  }
0x26: {  	[smem:$0x3F8F] =	sst s1;
	(tag) =	ssettag s2;
	_ =	strace s9  }
0x27: {  	s1 =	sld [smem:$0x3F9F]  }
0x28: {  	s2 =	sld [smem:$0x3FA0]  }
0x29: {  	s4 =	sld [smem:$0x3FA2]  }
0x2a: {  	p0 =	seq.s32 s5, $0x0;
	s5 =	sld [smem:$0x3FA3]  }
0x2b: {  	s6 =	sld [smem:$0x3FA4]  }
0x2c: {  	s7 =	sld [smem:$0x3FA5]  }
0x2d: {  	s3 =	simm.s32 $0x108;
	s8 =	sld [smem:$0x3FA6]  }
0x2e: {  	s3 =	simm.s32 @!p0 $0x1082;
	s9 =	sld [smem:$0x3FA7]  }
0x2f: {  	lr =	sadd.s32 s0, s3;
	s0 =	sld [smem:$0x3F9E]  }
0x30: {  	s3 =	sld [smem:$0x3FA1]  }
0x31: {  	[smem:$0x3FAA] =	sst s10  }
0x32: {  	s10 =	sld [smem:$0x3FA8];
	_ =	sdelay $0x3  }
0x33: {  	p0 =	seq.s32 s10, $0x1;
	s10 =	sld [smem:$0x3FAA];
	_ =	sdelay $0x3  }
0x34: {  	[smem:$0x3FAA] =	sst s10  }
0x35: {  	s10 =	sld [smem:$0x3FA9];
	_ =	sdelay $0x3  }
0x36: {  	p1 =	seq.s32 s10, $0x1;
	s10 =	sld [smem:$0x3FAA];
	_ =	sdelay $0x3  }
0x37: {  	[smem:$0x3FAA] =	sst s10  }
0x38: {  	s10 =	sld [smem:$0x3FAB]  }
0x39: {  	_ = 	snop;
	(pc) =	sbr.ind lr, $3  }
0x3a: {  	_ = 	snop  }
0x3b: {  	_ = 	snop  }
0x3c: {  	p2 =	seq.s32 s10, $0x1;
	s10 =	sld [smem:$0x3FAA]  }
0x3d: {  	_ =	shalt  }
0x3e: {  	_ =	shalt  }
0x3f: {  	_ =	shalt  }
0x40: {  	_ =	shalt  }
0x41: {  	_ =	shalt  }
0x42: {  	_ =	shalt  }
0x43: {  	_ =	shalt  }
0x44: {  	_ =	shalt  }
0x45: {  	_ =	shalt  }
0x46: {  	_ =	shalt  }
0x47: {  	_ =	shalt  }
0x48: {  	_ =	shalt  }
0x49: {  	_ =	shalt  }
0x4a: {  	_ =	shalt  }
0x4b: {  	_ =	shalt  }
0x4c: {  	_ =	shalt  }
0x4d: {  	_ =	shalt  }
0x4e: {  	_ =	shalt  }
0x4f: {  	_ =	shalt  }
0x50: {  	_ =	shalt  }
0x51: {  	_ =	shalt  }
0x52: {  	_ =	shalt  }
0x53: {  	_ =	shalt  }
0x54: {  	_ =	shalt  }
0x55: {  	_ =	shalt  }
0x56: {  	_ =	shalt  }
0x57: {  	_ =	shalt  }
0x58: {  	_ =	shalt  }
0x59: {  	_ =	shalt  }
0x5a: {  	_ =	shalt  }
0x5b: {  	_ =	shalt  }
0x5c: {  	_ =	shalt  }
0x5d: {  	_ =	shalt  }
0x5e: {  	_ =	shalt  }
0x5f: {  	_ =	shalt  }
0x60: {  	_ =	shalt  }
0x61: {  	_ =	shalt  }
0x62: {  	_ =	shalt  }
0x63: {  	_ =	shalt  }
0x64: {  	_ =	shalt  }
0x65: {  	_ =	shalt  }
0x66: {  	_ =	shalt  }
0x67: {  	_ =	shalt  }
0x68: {  	_ =	shalt  }
0x69: {  	_ =	shalt  }
0x6a: {  	_ =	shalt  }
0x6b: {  	_ =	shalt  }
0x6c: {  	_ =	shalt  }
0x6d: {  	_ =	shalt  }
0x6e: {  	_ =	shalt  }
0x6f: {  	_ =	shalt  }
0x70: {  	_ =	shalt  }
0x71: {  	_ =	shalt  }
0x72: {  	_ =	shalt  }
0x73: {  	_ =	shalt  }
0x74: {  	_ =	shalt  }
0x75: {  	_ =	shalt  }
0x76: {  	_ =	shalt  }
0x77: {  	_ =	shalt  }
0x78: {  	_ =	shalt  }
0x79: {  	_ =	shalt  }
0x7a: {  	_ =	shalt  }
0x7b: {  	_ =	shalt  }
0x7c: {  	_ =	shalt  }
0x7d: {  	_ =	shalt  }
0x7e: {  	_ =	shalt  }
0x7f: {  	_ =	shalt  }
0x80: {  	_ =	shalt  }
0x81: {  	_ =	shalt  }
0x82: {  	_ =	shalt  }
0x83: {  	_ =	shalt  }
0x84: {  	_ =	shalt  }
0x85: {  	_ =	shalt  }
0x86: {  	_ =	shalt  }
0x87: {  	_ =	shalt  }
.Lfunc_end0:
.L_simem_size_0:
called_computation_lowered:
.L_overlay_start_0:
0x88: {  	s2 =	sld [smem:$0x3FD9]  }
0x89: {  	s3 =	sld [smem:$0x3FFE];
	_ =	sdelay $0x1  }
0x8a: {  	s1 =	srdreg.scid  }
0x8b: {  	s0 =	sand.u32 $0x1, s1  }
0x8c: {  	s16 =	sshll.u32 s0, $0xA;
	s2 =	sadd.s32 s3, s2  }
0x8d: {  	s2 =	sadd.s32 s2, s16  }
0x8e: {  	[smem:$0x3FB6] =	sst s2  }
0x8f: {  	_ = 	snop  }
0x90: {  	(tm) =	ssettm $0x1  }
0x91: {  	s17 =	sld [smem:$0x3FFB];
	_ =	sdelay $0x3  }
0x92: {  	_ =	strace s17  }
0x93: {  	s2 =	sld [smem:$0x3FFC];
	_ =	sdelay $0x3  }
0x94: {  	_ =	strace s2  }
0x95: {  	s2 =	sld [smem:$0x3FFD];
	_ =	sdelay $0x3  }
0x96: {  	_ =	strace s2  }
0x97: {  	_ =	strace $0x8FFFFFFF  }
0x98: {  	s18 =	sld [smem:$0x3FDB];
	_ =	sdelay $0x1  }
0x99: {  	s19 =	simm.s32 $_scs_section_size  }
0x9a: {  	s4 =	simm.s32 $_size__tile_overlayer_lowered;
	s5 =	simm.s32 $_tile_overlayer_lowered  }
0x9b: {  	s22 =	simm.s32 $0x1BFF;
	s21 =	sshll.u32 s5, $0x1;
	s2 =	sadd.s32 s19, s18  }
0x9c: {  	s6 =	simm.s32 $0x0;
	s20 =	sshll.u32 s4, $0x1;
	s4 =	sadd.s32 s21, s2  }
0x9d: {  	[timem:s6], [sflag:s22] =	dma.local [hbm:s4], s20  }
0x9e: {  	_ =	swait.ge [sflag:s22], s20  }
0x9f: {  	s3 =	ssub.s32 $0x0, s20;
	[sflag:s22] =	ssyncset.done $0x0  }
0xa0: {  	[sflag:s22] =	ssyncadd.s32 s3;
	_ =	sdelay $0x1  }
0xa1: {  	s23 =	simm.s32 $0x1B8B  }
0xa2: {  	_ =	swait.ge [sflag:s23], $0x1  }
0xa3: {  	[sflag:s23] =	ssyncset.done $0x0  }
0xa4: {  	s25 =	simm.s32 $0x1B8E;
	s24 =	sld [smem:$0x3FFE];
	[sflag:s23] =	ssyncadd.s32 $0xFFFFFFFF  }
0xa5: {  	s26 =	simm.s32 $execute0_lowered;
	[smem:$0x3FD2] =	sst s25  }
0xa6: {  	s4 =	sshll.u32 s26, $0x1;
	_ =	strace $0x80000046;
	[dreg:$0x1] =	wrdreg $0xFFFFFFFF  }
0xa7: {  	s28 =	simm.s32 $_size_execute0_lowered;
	s2 =	sadd.s32 s2, s4;
	[dreg:$0x0] =	wrdreg $0x0  }
0xa8: {  	s4 =	sshll.u32 s28, $0x1;
	[dreg:$0x2] =	wrdreg s2  }
0xa9: {  	[dreg:$0x3] =	wrdreg s4  }
0xaa: {  	[dreg:$0x4] =	wrdreg $0xC0  }
0xab: {  	_ =	task [dreg:s6], $0x5FFFF  }
0xac: {  	[dreg:$0x1] =	wrdreg $0xFFFFFFFF  }
0xad: {  	[dreg:$0x0] =	wrdreg $0x60  }
0xae: {  	[dreg:$0x2] =	wrdreg s24  }
0xaf: {  	[dreg:$0x3] =	wrdreg $0xFE000  }
0xb0: {  	[dreg:$0x4] =	wrdreg $0x9  }
0xb1: {  	_ =	task.clear_ibuf [dreg:s6], $0x5FFFF;
	_ =	strace $0x90000046  }
0xb2: {  	s29 =	simm.s32 $0x9;
	_ =	strace $0x80000048  }
0xb3: {  	_ =	swait.ge [sflag:s29], $0x1  }
0xb4: {  	[sflag:s29] =	ssyncadd.s32 $0xFFFFFFFF  }
0xb5: {  	_ =	strace $0x90000048  }
0xb6: {  	_ =	sfence  }
0xb7: {  	s30 =	sld [smem:$0x0];
	_ =	sdelay $0x2  }
0xb8: {  	s31 =	sshll.u32 s1, $0xD;
	s1 =	sshrl.u32 s1, $0x2  }
0xb9: {  	s3 =	sand.u32 $0x4000, s31;
	s1 =	sadd.s32 s1, s30  }
0xba: {  	s0 =	sor.u32 s3, s0;
	s1 =	sshll.u32 s1, $0x11  }
0xbb: {  	s0 =	sor.u32 s1, s0  }
0xbc: {  	s0 =	sadd.s32 $0x8F2B, s0  }
0xbd: {  	[sflag:s0] =	ssyncadd.remote.s32 $0x1  }
0xbe: {  	_ =	sfence.sel $0xFFFF  }
0xbf: {  	[dreg:$0x0] =	wrdreg $0xFFFFFFFF;
	(pc) =	sbr.abs _section_cstart, $3  }
0xc0: {  	[dreg:$0x1] =	wrdreg $0xFFFFFFFF  }
0xc1: {  	_ =	task.clear_ibuf [dreg:s6], $0x2FFFF;
	_ =	strace $0x9FFFFFFF  }
0xc2: {  	(tm) =	ssettm $0x7FFFFFFF  }
0xc3: {  	_ =	shalt  }
tec
execute0_lowered:
.L_overlay_start_1:
0x0: {  	(tag) =	ssettag $0x1  }
0x1: {  	s0 =	rddreg [dreg:$0x0]  }
0x2: {  	s2 =	rddreg [dreg:$0x1]  }
0x3: {  	s1 =	srdreg.scid;
	s13 =	stileid.u32;
	s4 =	simm.s32 $0x0  }
0x4: {  	s14 =	simm.s32 $0xE;
	s15 =	simm.s32 $0x80;
	s28 =	simm.s32 $0xB  }
0x5: {  	s29 =	simm.s32 $0xC;
	s30 =	simm.s32 $0x0;
	s3 =	smul.u32 $0x4F00, s13  }
0x6: {  	s1 =	sand.u32 $0x1, s1;
	[smem:$0x7FF] =	sst s4;
	s21 =	smul.u32 $0x4D, s13  }
0x7: {  	s4 =	sadd.s32 $0x17400, s0;
	s8 =	sadd.s32 $0x3A00, s0;
	s9 =	smul.u32 $0x4E, s13  }
0x8: {  	p1 =	sgt.u32 s13, $0x3;
	s5 =	smul.u32 $0x4F000, s1;
	s6 =	ssub.s32 $0x2, s1  }
0x9: {  	s10 =	smax.u32 s13, $0x8;
	_ =	strace $0x80000047;
	s7 =	sshrl.u32 s6, $0x1  }
0xa: {  	p0 =	seq.s32 s1, $0x0;
	s5 =	sadd.s32 s3, s5;
	s12 =	ssub.s32 s6, s7  }
0xb: {  	s6 =	simm.s32 $0x4F;
	s7 =	sadd.s32 s21, s10;
	s10 =	sadd.s32 s3, s2  }
0xc: {  	s5 =	sshrl.u32 s5, $0x3;
	s6 =	simm.s32 @!p1 $0x4E;
	p1 =	sgt.u32 s13, $0x7  }
0xd: {  	s13 =	smax.u32 s13, $0x4;
	s22 =	sshll.u32 s7, $0x4;
	s12 =	smax.u32 s12, $0x1  }
0xe: {  	s11 =	sadd.s32 s5, s0;
	s5 =	simm.s32 $0x4E;
	s9 =	sadd.s32 s9, s13  }
0xf: {  	s24 =	sadd.s32 $0xFFFFFF80, s22;
	s0 =	sadd.s32 $0xD640, s0;
	s13 =	simm.s32 $0xAF00  }
0x10: {  	s5 =	simm.s32 @!p1 $0x4D;
	s23 =	sshll.u32 s9, $0x4;
	s26 =	sadd.s32 s24, s0  }
0x11: {  	s11 =	sadd.s32 $0x21200, s11;
	s5 =	smov.u32 @p0 s6;
	s25 =	sadd.s32 $0x4D40, s23  }
0x12: {  	s6 =	sadd.s32 s8, s24;
	[dreg:$0x5] =	wrdreg s26;
	p0 =	sne.s32 s1, $0x0  }
0x13: {  	s23 =	simm.s32 $0x7;
	s24 =	simm.s32 $0x8;
	s26 =	simm.s32 $0xA  }
0x14: {  	[dreg:$0x4] =	wrdreg s6;
	s8 =	sadd.s32 s8, s25;
	s31 =	sshll.u32 s5, $0x2  }
0x15: {  	v0 =	vimm.f32 $0.0e+00;
	s9 =	sadd.s32 s25, s0;
	s25 =	simm.s32 $0x9;
	[dreg:$0x3] =	wrdreg s31  }
.LBB2_1:
0x16: {  	s0 =	simm.s32 @p0 $0x0;
	s1 =	rddreg [dreg:$0x4]  }
0x17: {  	[tilespmem:s0], [sflag:$0xD] =	stream.linear.gather @p0 [hbm4b:s1+s0], $0x2700, $0x38;
	[tilespmem:$0x14D00] =	vst v63  }
0x18: {  	s3 =	rddreg [dreg:$0x5];
	s1 =	simm.s32 @p0 $0x2780  }
0x19: {  	[tilespmem:s1], [sflag:$0xD] =	stream.linear.gather @p0 [hbm4b:s3+s0], $0x2700, $0x38;
	[tilespmem:$0x14D00] =	vst v63  }
0x1a: {  	s0 =	simm.s32 @!p0 $0x0  }
0x1b: {  	[tilespmem:s0], [sflag:$0xD] =	stream.linear.gather @!p0 [hbm4b:s8+s0], $0x2780, $0x38;
	[tilespmem:$0x14D00] =	vst v63  }
0x1c: {  	s1 =	simm.s32 @!p0 $0x2780  }
0x1d: {  	[tilespmem:s1], [sflag:$0xD] =	stream.linear.gather @!p0 [hbm4b:s9+s0], $0x2780, $0x38;
	[tilespmem:$0x14D00] =	vst v63  }
0x1e: {  	s0 =	simm.s32 $0x80;
	s1 =	simm.s32 $0x0  }
.LBB2_2:
0x1f: {  	p1 =	sne.s32 s0, $0x13B80;
	[tilespmem:s1+$0xAF00] =	vst v0;
	s3 =	smov.u32 s0;
	s0 =	sadd.s32 $0x80, s0  }
.Ltmp0:
0x20: {  	[tilespmem:s1+$0xAF10] =	vst v0;
	(pc) =	sbr.rel @p1 .LBB2_2-.Ltmp0, $2  }
0x21: {  	_ =	sdelay $0x2  }
0x22: {  	s1 =	sshra.s32 s3, $0x2  }
0x23: {  	[tilespmem:s1+$0xAF00] =	vst v0  }
0x24: {  	[tilespmem:s1+$0xAF10] =	vst v0  }
0x25: {  	[spmem:s10] =	stream.linear.scatter [tilespmem:s13], [sflag:$0xE], $0x4F00, $0x38;
	[tilespmem:$0x14D00] =	vst v63  }
0x26: {  	_ =	swait.ge [sflag:s14], $0x4F00  }
0x27: {  	[sflag:s14] =	ssyncset.done $0x0  }
0x28: {  	s0 =	simm.s32 @p0 $0xD;
	[sflag:s14] =	ssyncadd.s32 $0xFFFFB100  }
0x29: {  	_ =	swait.ge @p0 [sflag:s0], $0x2700  }
0x2a: {  	[sflag:s0] =	ssyncset.done @p0 $0x0  }
0x2b: {  	[sflag:s0] =	ssyncadd.s32 @p0 $0xFFFFD900  }
0x2c: {  	_ =	swait.ge @p0 [sflag:s0], $0x2700  }
0x2d: {  	[sflag:s0] =	ssyncset.done @p0 $0x0  }
0x2e: {  	[sflag:s0] =	ssyncadd.s32 @p0 $0xFFFFD900;
	s0 =	simm.s32 @!p0 $0xD  }
0x2f: {  	_ =	swait.ge @!p0 [sflag:s0], $0x2780  }
0x30: {  	[sflag:s0] =	ssyncset.done @!p0 $0x0  }
0x31: {  	[sflag:s0] =	ssyncadd.s32 @!p0 $0xFFFFD880  }
0x32: {  	_ =	swait.ge @!p0 [sflag:s0], $0x2780  }
0x33: {  	[sflag:s0] =	ssyncset.done @!p0 $0x0  }
0x34: {  	[sflag:s0] =	ssyncadd.s32 @!p0 $0xFFFFD880  }
0x35: {  	s31 =	simm.s32 $0x0;
	s0 =	simm.s32 $0x4F00;
	[bflag:$0x0] =	sbarrier.arrive $0xFFFF  }
0x36: {  	[tilespmem:s0], [sflag:$0x1] =	stream.indirect.gather [hbm4b:s4+s15], $0x20, s31, s15, $0xb8;
	[tilespmem:$0x14D00] =	vst v63  }
0x37: {  	s17 =	simm.s32 $0x5F00;
	s18 =	simm.s32 $0x100;
	s3 =	simm.s32 $0x6F00  }
0x38: {  	[tilespmem:s17], [sflag:$0x2] =	stream.indirect.gather [hbm4b:s4+s15], $0x20, s15, s15, $0xb8;
	[tilespmem:$0x14D00] =	vst v63  }
0x39: {  	s19 =	simm.s32 $0x180;
	s20 =	simm.s32 $0x7F00;
	s21 =	simm.s32 $0x200  }
0x3a: {  	[tilespmem:s3], [sflag:$0x3] =	stream.indirect.gather [hbm4b:s4+s15], $0x20, s18, s15, $0xb8;
	[tilespmem:$0x14D00] =	vst v63  }
0x3b: {  	s22 =	simm.s32 $0x8F00;
	s1 =	simm.s32 $0x2780;
	s16 =	simm.s32 $0x9F00  }
0x3c: {  	[tilespmem:s20], [sflag:$0x4] =	stream.indirect.gather [hbm4b:s4+s15], $0x20, s19, s15, $0xb8;
	[tilespmem:$0x14D00] =	vst v63  }
0x3d: {  	s17 =	simm.s32 $0x280;
	s3 =	simm.s32 $0x5;
	s18 =	simm.s32 $0x0  }
0x3e: {  	[tilespmem:s22], [sflag:$0x5] =	stream.indirect.gather [hbm4b:s4+s15], $0x20, s21, s15, $0xb8;
	[tilespmem:$0x14D00] =	vst v63  }
.LBB2_4:
0x3f: {  	s19 =	smulhi.u32 $0xAAAAAAAB, s3;
	_ =	sdelay $0x1  }
0x40: {  	p1 =	sge.u32 s3, s5;
	s21 =	smulhi.u32 $0xAAAAAAAB, s18;
	s19 =	sshrl.u32 s19, $0x2  }
0x41: {  	p2 =	seq.s32 @!p1 s31, $0x0;
	s20 =	smul.u32 $0xFFFFFFE8, s19  }
0x42: {  	p2 =	por p2, p1  }
0x43: {  	s21 =	sshrl.u32 s21, $0x2;
	s19 =	smul.u32 $0xFFFE8000, s19;
	s20 =	sshra.s32 s20, $0x2  }
0x44: {  	s6 =	sshra.s32 @!p2 s31, $0x2;
	s7 =	smul.u32 $0xFFFFFFE8, s21;
	s22 =	sadd.s32 $0xC, s20  }
0x45: {  	s19 =	sshra.s32 s19, $0x2;
	s6 =	sadd.s32 @!p2 s6, s22  }
0x46: {  	s7 =	sshra.s32 s7, $0x2;
	s20 =	sadd.s32 $0x6, s20;
	_ =	swait.ge @!p2 [sflag:s6], $0x1000  }
0x47: {  	s19 =	sadd.s32 s19, s16;
	s22 =	sshra.s32 @!p1 s31, $0x2;
	[sflag:s6] =	ssyncset.done @!p2 $0x0  }
0x48: {  	[sflag:s6] =	ssyncadd.s32 @!p2 $0xFFFFF000;
	s6 =	sadd.s32 @!p1 s22, s20;
	s20 =	simm.s32 @!p1 $0x80  }
0x49: {  	[tilespmem:s19], [sflag:s6] =	stream.indirect.gather @!p1 [hbm4b:s4+s20], $0x20, s17, s20, $0xb8;
	[tilespmem:$0x14D00] =	vst v63  }
0x4a: {  	s22 =	sshra.s32 s31, $0x2;
	s20 =	sor.u32 $0x1, s7  }
0x4b: {  	s21 =	smul.u32 $0xFFFE8000, s21;
	s6 =	sadd.s32 s22, s20  }
0x4c: {  	s31 =	sadd.s32 $0x4, s31;
	s7 =	sadd.s32 $0x7, s7;
	_ =	swait.ge [sflag:s6], $0x1000  }
0x4d: {  	s19 =	sshra.s32 s21, $0x2;
	s21 =	sadd.s32 s22, s7;
	s22 =	rddreg [dreg:$0x3]  }
0x4e: {  	p1 =	sne.s32 s22, s31  }
.Ltmp1:
0x4f: {  	_ = 	snop;
	(pc) =	sbr.rel @p1 .LBB2_4-.Ltmp1, $4  }
0x50: {  	s18 =	sadd.s32 $0x1, s18;
	s3 =	sadd.s32 $0x1, s3;
	[sflag:s6] =	ssyncset.done $0x0  }
0x51: {  	s16 =	sadd.s32 $0x1000, s16;
	s19 =	sadd.s32 s19, s0;
	[sflag:s6] =	ssyncadd.s32 $0xFFFFF000  }
0x52: {  	[spmem:s2] =	stream.indirect.scatter.add.f32 [tilespmem:s19], [sflag:s21], $0x20, s1, s15, $0xb8;
	[tilespmem:$0x14D00] =	vst v63  }
0x53: {  	s17 =	sadd.s32 $0x80, s17;
	s0 =	sadd.s32 $0x1000, s0;
	s1 =	sadd.s32 $0x80, s1  }
0x54: {  	_ =	swait.ge [sflag:s23], $0x1000  }
0x55: {  	[sflag:s23] =	ssyncset.done $0x0  }
0x56: {  	[sflag:s23] =	ssyncadd.s32 $0xFFFFF000  }
0x57: {  	_ =	swait.ge [sflag:s24], $0x1000  }
0x58: {  	[sflag:s24] =	ssyncset.done $0x0  }
0x59: {  	[sflag:s24] =	ssyncadd.s32 $0xFFFFF000  }
0x5a: {  	_ =	swait.ge [sflag:s25], $0x1000  }
0x5b: {  	[sflag:s25] =	ssyncset.done $0x0  }
0x5c: {  	[sflag:s25] =	ssyncadd.s32 $0xFFFFF000  }
0x5d: {  	_ =	swait.ge [sflag:s26], $0x1000  }
0x5e: {  	[sflag:s26] =	ssyncset.done $0x0  }
0x5f: {  	[sflag:s26] =	ssyncadd.s32 $0xFFFFF000  }
0x60: {  	_ =	swait.ge [sflag:s28], $0x1000  }
0x61: {  	[sflag:s28] =	ssyncset.done $0x0  }
0x62: {  	[sflag:s28] =	ssyncadd.s32 $0xFFFFF000  }
0x63: {  	_ =	swait.ge [sflag:s29], $0x1000  }
0x64: {  	[sflag:s29] =	ssyncset.done $0x0  }
0x65: {  	[sflag:s29] =	ssyncadd.s32 $0xFFFFF000  }
0x66: {  	[bflag:$0x0] =	sbarrier.arrive $0xFFFF  }
0x67: {  	[tilespmem:s13], [sflag:$0xE] =	stream.linear.gather [spmem:s10], $0x4F00, $0x38;
	[tilespmem:$0x14D00] =	vst v63  }
0x68: {  	s30 =	sadd.s32 $0x1, s30;
	_ =	swait.ge [sflag:s14], $0x4F00  }
0x69: {  	p1 =	sne.s32 s30, s12;
	[sflag:s14] =	ssyncset.done $0x0  }
.Ltmp2:
0x6a: {  	s0 =	simm.s32 $0x0;
	[sflag:s14] =	ssyncadd.s32 $0xFFFFB100;
	(pc) =	sbr.rel @p1 .LBB2_1-.Ltmp2, $4  }
0x6b: {  	[hbm4b:s11+s0] =	stream.linear.scatter [tilespmem:s13], [sflag:$0xE], $0x4F00, $0x38;
	[tilespmem:$0x14D00] =	vst v63  }
0x6c: {  	_ =	swait.ge [sflag:s14], $0x4F00  }
0x6d: {  	[sflag:s14] =	ssyncset.done $0x0  }
0x6e: {  	[sflag:s14] =	ssyncadd.s32 $0xFFFFB100  }
0x6f: {  	_ =	sfence.sel $0x180000  }
0x70: {  	[bflag:$0x0] =	sbarrier.arrive $0xFFFF  }
0x71: {  	_ =	strace $0x90000047  }
0x72: {  	s0 =	stileid.u32;
	[bflag:$0x2] =	sbarrier.arrive $0xFFFF  }
0x73: {  	p0 =	sne.s32 s0, $0x0;
	s0 =	rddreg [dreg:$0x2]  }
0x74: {  	s0 =	sadd.s32 @!p0 $0x100000, s0  }
0x75: {  	[sflag:s0] =	ssyncadd.tile.s32 @!p0 $0x1;
	_ =	shalt  }
.Lfunc_end2:
_tile_overlayer_lowered:
.L_overlay_start_2:
0x76: {  	(tag) =	ssettag $0x2  }
0x77: {  	s0 =	rddreg [dreg:$0x0];
	s2 =	stileid.u32  }
0x78: {  	s1 =	rddreg [dreg:$0x1];
	p0 =	sne.s32 s2, $0x0  }
0x79: {  	s3 =	rddreg [dreg:$0x2];
	[bflag:$0x3] =	sbarrier.arrive $0xFFFF;
	s2 =	simm.s32 @!p0 $0x1C0E  }
0x7a: {  	[timem:s3], [sflag:s2] =	dma.local @!p0 [hbm:s0], s1  }
0x7b: {  	s0 =	simm.s32 @!p0 $0xE  }
0x7c: {  	_ =	swait.ge @!p0 [sflag:s0], s1  }
0x7d: {  	s1 =	ssub.s32 @!p0 $0x0, s1;
	[sflag:s0] =	ssyncset.done @!p0 $0x0  }
0x7e: {  	[sflag:s0] =	ssyncadd.s32 @!p0 s1  }
0x7f: {  	[bflag:$0x3] =	sbarrier.arrive $0xFFFF  }
0x80: {  	_ =	shalt  }

</sc_bundles>
